<compile_context>
chip_gen: v7x
topology: tpu7x:2x2x1
jax: 0.10.2.dev20260603
libtpu: 0.0.44.dev20260713+nightly
codegen_flags: <defaults>
</compile_context>

<pallas_src>
import functools

import jax
import jax.numpy as jnp
from jax import lax
from jax.experimental import pallas as pl
from jax.experimental.pallas import tpu as pltpu
from jax.experimental.pallas import tpu_sc as plsc

N = 10000
E = 320000
D = 128
H = 128
C = 6

FT = 4
CE = 6400
NCH = E // CE
GP = CE // 16
ES = E // 16

_mesh = plsc.VectorSubcoreMesh(core_axis_name="c", subcore_axis_name="s")



@functools.partial(
    pl.kernel,
    mesh=_mesh,
    compiler_params=pltpu.CompilerParams(needs_layout_passes=False, use_tc_tiling_on_sc=False, disable_bounds_checks=True),
    out_type=jax.ShapeDtypeStruct((H, N), jnp.float32),
    scratch_types=(
        [pltpu.VMEM((N,), jnp.int32) for _ in range(2)]
        + [pltpu.VMEM((N,), jnp.float32) for _ in range(FT)]
        + [
            pltpu.VMEM((CE,), jnp.int32),
            pltpu.VMEM((CE,), jnp.int32),
            pltpu.SemaphoreType.DMA,
            pltpu.SemaphoreType.DMA,
            pltpu.SemaphoreType.DMA,
        ]
    ),
)
def _agg_h(hp, pe, out, h0, h1, a0, a1, a2, a3, eb0, eb1, s0, s1, st):
    hb = (h0, h1)
    ac = (a0, a1, a2, a3)
    wid = lax.axis_index("c") * 16 + lax.axis_index("s")
    base = wid * FT

    pltpu.async_copy(pe.at[pl.ds(0, CE)], eb0, s0)
    pltpu.async_copy(pe.at[pl.ds(CE, CE)], eb1, s1)
    c0 = pltpu.async_copy(hp.at[2 * wid], h0, st)
    c1 = pltpu.async_copy(hp.at[2 * wid + 1], h1, st)

    @plsc.parallel_loop(0, N // 16, unroll=8)
    def _zero(j):
        z = jnp.zeros((16,), jnp.float32)
        for f in range(FT):
            ac[f][pl.ds(j * 16, 16)] = z

    c0.wait()
    c1.wait()

    def process(eb):
        @plsc.parallel_loop(0, GP, unroll=8)
        def _gather_scatter(g):
            pe16 = eb[pl.ds(g * 16, 16)]
            src = lax.shift_right_logical(pe16, 16)
            dst = jnp.bitwise_and(pe16, jnp.int32(0xFFFF))
            for p in range(2):
                v = plsc.load_gather(hb[p], [src])
                lo = plsc.bitcast(lax.shift_left(v, 16), jnp.float32)
                hi = plsc.bitcast(
                    jnp.bitwise_and(v, jnp.int32(-65536)), jnp.float32)
                plsc.addupdate_scatter(ac[2 * p], [dst], lo)
                plsc.addupdate_scatter(ac[2 * p + 1], [dst], hi)

    def outer(i, _):
        c = 2 * i
        pltpu.make_async_copy(pe.at[pl.ds(0, CE)], eb0, s0).wait()
        process(eb0)

        @pl.when(c + 2 < NCH)
        def _():
            pltpu.async_copy(pe.at[pl.ds((c + 2) * CE, CE)], eb0, s0)

        pltpu.make_async_copy(pe.at[pl.ds(0, CE)], eb1, s1).wait()
        process(eb1)

        @pl.when(c + 3 < NCH)
        def _():
            pltpu.async_copy(pe.at[pl.ds((c + 3) * CE, CE)], eb1, s1)

        return 0

    lax.fori_loop(0, NCH // 2, outer, 0)
    wb = [pltpu.async_copy(ac[f], out.at[base + f], st) for f in range(FT)]
    for w in wb:
        w.wait()


@functools.partial(
    pl.kernel,
    mesh=_mesh,
    compiler_params=pltpu.CompilerParams(needs_layout_passes=False, use_tc_tiling_on_sc=False, disable_bounds_checks=True),
    out_type=jax.ShapeDtypeStruct((32, 3, N), jnp.float32),
    scratch_types=(
        [pltpu.VMEM((N,), jnp.float32) for _ in range(3)]
        + [pltpu.VMEM((N,), jnp.float32) for _ in range(3)]
        + [pltpu.VMEM((ES,), jnp.int32), pltpu.SemaphoreType.DMA]
    ),
)
def _agg_out(h3t, pe, out, h0, h1, h2, a0, a1, a2, eb, st):
    hb = (h0, h1, h2)
    ac = (a0, a1, a2)
    wid = lax.axis_index("c") * 16 + lax.axis_index("s")
    grp = wid // 16
    slot = wid % 16

    cs = [pltpu.async_copy(pe.at[pl.ds(slot * ES, ES)], eb, st)]
    cs += [pltpu.async_copy(h3t.at[grp * 3 + f], hb[f], st) for f in range(3)]

    @plsc.parallel_loop(0, N // 16, unroll=8)
    def _zero(j):
        z = jnp.zeros((16,), jnp.float32)
        for f in range(3):
            ac[f][pl.ds(j * 16, 16)] = z

    for c in cs:
        c.wait()

    @plsc.parallel_loop(0, ES // 16, unroll=8)
    def _gather_scatter(g):
        pe16 = eb[pl.ds(g * 16, 16)]
        src = lax.shift_right_logical(pe16, 16)
        dst = jnp.bitwise_and(pe16, jnp.int32(0xFFFF))
        for f in range(3):
            vals = plsc.load_gather(hb[f], [src])
            plsc.addupdate_scatter(ac[f], [dst], vals)

    wb = [pltpu.async_copy(ac[f], out.at[wid, f], st) for f in range(3)]
    for w in wb:
        w.wait()



def _pack_pairs(ye, yo):
    ue = lax.bitcast_convert_type(
        ye.astype(jnp.bfloat16), jnp.uint16).astype(jnp.uint32)
    uo = lax.bitcast_convert_type(
        yo.astype(jnp.bfloat16), jnp.uint16).astype(jnp.uint32)
    return lax.bitcast_convert_type(
        jnp.bitwise_or(ue, lax.shift_left(uo, jnp.uint32(16))), jnp.int32)


def _mm1_pack_body(e_ref, x_ref, we_ref, wo_ref, pe_ref, o_ref):
    pe_ref[...] = jnp.bitwise_or(
        lax.shift_left(e_ref[0, :], 16), e_ref[1, :])
    dims = (((0,), (1,)), ((), ()))
    ye = lax.dot_general(we_ref[...], x_ref[...], dims,
                         preferred_element_type=jnp.float32)
    yo = lax.dot_general(wo_ref[...], x_ref[...], dims,
                         preferred_element_type=jnp.float32)
    o_ref[...] = _pack_pairs(ye, yo)


def _mm1_pack(edge_index, x, we, wo):
    return pl.pallas_call(
        _mm1_pack_body,
        out_shape=(jax.ShapeDtypeStruct((E,), jnp.int32),
                   jax.ShapeDtypeStruct((H // 2, N), jnp.int32)),
    )(edge_index, x, we, wo)


def _mm_t_body(h_ref, w_ref, o_ref):
    o_ref[...] = lax.dot_general(
        w_ref[...], h_ref[...], (((0,), (0,)), ((), ())),
        preferred_element_type=jnp.float32)


def _mm_t(ht, w):
    do = w.shape[1]
    return pl.pallas_call(
        _mm_t_body,
        out_shape=jax.ShapeDtypeStruct((do, N), jnp.float32),
    )(ht, w)


def _mm_t_pack_body(h_ref, we_ref, wo_ref, o_ref):
    dims = (((0,), (0,)), ((), ()))
    ye = lax.dot_general(we_ref[...], h_ref[...], dims,
                         preferred_element_type=jnp.float32)
    yo = lax.dot_general(wo_ref[...], h_ref[...], dims,
                         preferred_element_type=jnp.float32)
    o_ref[...] = _pack_pairs(ye, yo)


def _mm_t_pack(ht, we, wo):
    do2 = we.shape[1]
    return pl.pallas_call(
        _mm_t_pack_body,
        out_shape=jax.ShapeDtypeStruct((do2, N), jnp.int32),
    )(ht, we, wo)


def _comb_body(p_ref, o_ref):
    p = p_ref[...]
    s0 = jnp.sum(p[0:16], axis=0)
    s1 = jnp.sum(p[16:32], axis=0)
    s6 = jnp.concatenate([s0, s1], axis=0)
    i6 = (lax.broadcasted_iota(jnp.int32, (C, C), 0)
          == lax.broadcasted_iota(jnp.int32, (C, C), 1)).astype(jnp.float32)
    o_ref[...] = lax.dot_general(
        s6, i6, (((0,), (0,)), ((), ())), preferred_element_type=jnp.float32)


def _combine(parts):
    return pl.pallas_call(
        _comb_body,
        out_shape=jax.ShapeDtypeStruct((N, C), jnp.float32),
    )(parts)


def kernel(x, edge_index, W1, W2, W3):
    pe, h1p = _mm1_pack(edge_index, x, W1[:, 0::2], W1[:, 1::2])
    a1t = _agg_h(h1p, pe)
    h2p = _mm_t_pack(a1t, W2[:, 0::2], W2[:, 1::2])
    a2t = _agg_h(h2p, pe)
    h3t = _mm_t(a2t, W3)
    parts = _agg_out(h3t, pe)
    return _combine(parts)

# --- scband reference (transcript-rebuilt; emitter-appended) ---
"""Pipeline reference for scband-gcn-18030272708828 (READ-ONLY COPY).

The authoritative reference and input builder live on the scoring server;
editing this copy changes nothing except your own understanding.
"""

import jax, jax.numpy as jnp
import numpy as np

N = 10000
E = 320000
D = 128
H = 128
C = 6


def setup_inputs(seed: int = 0) -> dict:
    key = jax.random.key(seed)
    k1, k2, k3, k4, k5 = jax.random.split(key, 5)
    x = jax.random.normal(k1, (N, D), dtype=jnp.float32)
    edge_index = jax.random.randint(k2, (2, E), 0, N, dtype=jnp.int32)
    # Dense(use_bias=False) kernels for the three GraphConv layers
    W1 = jax.random.normal(k3, (D, H), dtype=jnp.float32) * 0.05
    W2 = jax.random.normal(k4, (H, H), dtype=jnp.float32) * 0.05
    W3 = jax.random.normal(k5, (H, C), dtype=jnp.float32) * 0.05
    return {"x": x, "edge_index": edge_index, "W1": W1, "W2": W2, "W3": W3}


def reference(x, edge_index, W1, W2, W3):
    # GCN.call: three GraphConv layers, each = Dense(no bias) then
    # copy_src -> sum aggregation (message passing: h_dst = sum over incoming edges of h_src)
    src = edge_index[0]
    dst = edge_index[1]
    n = x.shape[0]

    def graph_conv(h, W):
        h = h @ W                              # Dense, no bias
        m = jnp.take(h, src, axis=0)           # copy_src: gather messages from source nodes
        return jax.ops.segment_sum(m, dst, num_segments=n)  # sum reduce onto destination nodes

    h = graph_conv(x, W1)   # input_layer
    h = graph_conv(h, W2)   # hidden_layer
    h = graph_conv(h, W3)   # output_layer
    return h

if __name__ == "__main__":
    import jax
    _d = setup_inputs()
    print(jax.jit(kernel)(*tuple(_d.values())))

</pallas_src>

<mosaic_0001>
#map = affine_map<(d0, d1) -> (0, 0)>
#map1 = affine_map<(d0, d1) -> (0)>
module attributes {stable_mosaic.version = 14 : i64} {
  func.func @_agg_h(%arg0: i32, %arg1: i32, %arg2: memref<64x10000xi32, #tpu.memory_space<hbm>>, %arg3: memref<320000xi32, #tpu.memory_space<hbm>>, %arg4: memref<128x10000xf32, #tpu.memory_space<hbm>>, %arg5: memref<10000xi32, #tpu.memory_space<vmem>>, %arg6: memref<10000xi32, #tpu.memory_space<vmem>>, %arg7: memref<10000xf32, #tpu.memory_space<vmem>>, %arg8: memref<10000xf32, #tpu.memory_space<vmem>>, %arg9: memref<10000xf32, #tpu.memory_space<vmem>>, %arg10: memref<10000xf32, #tpu.memory_space<vmem>>, %arg11: memref<6400xi32, #tpu.memory_space<vmem>>, %arg12: memref<6400xi32, #tpu.memory_space<vmem>>, %arg13: memref<!tpu.dma_semaphore, #tpu.memory_space<semaphore_mem>>, %arg14: memref<!tpu.dma_semaphore, #tpu.memory_space<semaphore_mem>>, %arg15: memref<!tpu.dma_semaphore, #tpu.memory_space<semaphore_mem>>) attributes {dimension_semantics = [#tpu.dimension_semantics<core_parallel>, #tpu.dimension_semantics<subcore_parallel>], iteration_bounds = array<i64: 2, 16>, scalar_prefetch = 0 : i64, scratch_operands = 11 : i64, tpu.core_type = #tpu.core_type<sc_vector_subcore>, window_params = [{transform_indices = #map}, {transform_indices = #map1}, {transform_indices = #map}]} {
    %mul3A = arith.constant 16 : i32
    %mul3A_0 = arith.muli %arg0, %mul3A : i32
    %add3A = arith.addi %mul3A_0, %arg1 : i32
    %mul3A_1 = arith.constant 4 : i32
    %mul3A_2 = arith.muli %add3A, %mul3A_1 : i32
    %dma_start3A = arith.constant 0 : i32
    %dma_start3A_3 = tpu.memref_slice %arg3[%dma_start3A] : memref<320000xi32, #tpu.memory_space<hbm>> -> memref<6400xi32, #tpu.memory_space<hbm>>
    %dma_start3A_4 = arith.constant 0 : i32
    %dma_start3A_5 = tpu.memref_slice %arg3[%dma_start3A_4] : memref<320000xi32, #tpu.memory_space<hbm>> -> memref<6400xi32, #tpu.memory_space<hbm>>
    tpu.enqueue_dma source(%dma_start3A_5 : memref<6400xi32, #tpu.memory_space<hbm>>) target(%arg11 : memref<6400xi32, #tpu.memory_space<vmem>>) target_semaphore(%arg13 : memref<!tpu.dma_semaphore, #tpu.memory_space<semaphore_mem>>)
    %dma_start3A_6 = arith.constant 6400 : i32
    %dma_start3A_7 = tpu.memref_slice %arg3[%dma_start3A_6] : memref<320000xi32, #tpu.memory_space<hbm>> -> memref<6400xi32, #tpu.memory_space<hbm>>
    %dma_start3A_8 = arith.constant 6400 : i32
    %dma_start3A_9 = tpu.memref_slice %arg3[%dma_start3A_8] : memref<320000xi32, #tpu.memory_space<hbm>> -> memref<6400xi32, #tpu.memory_space<hbm>>
    tpu.enqueue_dma source(%dma_start3A_9 : memref<6400xi32, #tpu.memory_space<hbm>>) target(%arg12 : memref<6400xi32, #tpu.memory_space<vmem>>) target_semaphore(%arg14 : memref<!tpu.dma_semaphore, #tpu.memory_space<semaphore_mem>>)
    %mul3A_10 = arith.constant 2 : i32
    %mul3A_11 = arith.muli %mul3A_10, %add3A : i32
    %dma_start3A_12 = arith.constant 0 : i32
    %dma_start3A_13 = tpu.memref_slice %arg2[%mul3A_11, %dma_start3A_12] : memref<64x10000xi32, #tpu.memory_space<hbm>> -> memref<1x10000xi32, #tpu.memory_space<hbm>>
    %dma_start3A_14 = tpu.memref_squeeze %dma_start3A_13 : memref<1x10000xi32, #tpu.memory_space<hbm>> -> memref<10000xi32, #tpu.memory_space<hbm>>
    %dma_start3A_15 = arith.constant 0 : i32
    %dma_start3A_16 = tpu.memref_slice %arg2[%mul3A_11, %dma_start3A_15] : memref<64x10000xi32, #tpu.memory_space<hbm>> -> memref<1x10000xi32, #tpu.memory_space<hbm>>
    %dma_start3A_17 = tpu.memref_squeeze %dma_start3A_16 : memref<1x10000xi32, #tpu.memory_space<hbm>> -> memref<10000xi32, #tpu.memory_space<hbm>>
    tpu.enqueue_dma source(%dma_start3A_17 : memref<10000xi32, #tpu.memory_space<hbm>>) target(%arg5 : memref<10000xi32, #tpu.memory_space<vmem>>) target_semaphore(%arg15 : memref<!tpu.dma_semaphore, #tpu.memory_space<semaphore_mem>>)
    %mul3A_18 = arith.constant 2 : i32
    %mul3A_19 = arith.muli %mul3A_18, %add3A : i32
    %add3A_20 = arith.constant 1 : i32
    %add3A_21 = arith.addi %mul3A_19, %add3A_20 : i32
    %dma_start3A_22 = arith.constant 0 : i32
    %dma_start3A_23 = tpu.memref_slice %arg2[%add3A_21, %dma_start3A_22] : memref<64x10000xi32, #tpu.memory_space<hbm>> -> memref<1x10000xi32, #tpu.memory_space<hbm>>
    %dma_start3A_24 = tpu.memref_squeeze %dma_start3A_23 : memref<1x10000xi32, #tpu.memory_space<hbm>> -> memref<10000xi32, #tpu.memory_space<hbm>>
    %dma_start3A_25 = arith.constant 0 : i32
    %dma_start3A_26 = tpu.memref_slice %arg2[%add3A_21, %dma_start3A_25] : memref<64x10000xi32, #tpu.memory_space<hbm>> -> memref<1x10000xi32, #tpu.memory_space<hbm>>
    %dma_start3A_27 = tpu.memref_squeeze %dma_start3A_26 : memref<1x10000xi32, #tpu.memory_space<hbm>> -> memref<10000xi32, #tpu.memory_space<hbm>>
    tpu.enqueue_dma source(%dma_start3A_27 : memref<10000xi32, #tpu.memory_space<hbm>>) target(%arg6 : memref<10000xi32, #tpu.memory_space<vmem>>) target_semaphore(%arg15 : memref<!tpu.dma_semaphore, #tpu.memory_space<semaphore_mem>>)
    %parallel_loop3A = arith.constant 0 : i32
    %parallel_loop3A_28 = arith.constant 625 : i32
    %parallel_loop3A_29 = arith.constant 1 : i32
    scf.for %parallel_loop3A_103 = %parallel_loop3A to %parallel_loop3A_28 step %parallel_loop3A_29  : i32 {
      %parallel_loop3A_104 = arith.constant 0.000000e+00 : f32
      %parallel_loop3A_105 = vector.broadcast %parallel_loop3A_104 : f32 to vector<16xf32>
      %parallel_loop3A_106 = arith.constant 16 : i32
      %parallel_loop3A_107 = arith.muli %parallel_loop3A_103, %parallel_loop3A_106 : i32
      %parallel_loop3A_108 = arith.index_cast %parallel_loop3A_107 : i32 to index
      %parallel_loop3A_109 = tpu.vector_load %arg7[%parallel_loop3A_108] {strides = array<i32>} : memref<10000xf32, #tpu.memory_space<vmem>>, vector<16xf32>,
      tpu.vector_store %arg7[%parallel_loop3A_108], %parallel_loop3A_105 {strides = array<i32>} : memref<10000xf32, #tpu.memory_space<vmem>>, vector<16xf32>,
      %parallel_loop3A_110 = arith.constant 16 : i32
      %parallel_loop3A_111 = arith.muli %parallel_loop3A_103, %parallel_loop3A_110 : i32
      %parallel_loop3A_112 = arith.index_cast %parallel_loop3A_111 : i32 to index
      %parallel_loop3A_113 = tpu.vector_load %arg8[%parallel_loop3A_112] {strides = array<i32>} : memref<10000xf32, #tpu.memory_space<vmem>>, vector<16xf32>,
      tpu.vector_store %arg8[%parallel_loop3A_112], %parallel_loop3A_105 {strides = array<i32>} : memref<10000xf32, #tpu.memory_space<vmem>>, vector<16xf32>,
      %parallel_loop3A_114 = arith.constant 16 : i32
      %parallel_loop3A_115 = arith.muli %parallel_loop3A_103, %parallel_loop3A_114 : i32
      %parallel_loop3A_116 = arith.index_cast %parallel_loop3A_115 : i32 to index
      %parallel_loop3A_117 = tpu.vector_load %arg9[%parallel_loop3A_116] {strides = array<i32>} : memref<10000xf32, #tpu.memory_space<vmem>>, vector<16xf32>,
      tpu.vector_store %arg9[%parallel_loop3A_116], %parallel_loop3A_105 {strides = array<i32>} : memref<10000xf32, #tpu.memory_space<vmem>>, vector<16xf32>,
      %parallel_loop3A_118 = arith.constant 16 : i32
      %parallel_loop3A_119 = arith.muli %parallel_loop3A_103, %parallel_loop3A_118 : i32
      %parallel_loop3A_120 = arith.index_cast %parallel_loop3A_119 : i32 to index
      %parallel_loop3A_121 = tpu.vector_load %arg10[%parallel_loop3A_120] {strides = array<i32>} : memref<10000xf32, #tpu.memory_space<vmem>>, vector<16xf32>,
      tpu.vector_store %arg10[%parallel_loop3A_120], %parallel_loop3A_105 {strides = array<i32>} : memref<10000xf32, #tpu.memory_space<vmem>>, vector<16xf32>,
    } {sc.loop_unroll_factor = 8 : i64, sc.parallel_access}
    %dma_wait3A = arith.constant 0 : i32
    %dma_wait3A_30 = tpu.memref_slice %arg2[%mul3A_11, %dma_wait3A] : memref<64x10000xi32, #tpu.memory_space<hbm>> -> memref<1x10000xi32, #tpu.memory_space<hbm>>
    %dma_wait3A_31 = tpu.memref_squeeze %dma_wait3A_30 : memref<1x10000xi32, #tpu.memory_space<hbm>> -> memref<10000xi32, #tpu.memory_space<hbm>>
    %dma_wait3A_32 = arith.constant 0 : i32
    %dma_wait3A_33 = tpu.memref_slice %arg2[%mul3A_11, %dma_wait3A_32] : memref<64x10000xi32, #tpu.memory_space<hbm>> -> memref<1x10000xi32, #tpu.memory_space<hbm>>
    %dma_wait3A_34 = tpu.memref_squeeze %dma_wait3A_33 : memref<1x10000xi32, #tpu.memory_space<hbm>> -> memref<10000xi32, #tpu.memory_space<hbm>>
    tpu.wait_dma2 semaphore(%arg15 : memref<!tpu.dma_semaphore, #tpu.memory_space<semaphore_mem>>) src(%dma_wait3A_34 : memref<10000xi32, #tpu.memory_space<hbm>>) dst(%arg5 : memref<10000xi32, #tpu.memory_space<vmem>>)
    %dma_wait3A_35 = arith.constant 0 : i32
    %dma_wait3A_36 = tpu.memref_slice %arg2[%add3A_21, %dma_wait3A_35] : memref<64x10000xi32, #tpu.memory_space<hbm>> -> memref<1x10000xi32, #tpu.memory_space<hbm>>
    %dma_wait3A_37 = tpu.memref_squeeze %dma_wait3A_36 : memref<1x10000xi32, #tpu.memory_space<hbm>> -> memref<10000xi32, #tpu.memory_space<hbm>>
    %dma_wait3A_38 = arith.constant 0 : i32
    %dma_wait3A_39 = tpu.memref_slice %arg2[%add3A_21, %dma_wait3A_38] : memref<64x10000xi32, #tpu.memory_space<hbm>> -> memref<1x10000xi32, #tpu.memory_space<hbm>>
    %dma_wait3A_40 = tpu.memref_squeeze %dma_wait3A_39 : memref<1x10000xi32, #tpu.memory_space<hbm>> -> memref<10000xi32, #tpu.memory_space<hbm>>
    tpu.wait_dma2 semaphore(%arg15 : memref<!tpu.dma_semaphore, #tpu.memory_space<semaphore_mem>>) src(%dma_wait3A_40 : memref<10000xi32, #tpu.memory_space<hbm>>) dst(%arg6 : memref<10000xi32, #tpu.memory_space<vmem>>)
    %scan3A = arith.constant 0 : i32
    %scan3A_41 = arith.constant 0 : i32
    %scan3A_42 = arith.constant 25 : i32
    %scan3A_43 = arith.addi %scan3A_41, %scan3A_42 : i32
    %scan3A_44 = arith.constant 1 : i32
    %scan3A_45 = scf.for %scan3A_103 = %scan3A_41 to %scan3A_43 step %scan3A_44 iter_args(%scan3A_104 = %scan3A) -> (i32)  : i32 {
      %mul3A_105 = arith.constant 2 : i32
      %mul3A_106 = arith.muli %mul3A_105, %scan3A_103 : i32
      %dma_wait3A_107 = arith.constant 0 : i32
      %dma_wait3A_108 = tpu.memref_slice %arg3[%dma_wait3A_107] : memref<320000xi32, #tpu.memory_space<hbm>> -> memref<6400xi32, #tpu.memory_space<hbm>>
      %dma_wait3A_109 = arith.constant 0 : i32
      %dma_wait3A_110 = tpu.memref_slice %arg3[%dma_wait3A_109] : memref<320000xi32, #tpu.memory_space<hbm>> -> memref<6400xi32, #tpu.memory_space<hbm>>
      tpu.wait_dma2 semaphore(%arg13 : memref<!tpu.dma_semaphore, #tpu.memory_space<semaphore_mem>>) src(%dma_wait3A_110 : memref<6400xi32, #tpu.memory_space<hbm>>) dst(%arg11 : memref<6400xi32, #tpu.memory_space<vmem>>)
      %parallel_loop3A_111 = arith.constant 0 : i32
      %parallel_loop3A_112 = arith.constant 400 : i32
      %parallel_loop3A_113 = arith.constant 1 : i32
      scf.for %parallel_loop3A_133 = %parallel_loop3A_111 to %parallel_loop3A_112 step %parallel_loop3A_113  : i32 {
        %parallel_loop3A_134 = arith.constant 16 : i32
        %parallel_loop3A_135 = arith.muli %parallel_loop3A_133, %parallel_loop3A_134 : i32
        %parallel_loop3A_136 = arith.index_cast %parallel_loop3A_135 : i32 to index
        %parallel_loop3A_137 = tpu.vector_load %arg11[%parallel_loop3A_136] {strides = array<i32>} : memref<6400xi32, #tpu.memory_space<vmem>>, vector<16xi32>,
        %parallel_loop3A_138 = arith.constant 16 : i32
        %parallel_loop3A_139 = vector.broadcast %parallel_loop3A_138 : i32 to vector<16xi32>
        %parallel_loop3A_140 = arith.shrui %parallel_loop3A_137, %parallel_loop3A_139 : vector<16xi32>
        %parallel_loop3A_141 = arith.constant 65535 : i32
        %parallel_loop3A_142 = vector.broadcast %parallel_loop3A_141 : i32 to vector<16xi32>
        %parallel_loop3A_143 = arith.andi %parallel_loop3A_137, %parallel_loop3A_142 : vector<16xi32>
        %parallel_loop3A_144 = tpu.vector_load_idx %arg5[%parallel_loop3A_140] : memref<10000xi32, #tpu.memory_space<vmem>>[vector<16xi32>], vector<16xi32>,
        %parallel_loop3A_145 = arith.constant 16 : i32
        %parallel_loop3A_146 = vector.broadcast %parallel_loop3A_145 : i32 to vector<16xi32>
        %parallel_loop3A_147 = arith.shli %parallel_loop3A_144, %parallel_loop3A_146 : vector<16xi32>
        %parallel_loop3A_148 = vector.bitcast %parallel_loop3A_147 : vector<16xi32> to vector<16xf32>
        %parallel_loop3A_149 = arith.constant -65536 : i32
        %parallel_loop3A_150 = vector.broadcast %parallel_loop3A_149 : i32 to vector<16xi32>
        %parallel_loop3A_151 = arith.andi %parallel_loop3A_144, %parallel_loop3A_150 : vector<16xi32>
        %parallel_loop3A_152 = vector.bitcast %parallel_loop3A_151 : vector<16xi32> to vector<16xf32>
        tpu.vector_store_idx %arg7[%parallel_loop3A_143], %parallel_loop3A_148 {add = true} : memref<10000xf32, #tpu.memory_space<vmem>>[vector<16xi32>], vector<16xf32>,
        tpu.vector_store_idx %arg8[%parallel_loop3A_143], %parallel_loop3A_152 {add = true} : memref<10000xf32, #tpu.memory_space<vmem>>[vector<16xi32>], vector<16xf32>,
        %parallel_loop3A_153 = tpu.vector_load_idx %arg6[%parallel_loop3A_140] : memref<10000xi32, #tpu.memory_space<vmem>>[vector<16xi32>], vector<16xi32>,
        %parallel_loop3A_154 = arith.constant 16 : i32
        %parallel_loop3A_155 = vector.broadcast %parallel_loop3A_154 : i32 to vector<16xi32>
        %parallel_loop3A_156 = arith.shli %parallel_loop3A_153, %parallel_loop3A_155 : vector<16xi32>
        %parallel_loop3A_157 = vector.bitcast %parallel_loop3A_156 : vector<16xi32> to vector<16xf32>
        %parallel_loop3A_158 = arith.constant -65536 : i32
        %parallel_loop3A_159 = vector.broadcast %parallel_loop3A_158 : i32 to vector<16xi32>
        %parallel_loop3A_160 = arith.andi %parallel_loop3A_153, %parallel_loop3A_159 : vector<16xi32>
        %parallel_loop3A_161 = vector.bitcast %parallel_loop3A_160 : vector<16xi32> to vector<16xf32>
        tpu.vector_store_idx %arg9[%parallel_loop3A_143], %parallel_loop3A_157 {add = true} : memref<10000xf32, #tpu.memory_space<vmem>>[vector<16xi32>], vector<16xf32>,
        tpu.vector_store_idx %arg10[%parallel_loop3A_143], %parallel_loop3A_161 {add = true} : memref<10000xf32, #tpu.memory_space<vmem>>[vector<16xi32>], vector<16xf32>,
      } {sc.loop_unroll_factor = 8 : i64, sc.parallel_access}
      %add3A_114 = arith.constant 2 : i32
      %add3A_115 = arith.addi %mul3A_106, %add3A_114 : i32
      %lt3A = arith.constant 50 : i32
      %lt3A_116 = arith.cmpi slt, %add3A_115, %lt3A : i32
      %convert_element_type3A = arith.extui %lt3A_116 : i1 to i32
      %cond3A = arith.constant 0 : i32
      %cond3A_117 = arith.cmpi ne, %convert_element_type3A, %cond3A : i32
      scf.if %cond3A_117 {
        %add3A_133 = arith.constant 2 : i32
        %add3A_134 = arith.addi %mul3A_106, %add3A_133 : i32
        %mul3A_135 = arith.constant 6400 : i32
        %mul3A_136 = arith.muli %add3A_134, %mul3A_135 : i32
        %dma_start3A_137 = tpu.memref_slice %arg3[%mul3A_136] : memref<320000xi32, #tpu.memory_space<hbm>> -> memref<6400xi32, #tpu.memory_space<hbm>>
        %dma_start3A_138 = tpu.memref_slice %arg3[%mul3A_136] : memref<320000xi32, #tpu.memory_space<hbm>> -> memref<6400xi32, #tpu.memory_space<hbm>>
        tpu.enqueue_dma source(%dma_start3A_138 : memref<6400xi32, #tpu.memory_space<hbm>>) target(%arg11 : memref<6400xi32, #tpu.memory_space<vmem>>) target_semaphore(%arg13 : memref<!tpu.dma_semaphore, #tpu.memory_space<semaphore_mem>>)
      } else {
      }
      %dma_wait3A_118 = arith.constant 0 : i32
      %dma_wait3A_119 = tpu.memref_slice %arg3[%dma_wait3A_118] : memref<320000xi32, #tpu.memory_space<hbm>> -> memref<6400xi32, #tpu.memory_space<hbm>>
      %dma_wait3A_120 = arith.constant 0 : i32
      %dma_wait3A_121 = tpu.memref_slice %arg3[%dma_wait3A_120] : memref<320000xi32, #tpu.memory_space<hbm>> -> memref<6400xi32, #tpu.memory_space<hbm>>
      tpu.wait_dma2 semaphore(%arg14 : memref<!tpu.dma_semaphore, #tpu.memory_space<semaphore_mem>>) src(%dma_wait3A_121 : memref<6400xi32, #tpu.memory_space<hbm>>) dst(%arg12 : memref<6400xi32, #tpu.memory_space<vmem>>)
      %parallel_loop3A_122 = arith.constant 0 : i32
      %parallel_loop3A_123 = arith.constant 400 : i32
      %parallel_loop3A_124 = arith.constant 1 : i32
      scf.for %parallel_loop3A_133 = %parallel_loop3A_122 to %parallel_loop3A_123 step %parallel_loop3A_124  : i32 {
        %parallel_loop3A_134 = arith.constant 16 : i32
        %parallel_loop3A_135 = arith.muli %parallel_loop3A_133, %parallel_loop3A_134 : i32
        %parallel_loop3A_136 = arith.index_cast %parallel_loop3A_135 : i32 to index
        %parallel_loop3A_137 = tpu.vector_load %arg12[%parallel_loop3A_136] {strides = array<i32>} : memref<6400xi32, #tpu.memory_space<vmem>>, vector<16xi32>,
        %parallel_loop3A_138 = arith.constant 16 : i32
        %parallel_loop3A_139 = vector.broadcast %parallel_loop3A_138 : i32 to vector<16xi32>
        %parallel_loop3A_140 = arith.shrui %parallel_loop3A_137, %parallel_loop3A_139 : vector<16xi32>
        %parallel_loop3A_141 = arith.constant 65535 : i32
        %parallel_loop3A_142 = vector.broadcast %parallel_loop3A_141 : i32 to vector<16xi32>
        %parallel_loop3A_143 = arith.andi %parallel_loop3A_137, %parallel_loop3A_142 : vector<16xi32>
        %parallel_loop3A_144 = tpu.vector_load_idx %arg5[%parallel_loop3A_140] : memref<10000xi32, #tpu.memory_space<vmem>>[vector<16xi32>], vector<16xi32>,
        %parallel_loop3A_145 = arith.constant 16 : i32
        %parallel_loop3A_146 = vector.broadcast %parallel_loop3A_145 : i32 to vector<16xi32>
        %parallel_loop3A_147 = arith.shli %parallel_loop3A_144, %parallel_loop3A_146 : vector<16xi32>
        %parallel_loop3A_148 = vector.bitcast %parallel_loop3A_147 : vector<16xi32> to vector<16xf32>
        %parallel_loop3A_149 = arith.constant -65536 : i32
        %parallel_loop3A_150 = vector.broadcast %parallel_loop3A_149 : i32 to vector<16xi32>
        %parallel_loop3A_151 = arith.andi %parallel_loop3A_144, %parallel_loop3A_150 : vector<16xi32>
        %parallel_loop3A_152 = vector.bitcast %parallel_loop3A_151 : vector<16xi32> to vector<16xf32>
        tpu.vector_store_idx %arg7[%parallel_loop3A_143], %parallel_loop3A_148 {add = true} : memref<10000xf32, #tpu.memory_space<vmem>>[vector<16xi32>], vector<16xf32>,
        tpu.vector_store_idx %arg8[%parallel_loop3A_143], %parallel_loop3A_152 {add = true} : memref<10000xf32, #tpu.memory_space<vmem>>[vector<16xi32>], vector<16xf32>,
        %parallel_loop3A_153 = tpu.vector_load_idx %arg6[%parallel_loop3A_140] : memref<10000xi32, #tpu.memory_space<vmem>>[vector<16xi32>], vector<16xi32>,
        %parallel_loop3A_154 = arith.constant 16 : i32
        %parallel_loop3A_155 = vector.broadcast %parallel_loop3A_154 : i32 to vector<16xi32>
        %parallel_loop3A_156 = arith.shli %parallel_loop3A_153, %parallel_loop3A_155 : vector<16xi32>
        %parallel_loop3A_157 = vector.bitcast %parallel_loop3A_156 : vector<16xi32> to vector<16xf32>
        %parallel_loop3A_158 = arith.constant -65536 : i32
        %parallel_loop3A_159 = vector.broadcast %parallel_loop3A_158 : i32 to vector<16xi32>
        %parallel_loop3A_160 = arith.andi %parallel_loop3A_153, %parallel_loop3A_159 : vector<16xi32>
        %parallel_loop3A_161 = vector.bitcast %parallel_loop3A_160 : vector<16xi32> to vector<16xf32>
        tpu.vector_store_idx %arg9[%parallel_loop3A_143], %parallel_loop3A_157 {add = true} : memref<10000xf32, #tpu.memory_space<vmem>>[vector<16xi32>], vector<16xf32>,
        tpu.vector_store_idx %arg10[%parallel_loop3A_143], %parallel_loop3A_161 {add = true} : memref<10000xf32, #tpu.memory_space<vmem>>[vector<16xi32>], vector<16xf32>,
      } {sc.loop_unroll_factor = 8 : i64, sc.parallel_access}
      %add3A_125 = arith.constant 3 : i32
      %add3A_126 = arith.addi %mul3A_106, %add3A_125 : i32
      %lt3A_127 = arith.constant 50 : i32
      %lt3A_128 = arith.cmpi slt, %add3A_126, %lt3A_127 : i32
      %convert_element_type3A_129 = arith.extui %lt3A_128 : i1 to i32
      %cond3A_130 = arith.constant 0 : i32
      %cond3A_131 = arith.cmpi ne, %convert_element_type3A_129, %cond3A_130 : i32
      scf.if %cond3A_131 {
        %add3A_133 = arith.constant 3 : i32
        %add3A_134 = arith.addi %mul3A_106, %add3A_133 : i32
        %mul3A_135 = arith.constant 6400 : i32
        %mul3A_136 = arith.muli %add3A_134, %mul3A_135 : i32
        %dma_start3A_137 = tpu.memref_slice %arg3[%mul3A_136] : memref<320000xi32, #tpu.memory_space<hbm>> -> memref<6400xi32, #tpu.memory_space<hbm>>
        %dma_start3A_138 = tpu.memref_slice %arg3[%mul3A_136] : memref<320000xi32, #tpu.memory_space<hbm>> -> memref<6400xi32, #tpu.memory_space<hbm>>
        tpu.enqueue_dma source(%dma_start3A_138 : memref<6400xi32, #tpu.memory_space<hbm>>) target(%arg12 : memref<6400xi32, #tpu.memory_space<vmem>>) target_semaphore(%arg14 : memref<!tpu.dma_semaphore, #tpu.memory_space<semaphore_mem>>)
      } else {
      }
      %scan3A_132 = arith.constant 0 : i32
      scf.yield %scan3A_132 : i32
    }
    %scan3A_46 = arith.constant 25 : i32
    %add3A_47 = arith.constant 0 : i32
    %add3A_48 = arith.addi %mul3A_2, %add3A_47 : i32
    %dma_start3A_49 = arith.constant 0 : i32
    %dma_start3A_50 = tpu.memref_slice %arg4[%add3A_48, %dma_start3A_49] : memref<128x10000xf32, #tpu.memory_space<hbm>> -> memref<1x10000xf32, #tpu.memory_space<hbm>>
    %dma_start3A_51 = tpu.memref_squeeze %dma_start3A_50 : memref<1x10000xf32, #tpu.memory_space<hbm>> -> memref<10000xf32, #tpu.memory_space<hbm>>
    %dma_start3A_52 = arith.constant 0 : i32
    %dma_start3A_53 = tpu.memref_slice %arg4[%add3A_48, %dma_start3A_52] : memref<128x10000xf32, #tpu.memory_space<hbm>> -> memref<1x10000xf32, #tpu.memory_space<hbm>>
    %dma_start3A_54 = tpu.memref_squeeze %dma_start3A_53 : memref<1x10000xf32, #tpu.memory_space<hbm>> -> memref<10000xf32, #tpu.memory_space<hbm>>
    tpu.enqueue_dma source(%arg7 : memref<10000xf32, #tpu.memory_space<vmem>>) target(%dma_start3A_54 : memref<10000xf32, #tpu.memory_space<hbm>>) target_semaphore(%arg15 : memref<!tpu.dma_semaphore, #tpu.memory_space<semaphore_mem>>)
    %add3A_55 = arith.constant 1 : i32
    %add3A_56 = arith.addi %mul3A_2, %add3A_55 : i32
    %dma_start3A_57 = arith.constant 0 : i32
    %dma_start3A_58 = tpu.memref_slice %arg4[%add3A_56, %dma_start3A_57] : memref<128x10000xf32, #tpu.memory_space<hbm>> -> memref<1x10000xf32, #tpu.memory_space<hbm>>
    %dma_start3A_59 = tpu.memref_squeeze %dma_start3A_58 : memref<1x10000xf32, #tpu.memory_space<hbm>> -> memref<10000xf32, #tpu.memory_space<hbm>>
    %dma_start3A_60 = arith.constant 0 : i32
    %dma_start3A_61 = tpu.memref_slice %arg4[%add3A_56, %dma_start3A_60] : memref<128x10000xf32, #tpu.memory_space<hbm>> -> memref<1x10000xf32, #tpu.memory_space<hbm>>
    %dma_start3A_62 = tpu.memref_squeeze %dma_start3A_61 : memref<1x10000xf32, #tpu.memory_space<hbm>> -> memref<10000xf32, #tpu.memory_space<hbm>>
    tpu.enqueue_dma source(%arg8 : memref<10000xf32, #tpu.memory_space<vmem>>) target(%dma_start3A_62 : memref<10000xf32, #tpu.memory_space<hbm>>) target_semaphore(%arg15 : memref<!tpu.dma_semaphore, #tpu.memory_space<semaphore_mem>>)
    %add3A_63 = arith.constant 2 : i32
    %add3A_64 = arith.addi %mul3A_2, %add3A_63 : i32
    %dma_start3A_65 = arith.constant 0 : i32
    %dma_start3A_66 = tpu.memref_slice %arg4[%add3A_64, %dma_start3A_65] : memref<128x10000xf32, #tpu.memory_space<hbm>> -> memref<1x10000xf32, #tpu.memory_space<hbm>>
    %dma_start3A_67 = tpu.memref_squeeze %dma_start3A_66 : memref<1x10000xf32, #tpu.memory_space<hbm>> -> memref<10000xf32, #tpu.memory_space<hbm>>
    %dma_start3A_68 = arith.constant 0 : i32
    %dma_start3A_69 = tpu.memref_slice %arg4[%add3A_64, %dma_start3A_68] : memref<128x10000xf32, #tpu.memory_space<hbm>> -> memref<1x10000xf32, #tpu.memory_space<hbm>>
    %dma_start3A_70 = tpu.memref_squeeze %dma_start3A_69 : memref<1x10000xf32, #tpu.memory_space<hbm>> -> memref<10000xf32, #tpu.memory_space<hbm>>
    tpu.enqueue_dma source(%arg9 : memref<10000xf32, #tpu.memory_space<vmem>>) target(%dma_start3A_70 : memref<10000xf32, #tpu.memory_space<hbm>>) target_semaphore(%arg15 : memref<!tpu.dma_semaphore, #tpu.memory_space<semaphore_mem>>)
    %add3A_71 = arith.constant 3 : i32
    %add3A_72 = arith.addi %mul3A_2, %add3A_71 : i32
    %dma_start3A_73 = arith.constant 0 : i32
    %dma_start3A_74 = tpu.memref_slice %arg4[%add3A_72, %dma_start3A_73] : memref<128x10000xf32, #tpu.memory_space<hbm>> -> memref<1x10000xf32, #tpu.memory_space<hbm>>
    %dma_start3A_75 = tpu.memref_squeeze %dma_start3A_74 : memref<1x10000xf32, #tpu.memory_space<hbm>> -> memref<10000xf32, #tpu.memory_space<hbm>>
    %dma_start3A_76 = arith.constant 0 : i32
    %dma_start3A_77 = tpu.memref_slice %arg4[%add3A_72, %dma_start3A_76] : memref<128x10000xf32, #tpu.memory_space<hbm>> -> memref<1x10000xf32, #tpu.memory_space<hbm>>
    %dma_start3A_78 = tpu.memref_squeeze %dma_start3A_77 : memref<1x10000xf32, #tpu.memory_space<hbm>> -> memref<10000xf32, #tpu.memory_space<hbm>>
    tpu.enqueue_dma source(%arg10 : memref<10000xf32, #tpu.memory_space<vmem>>) target(%dma_start3A_78 : memref<10000xf32, #tpu.memory_space<hbm>>) target_semaphore(%arg15 : memref<!tpu.dma_semaphore, #tpu.memory_space<semaphore_mem>>)
    %dma_wait3A_79 = arith.constant 0 : i32
    %dma_wait3A_80 = tpu.memref_slice %arg4[%add3A_48, %dma_wait3A_79] : memref<128x10000xf32, #tpu.memory_space<hbm>> -> memref<1x10000xf32, #tpu.memory_space<hbm>>
    %dma_wait3A_81 = tpu.memref_squeeze %dma_wait3A_80 : memref<1x10000xf32, #tpu.memory_space<hbm>> -> memref<10000xf32, #tpu.memory_space<hbm>>
    %dma_wait3A_82 = arith.constant 0 : i32
    %dma_wait3A_83 = tpu.memref_slice %arg4[%add3A_48, %dma_wait3A_82] : memref<128x10000xf32, #tpu.memory_space<hbm>> -> memref<1x10000xf32, #tpu.memory_space<hbm>>
    %dma_wait3A_84 = tpu.memref_squeeze %dma_wait3A_83 : memref<1x10000xf32, #tpu.memory_space<hbm>> -> memref<10000xf32, #tpu.memory_space<hbm>>
    tpu.wait_dma2 semaphore(%arg15 : memref<!tpu.dma_semaphore, #tpu.memory_space<semaphore_mem>>) src(%arg7 : memref<10000xf32, #tpu.memory_space<vmem>>) dst(%dma_wait3A_84 : memref<10000xf32, #tpu.memory_space<hbm>>)
    %dma_wait3A_85 = arith.constant 0 : i32
    %dma_wait3A_86 = tpu.memref_slice %arg4[%add3A_56, %dma_wait3A_85] : memref<128x10000xf32, #tpu.memory_space<hbm>> -> memref<1x10000xf32, #tpu.memory_space<hbm>>
    %dma_wait3A_87 = tpu.memref_squeeze %dma_wait3A_86 : memref<1x10000xf32, #tpu.memory_space<hbm>> -> memref<10000xf32, #tpu.memory_space<hbm>>
    %dma_wait3A_88 = arith.constant 0 : i32
    %dma_wait3A_89 = tpu.memref_slice %arg4[%add3A_56, %dma_wait3A_88] : memref<128x10000xf32, #tpu.memory_space<hbm>> -> memref<1x10000xf32, #tpu.memory_space<hbm>>
    %dma_wait3A_90 = tpu.memref_squeeze %dma_wait3A_89 : memref<1x10000xf32, #tpu.memory_space<hbm>> -> memref<10000xf32, #tpu.memory_space<hbm>>
    tpu.wait_dma2 semaphore(%arg15 : memref<!tpu.dma_semaphore, #tpu.memory_space<semaphore_mem>>) src(%arg8 : memref<10000xf32, #tpu.memory_space<vmem>>) dst(%dma_wait3A_90 : memref<10000xf32, #tpu.memory_space<hbm>>)
    %dma_wait3A_91 = arith.constant 0 : i32
    %dma_wait3A_92 = tpu.memref_slice %arg4[%add3A_64, %dma_wait3A_91] : memref<128x10000xf32, #tpu.memory_space<hbm>> -> memref<1x10000xf32, #tpu.memory_space<hbm>>
    %dma_wait3A_93 = tpu.memref_squeeze %dma_wait3A_92 : memref<1x10000xf32, #tpu.memory_space<hbm>> -> memref<10000xf32, #tpu.memory_space<hbm>>
    %dma_wait3A_94 = arith.constant 0 : i32
    %dma_wait3A_95 = tpu.memref_slice %arg4[%add3A_64, %dma_wait3A_94] : memref<128x10000xf32, #tpu.memory_space<hbm>> -> memref<1x10000xf32, #tpu.memory_space<hbm>>
    %dma_wait3A_96 = tpu.memref_squeeze %dma_wait3A_95 : memref<1x10000xf32, #tpu.memory_space<hbm>> -> memref<10000xf32, #tpu.memory_space<hbm>>
    tpu.wait_dma2 semaphore(%arg15 : memref<!tpu.dma_semaphore, #tpu.memory_space<semaphore_mem>>) src(%arg9 : memref<10000xf32, #tpu.memory_space<vmem>>) dst(%dma_wait3A_96 : memref<10000xf32, #tpu.memory_space<hbm>>)
    %dma_wait3A_97 = arith.constant 0 : i32
    %dma_wait3A_98 = tpu.memref_slice %arg4[%add3A_72, %dma_wait3A_97] : memref<128x10000xf32, #tpu.memory_space<hbm>> -> memref<1x10000xf32, #tpu.memory_space<hbm>>
    %dma_wait3A_99 = tpu.memref_squeeze %dma_wait3A_98 : memref<1x10000xf32, #tpu.memory_space<hbm>> -> memref<10000xf32, #tpu.memory_space<hbm>>
    %dma_wait3A_100 = arith.constant 0 : i32
    %dma_wait3A_101 = tpu.memref_slice %arg4[%add3A_72, %dma_wait3A_100] : memref<128x10000xf32, #tpu.memory_space<hbm>> -> memref<1x10000xf32, #tpu.memory_space<hbm>>
    %dma_wait3A_102 = tpu.memref_squeeze %dma_wait3A_101 : memref<1x10000xf32, #tpu.memory_space<hbm>> -> memref<10000xf32, #tpu.memory_space<hbm>>
    tpu.wait_dma2 semaphore(%arg15 : memref<!tpu.dma_semaphore, #tpu.memory_space<semaphore_mem>>) src(%arg10 : memref<10000xf32, #tpu.memory_space<vmem>>) dst(%dma_wait3A_102 : memref<10000xf32, #tpu.memory_space<hbm>>)
    return
  }
}

#map = affine_map<(d0, d1) -> (0, 0)>
#map1 = affine_map<(d0, d1) -> (0)>
module attributes {stable_mosaic.version = 14 : i64} {
  func.func @_agg_h(%arg0: i32, %arg1: i32, %arg2: memref<64x10000xi32, #tpu.memory_space<hbm>>, %arg3: memref<320000xi32, #tpu.memory_space<hbm>>, %arg4: memref<128x10000xf32, #tpu.memory_space<hbm>>, %arg5: memref<10000xi32, #tpu.memory_space<vmem>>, %arg6: memref<10000xi32, #tpu.memory_space<vmem>>, %arg7: memref<10000xf32, #tpu.memory_space<vmem>>, %arg8: memref<10000xf32, #tpu.memory_space<vmem>>, %arg9: memref<10000xf32, #tpu.memory_space<vmem>>, %arg10: memref<10000xf32, #tpu.memory_space<vmem>>, %arg11: memref<6400xi32, #tpu.memory_space<vmem>>, %arg12: memref<6400xi32, #tpu.memory_space<vmem>>, %arg13: memref<!tpu.dma_semaphore, #tpu.memory_space<semaphore_mem>>, %arg14: memref<!tpu.dma_semaphore, #tpu.memory_space<semaphore_mem>>, %arg15: memref<!tpu.dma_semaphore, #tpu.memory_space<semaphore_mem>>) attributes {dimension_semantics = [#tpu.dimension_semantics<core_parallel>, #tpu.dimension_semantics<subcore_parallel>], iteration_bounds = array<i64: 2, 16>, scalar_prefetch = 0 : i64, scratch_operands = 11 : i64, tpu.core_type = #tpu.core_type<sc_vector_subcore>, window_params = [{transform_indices = #map}, {transform_indices = #map1}, {transform_indices = #map}]} {
    %mul3A = arith.constant 16 : i32
    %mul3A_0 = arith.muli %arg0, %mul3A : i32
    %add3A = arith.addi %mul3A_0, %arg1 : i32
    %mul3A_1 = arith.constant 4 : i32
    %mul3A_2 = arith.muli %add3A, %mul3A_1 : i32
    %dma_start3A = arith.constant 0 : i32
    %dma_start3A_3 = tpu.memref_slice %arg3[%dma_start3A] : memref<320000xi32, #tpu.memory_space<hbm>> -> memref<6400xi32, #tpu.memory_space<hbm>>
    %dma_start3A_4 = arith.constant 0 : i32
    %dma_start3A_5 = tpu.memref_slice %arg3[%dma_start3A_4] : memref<320000xi32, #tpu.memory_space<hbm>> -> memref<6400xi32, #tpu.memory_space<hbm>>
    tpu.enqueue_dma source(%dma_start3A_5 : memref<6400xi32, #tpu.memory_space<hbm>>) target(%arg11 : memref<6400xi32, #tpu.memory_space<vmem>>) target_semaphore(%arg13 : memref<!tpu.dma_semaphore, #tpu.memory_space<semaphore_mem>>)
    %dma_start3A_6 = arith.constant 6400 : i32
    %dma_start3A_7 = tpu.memref_slice %arg3[%dma_start3A_6] : memref<320000xi32, #tpu.memory_space<hbm>> -> memref<6400xi32, #tpu.memory_space<hbm>>
    %dma_start3A_8 = arith.constant 6400 : i32
    %dma_start3A_9 = tpu.memref_slice %arg3[%dma_start3A_8] : memref<320000xi32, #tpu.memory_space<hbm>> -> memref<6400xi32, #tpu.memory_space<hbm>>
    tpu.enqueue_dma source(%dma_start3A_9 : memref<6400xi32, #tpu.memory_space<hbm>>) target(%arg12 : memref<6400xi32, #tpu.memory_space<vmem>>) target_semaphore(%arg14 : memref<!tpu.dma_semaphore, #tpu.memory_space<semaphore_mem>>)
    %mul3A_10 = arith.constant 2 : i32
    %mul3A_11 = arith.muli %mul3A_10, %add3A : i32
    %dma_start3A_12 = arith.constant 0 : i32
    %dma_start3A_13 = tpu.memref_slice %arg2[%mul3A_11, %dma_start3A_12] : memref<64x10000xi32, #tpu.memory_space<hbm>> -> memref<1x10000xi32, #tpu.memory_space<hbm>>
    %dma_start3A_14 = tpu.memref_squeeze %dma_start3A_13 : memref<1x10000xi32, #tpu.memory_space<hbm>> -> memref<10000xi32, #tpu.memory_space<hbm>>
    %dma_start3A_15 = arith.constant 0 : i32
    %dma_start3A_16 = tpu.memref_slice %arg2[%mul3A_11, %dma_start3A_15] : memref<64x10000xi32, #tpu.memory_space<hbm>> -> memref<1x10000xi32, #tpu.memory_space<hbm>>
    %dma_start3A_17 = tpu.memref_squeeze %dma_start3A_16 : memref<1x10000xi32, #tpu.memory_space<hbm>> -> memref<10000xi32, #tpu.memory_space<hbm>>
    tpu.enqueue_dma source(%dma_start3A_17 : memref<10000xi32, #tpu.memory_space<hbm>>) target(%arg5 : memref<10000xi32, #tpu.memory_space<vmem>>) target_semaphore(%arg15 : memref<!tpu.dma_semaphore, #tpu.memory_space<semaphore_mem>>)
    %mul3A_18 = arith.constant 2 : i32
    %mul3A_19 = arith.muli %mul3A_18, %add3A : i32
    %add3A_20 = arith.constant 1 : i32
    %add3A_21 = arith.addi %mul3A_19, %add3A_20 : i32
    %dma_start3A_22 = arith.constant 0 : i32
    %dma_start3A_23 = tpu.memref_slice %arg2[%add3A_21, %dma_start3A_22] : memref<64x10000xi32, #tpu.memory_space<hbm>> -> memref<1x10000xi32, #tpu.memory_space<hbm>>
    %dma_start3A_24 = tpu.memref_squeeze %dma_start3A_23 : memref<1x10000xi32, #tpu.memory_space<hbm>> -> memref<10000xi32, #tpu.memory_space<hbm>>
    %dma_start3A_25 = arith.constant 0 : i32
    %dma_start3A_26 = tpu.memref_slice %arg2[%add3A_21, %dma_start3A_25] : memref<64x10000xi32, #tpu.memory_space<hbm>> -> memref<1x10000xi32, #tpu.memory_space<hbm>>
    %dma_start3A_27 = tpu.memref_squeeze %dma_start3A_26 : memref<1x10000xi32, #tpu.memory_space<hbm>> -> memref<10000xi32, #tpu.memory_space<hbm>>
    tpu.enqueue_dma source(%dma_start3A_27 : memref<10000xi32, #tpu.memory_space<hbm>>) target(%arg6 : memref<10000xi32, #tpu.memory_space<vmem>>) target_semaphore(%arg15 : memref<!tpu.dma_semaphore, #tpu.memory_space<semaphore_mem>>)
    %parallel_loop3A = arith.constant 0 : i32
    %parallel_loop3A_28 = arith.constant 625 : i32
    %parallel_loop3A_29 = arith.constant 1 : i32
    scf.for %parallel_loop3A_103 = %parallel_loop3A to %parallel_loop3A_28 step %parallel_loop3A_29  : i32 {
      %parallel_loop3A_104 = arith.constant 0.000000e+00 : f32
      %parallel_loop3A_105 = vector.broadcast %parallel_loop3A_104 : f32 to vector<16xf32>
      %parallel_loop3A_106 = arith.constant 16 : i32
      %parallel_loop3A_107 = arith.muli %parallel_loop3A_103, %parallel_loop3A_106 : i32
      %parallel_loop3A_108 = arith.index_cast %parallel_loop3A_107 : i32 to index
      %parallel_loop3A_109 = tpu.vector_load %arg7[%parallel_loop3A_108] {strides = array<i32>} : memref<10000xf32, #tpu.memory_space<vmem>>, vector<16xf32>,
      tpu.vector_store %arg7[%parallel_loop3A_108], %parallel_loop3A_105 {strides = array<i32>} : memref<10000xf32, #tpu.memory_space<vmem>>, vector<16xf32>,
      %parallel_loop3A_110 = arith.constant 16 : i32
      %parallel_loop3A_111 = arith.muli %parallel_loop3A_103, %parallel_loop3A_110 : i32
      %parallel_loop3A_112 = arith.index_cast %parallel_loop3A_111 : i32 to index
      %parallel_loop3A_113 = tpu.vector_load %arg8[%parallel_loop3A_112] {strides = array<i32>} : memref<10000xf32, #tpu.memory_space<vmem>>, vector<16xf32>,
      tpu.vector_store %arg8[%parallel_loop3A_112], %parallel_loop3A_105 {strides = array<i32>} : memref<10000xf32, #tpu.memory_space<vmem>>, vector<16xf32>,
      %parallel_loop3A_114 = arith.constant 16 : i32
      %parallel_loop3A_115 = arith.muli %parallel_loop3A_103, %parallel_loop3A_114 : i32
      %parallel_loop3A_116 = arith.index_cast %parallel_loop3A_115 : i32 to index
      %parallel_loop3A_117 = tpu.vector_load %arg9[%parallel_loop3A_116] {strides = array<i32>} : memref<10000xf32, #tpu.memory_space<vmem>>, vector<16xf32>,
      tpu.vector_store %arg9[%parallel_loop3A_116], %parallel_loop3A_105 {strides = array<i32>} : memref<10000xf32, #tpu.memory_space<vmem>>, vector<16xf32>,
      %parallel_loop3A_118 = arith.constant 16 : i32
      %parallel_loop3A_119 = arith.muli %parallel_loop3A_103, %parallel_loop3A_118 : i32
      %parallel_loop3A_120 = arith.index_cast %parallel_loop3A_119 : i32 to index
      %parallel_loop3A_121 = tpu.vector_load %arg10[%parallel_loop3A_120] {strides = array<i32>} : memref<10000xf32, #tpu.memory_space<vmem>>, vector<16xf32>,
      tpu.vector_store %arg10[%parallel_loop3A_120], %parallel_loop3A_105 {strides = array<i32>} : memref<10000xf32, #tpu.memory_space<vmem>>, vector<16xf32>,
    } {sc.loop_unroll_factor = 8 : i64, sc.parallel_access}
    %dma_wait3A = arith.constant 0 : i32
    %dma_wait3A_30 = tpu.memref_slice %arg2[%mul3A_11, %dma_wait3A] : memref<64x10000xi32, #tpu.memory_space<hbm>> -> memref<1x10000xi32, #tpu.memory_space<hbm>>
    %dma_wait3A_31 = tpu.memref_squeeze %dma_wait3A_30 : memref<1x10000xi32, #tpu.memory_space<hbm>> -> memref<10000xi32, #tpu.memory_space<hbm>>
    %dma_wait3A_32 = arith.constant 0 : i32
    %dma_wait3A_33 = tpu.memref_slice %arg2[%mul3A_11, %dma_wait3A_32] : memref<64x10000xi32, #tpu.memory_space<hbm>> -> memref<1x10000xi32, #tpu.memory_space<hbm>>
    %dma_wait3A_34 = tpu.memref_squeeze %dma_wait3A_33 : memref<1x10000xi32, #tpu.memory_space<hbm>> -> memref<10000xi32, #tpu.memory_space<hbm>>
    tpu.wait_dma2 semaphore(%arg15 : memref<!tpu.dma_semaphore, #tpu.memory_space<semaphore_mem>>) src(%dma_wait3A_34 : memref<10000xi32, #tpu.memory_space<hbm>>) dst(%arg5 : memref<10000xi32, #tpu.memory_space<vmem>>)
    %dma_wait3A_35 = arith.constant 0 : i32
    %dma_wait3A_36 = tpu.memref_slice %arg2[%add3A_21, %dma_wait3A_35] : memref<64x10000xi32, #tpu.memory_space<hbm>> -> memref<1x10000xi32, #tpu.memory_space<hbm>>
    %dma_wait3A_37 = tpu.memref_squeeze %dma_wait3A_36 : memref<1x10000xi32, #tpu.memory_space<hbm>> -> memref<10000xi32, #tpu.memory_space<hbm>>
    %dma_wait3A_38 = arith.constant 0 : i32
    %dma_wait3A_39 = tpu.memref_slice %arg2[%add3A_21, %dma_wait3A_38] : memref<64x10000xi32, #tpu.memory_space<hbm>> -> memref<1x10000xi32, #tpu.memory_space<hbm>>
    %dma_wait3A_40 = tpu.memref_squeeze %dma_wait3A_39 : memref<1x10000xi32, #tpu.memory_space<hbm>> -> memref<10000xi32, #tpu.memory_space<hbm>>
    tpu.wait_dma2 semaphore(%arg15 : memref<!tpu.dma_semaphore, #tpu.memory_space<semaphore_mem>>) src(%dma_wait3A_40 : memref<10000xi32, #tpu.memory_space<hbm>>) dst(%arg6 : memref<10000xi32, #tpu.memory_space<vmem>>)
    %scan3A = arith.constant 0 : i32
    %scan3A_41 = arith.constant 0 : i32
    %scan3A_42 = arith.constant 25 : i32
    %scan3A_43 = arith.addi %scan3A_41, %scan3A_42 : i32
    %scan3A_44 = arith.constant 1 : i32
    %scan3A_45 = scf.for %scan3A_103 = %scan3A_41 to %scan3A_43 step %scan3A_44 iter_args(%scan3A_104 = %scan3A) -> (i32)  : i32 {
      %mul3A_105 = arith.constant 2 : i32
      %mul3A_106 = arith.muli %mul3A_105, %scan3A_103 : i32
      %dma_wait3A_107 = arith.constant 0 : i32
      %dma_wait3A_108 = tpu.memref_slice %arg3[%dma_wait3A_107] : memref<320000xi32, #tpu.memory_space<hbm>> -> memref<6400xi32, #tpu.memory_space<hbm>>
      %dma_wait3A_109 = arith.constant 0 : i32
      %dma_wait3A_110 = tpu.memref_slice %arg3[%dma_wait3A_109] : memref<320000xi32, #tpu.memory_space<hbm>> -> memref<6400xi32, #tpu.memory_space<hbm>>
      tpu.wait_dma2 semaphore(%arg13 : memref<!tpu.dma_semaphore, #tpu.memory_space<semaphore_mem>>) src(%dma_wait3A_110 : memref<6400xi32, #tpu.memory_space<hbm>>) dst(%arg11 : memref<6400xi32, #tpu.memory_space<vmem>>)
      %parallel_loop3A_111 = arith.constant 0 : i32
      %parallel_loop3A_112 = arith.constant 400 : i32
      %parallel_loop3A_113 = arith.constant 1 : i32
      scf.for %parallel_loop3A_133 = %parallel_loop3A_111 to %parallel_loop3A_112 step %parallel_loop3A_113  : i32 {
        %parallel_loop3A_134 = arith.constant 16 : i32
        %parallel_loop3A_135 = arith.muli %parallel_loop3A_133, %parallel_loop3A_134 : i32
        %parallel_loop3A_136 = arith.index_cast %parallel_loop3A_135 : i32 to index
        %parallel_loop3A_137 = tpu.vector_load %arg11[%parallel_loop3A_136] {strides = array<i32>} : memref<6400xi32, #tpu.memory_space<vmem>>, vector<16xi32>,
        %parallel_loop3A_138 = arith.constant 16 : i32
        %parallel_loop3A_139 = vector.broadcast %parallel_loop3A_138 : i32 to vector<16xi32>
        %parallel_loop3A_140 = arith.shrui %parallel_loop3A_137, %parallel_loop3A_139 : vector<16xi32>
        %parallel_loop3A_141 = arith.constant 65535 : i32
        %parallel_loop3A_142 = vector.broadcast %parallel_loop3A_141 : i32 to vector<16xi32>
        %parallel_loop3A_143 = arith.andi %parallel_loop3A_137, %parallel_loop3A_142 : vector<16xi32>
        %parallel_loop3A_144 = tpu.vector_load_idx %arg5[%parallel_loop3A_140] : memref<10000xi32, #tpu.memory_space<vmem>>[vector<16xi32>], vector<16xi32>,
        %parallel_loop3A_145 = arith.constant 16 : i32
        %parallel_loop3A_146 = vector.broadcast %parallel_loop3A_145 : i32 to vector<16xi32>
        %parallel_loop3A_147 = arith.shli %parallel_loop3A_144, %parallel_loop3A_146 : vector<16xi32>
        %parallel_loop3A_148 = vector.bitcast %parallel_loop3A_147 : vector<16xi32> to vector<16xf32>
        %parallel_loop3A_149 = arith.constant -65536 : i32
        %parallel_loop3A_150 = vector.broadcast %parallel_loop3A_149 : i32 to vector<16xi32>
        %parallel_loop3A_151 = arith.andi %parallel_loop3A_144, %parallel_loop3A_150 : vector<16xi32>
        %parallel_loop3A_152 = vector.bitcast %parallel_loop3A_151 : vector<16xi32> to vector<16xf32>
        tpu.vector_store_idx %arg7[%parallel_loop3A_143], %parallel_loop3A_148 {add = true} : memref<10000xf32, #tpu.memory_space<vmem>>[vector<16xi32>], vector<16xf32>,
        tpu.vector_store_idx %arg8[%parallel_loop3A_143], %parallel_loop3A_152 {add = true} : memref<10000xf32, #tpu.memory_space<vmem>>[vector<16xi32>], vector<16xf32>,
        %parallel_loop3A_153 = tpu.vector_load_idx %arg6[%parallel_loop3A_140] : memref<10000xi32, #tpu.memory_space<vmem>>[vector<16xi32>], vector<16xi32>,
        %parallel_loop3A_154 = arith.constant 16 : i32
        %parallel_loop3A_155 = vector.broadcast %parallel_loop3A_154 : i32 to vector<16xi32>
        %parallel_loop3A_156 = arith.shli %parallel_loop3A_153, %parallel_loop3A_155 : vector<16xi32>
        %parallel_loop3A_157 = vector.bitcast %parallel_loop3A_156 : vector<16xi32> to vector<16xf32>
        %parallel_loop3A_158 = arith.constant -65536 : i32
        %parallel_loop3A_159 = vector.broadcast %parallel_loop3A_158 : i32 to vector<16xi32>
        %parallel_loop3A_160 = arith.andi %parallel_loop3A_153, %parallel_loop3A_159 : vector<16xi32>
        %parallel_loop3A_161 = vector.bitcast %parallel_loop3A_160 : vector<16xi32> to vector<16xf32>
        tpu.vector_store_idx %arg9[%parallel_loop3A_143], %parallel_loop3A_157 {add = true} : memref<10000xf32, #tpu.memory_space<vmem>>[vector<16xi32>], vector<16xf32>,
        tpu.vector_store_idx %arg10[%parallel_loop3A_143], %parallel_loop3A_161 {add = true} : memref<10000xf32, #tpu.memory_space<vmem>>[vector<16xi32>], vector<16xf32>,
      } {sc.loop_unroll_factor = 8 : i64, sc.parallel_access}
      %add3A_114 = arith.constant 2 : i32
      %add3A_115 = arith.addi %mul3A_106, %add3A_114 : i32
      %lt3A = arith.constant 50 : i32
      %lt3A_116 = arith.cmpi slt, %add3A_115, %lt3A : i32
      %convert_element_type3A = arith.extui %lt3A_116 : i1 to i32
      %cond3A = arith.constant 0 : i32
      %cond3A_117 = arith.cmpi ne, %convert_element_type3A, %cond3A : i32
      scf.if %cond3A_117 {
        %add3A_133 = arith.constant 2 : i32
        %add3A_134 = arith.addi %mul3A_106, %add3A_133 : i32
        %mul3A_135 = arith.constant 6400 : i32
        %mul3A_136 = arith.muli %add3A_134, %mul3A_135 : i32
        %dma_start3A_137 = tpu.memref_slice %arg3[%mul3A_136] : memref<320000xi32, #tpu.memory_space<hbm>> -> memref<6400xi32, #tpu.memory_space<hbm>>
        %dma_start3A_138 = tpu.memref_slice %arg3[%mul3A_136] : memref<320000xi32, #tpu.memory_space<hbm>> -> memref<6400xi32, #tpu.memory_space<hbm>>
        tpu.enqueue_dma source(%dma_start3A_138 : memref<6400xi32, #tpu.memory_space<hbm>>) target(%arg11 : memref<6400xi32, #tpu.memory_space<vmem>>) target_semaphore(%arg13 : memref<!tpu.dma_semaphore, #tpu.memory_space<semaphore_mem>>)
      } else {
      }
      %dma_wait3A_118 = arith.constant 0 : i32
      %dma_wait3A_119 = tpu.memref_slice %arg3[%dma_wait3A_118] : memref<320000xi32, #tpu.memory_space<hbm>> -> memref<6400xi32, #tpu.memory_space<hbm>>
      %dma_wait3A_120 = arith.constant 0 : i32
      %dma_wait3A_121 = tpu.memref_slice %arg3[%dma_wait3A_120] : memref<320000xi32, #tpu.memory_space<hbm>> -> memref<6400xi32, #tpu.memory_space<hbm>>
      tpu.wait_dma2 semaphore(%arg14 : memref<!tpu.dma_semaphore, #tpu.memory_space<semaphore_mem>>) src(%dma_wait3A_121 : memref<6400xi32, #tpu.memory_space<hbm>>) dst(%arg12 : memref<6400xi32, #tpu.memory_space<vmem>>)
      %parallel_loop3A_122 = arith.constant 0 : i32
      %parallel_loop3A_123 = arith.constant 400 : i32
      %parallel_loop3A_124 = arith.constant 1 : i32
      scf.for %parallel_loop3A_133 = %parallel_loop3A_122 to %parallel_loop3A_123 step %parallel_loop3A_124  : i32 {
        %parallel_loop3A_134 = arith.constant 16 : i32
        %parallel_loop3A_135 = arith.muli %parallel_loop3A_133, %parallel_loop3A_134 : i32
        %parallel_loop3A_136 = arith.index_cast %parallel_loop3A_135 : i32 to index
        %parallel_loop3A_137 = tpu.vector_load %arg12[%parallel_loop3A_136] {strides = array<i32>} : memref<6400xi32, #tpu.memory_space<vmem>>, vector<16xi32>,
        %parallel_loop3A_138 = arith.constant 16 : i32
        %parallel_loop3A_139 = vector.broadcast %parallel_loop3A_138 : i32 to vector<16xi32>
        %parallel_loop3A_140 = arith.shrui %parallel_loop3A_137, %parallel_loop3A_139 : vector<16xi32>
        %parallel_loop3A_141 = arith.constant 65535 : i32
        %parallel_loop3A_142 = vector.broadcast %parallel_loop3A_141 : i32 to vector<16xi32>
        %parallel_loop3A_143 = arith.andi %parallel_loop3A_137, %parallel_loop3A_142 : vector<16xi32>
        %parallel_loop3A_144 = tpu.vector_load_idx %arg5[%parallel_loop3A_140] : memref<10000xi32, #tpu.memory_space<vmem>>[vector<16xi32>], vector<16xi32>,
        %parallel_loop3A_145 = arith.constant 16 : i32
        %parallel_loop3A_146 = vector.broadcast %parallel_loop3A_145 : i32 to vector<16xi32>
        %parallel_loop3A_147 = arith.shli %parallel_loop3A_144, %parallel_loop3A_146 : vector<16xi32>
        %parallel_loop3A_148 = vector.bitcast %parallel_loop3A_147 : vector<16xi32> to vector<16xf32>
        %parallel_loop3A_149 = arith.constant -65536 : i32
        %parallel_loop3A_150 = vector.broadcast %parallel_loop3A_149 : i32 to vector<16xi32>
        %parallel_loop3A_151 = arith.andi %parallel_loop3A_144, %parallel_loop3A_150 : vector<16xi32>
        %parallel_loop3A_152 = vector.bitcast %parallel_loop3A_151 : vector<16xi32> to vector<16xf32>
        tpu.vector_store_idx %arg7[%parallel_loop3A_143], %parallel_loop3A_148 {add = true} : memref<10000xf32, #tpu.memory_space<vmem>>[vector<16xi32>], vector<16xf32>,
        tpu.vector_store_idx %arg8[%parallel_loop3A_143], %parallel_loop3A_152 {add = true} : memref<10000xf32, #tpu.memory_space<vmem>>[vector<16xi32>], vector<16xf32>,
        %parallel_loop3A_153 = tpu.vector_load_idx %arg6[%parallel_loop3A_140] : memref<10000xi32, #tpu.memory_space<vmem>>[vector<16xi32>], vector<16xi32>,
        %parallel_loop3A_154 = arith.constant 16 : i32
        %parallel_loop3A_155 = vector.broadcast %parallel_loop3A_154 : i32 to vector<16xi32>
        %parallel_loop3A_156 = arith.shli %parallel_loop3A_153, %parallel_loop3A_155 : vector<16xi32>
        %parallel_loop3A_157 = vector.bitcast %parallel_loop3A_156 : vector<16xi32> to vector<16xf32>
        %parallel_loop3A_158 = arith.constant -65536 : i32
        %parallel_loop3A_159 = vector.broadcast %parallel_loop3A_158 : i32 to vector<16xi32>
        %parallel_loop3A_160 = arith.andi %parallel_loop3A_153, %parallel_loop3A_159 : vector<16xi32>
        %parallel_loop3A_161 = vector.bitcast %parallel_loop3A_160 : vector<16xi32> to vector<16xf32>
        tpu.vector_store_idx %arg9[%parallel_loop3A_143], %parallel_loop3A_157 {add = true} : memref<10000xf32, #tpu.memory_space<vmem>>[vector<16xi32>], vector<16xf32>,
        tpu.vector_store_idx %arg10[%parallel_loop3A_143], %parallel_loop3A_161 {add = true} : memref<10000xf32, #tpu.memory_space<vmem>>[vector<16xi32>], vector<16xf32>,
      } {sc.loop_unroll_factor = 8 : i64, sc.parallel_access}
      %add3A_125 = arith.constant 3 : i32
      %add3A_126 = arith.addi %mul3A_106, %add3A_125 : i32
      %lt3A_127 = arith.constant 50 : i32
      %lt3A_128 = arith.cmpi slt, %add3A_126, %lt3A_127 : i32
      %convert_element_type3A_129 = arith.extui %lt3A_128 : i1 to i32
      %cond3A_130 = arith.constant 0 : i32
      %cond3A_131 = arith.cmpi ne, %convert_element_type3A_129, %cond3A_130 : i32
      scf.if %cond3A_131 {
        %add3A_133 = arith.constant 3 : i32
        %add3A_134 = arith.addi %mul3A_106, %add3A_133 : i32
        %mul3A_135 = arith.constant 6400 : i32
        %mul3A_136 = arith.muli %add3A_134, %mul3A_135 : i32
        %dma_start3A_137 = tpu.memref_slice %arg3[%mul3A_136] : memref<320000xi32, #tpu.memory_space<hbm>> -> memref<6400xi32, #tpu.memory_space<hbm>>
        %dma_start3A_138 = tpu.memref_slice %arg3[%mul3A_136] : memref<320000xi32, #tpu.memory_space<hbm>> -> memref<6400xi32, #tpu.memory_space<hbm>>
        tpu.enqueue_dma source(%dma_start3A_138 : memref<6400xi32, #tpu.memory_space<hbm>>) target(%arg12 : memref<6400xi32, #tpu.memory_space<vmem>>) target_semaphore(%arg14 : memref<!tpu.dma_semaphore, #tpu.memory_space<semaphore_mem>>)
      } else {
      }
      %scan3A_132 = arith.constant 0 : i32
      scf.yield %scan3A_132 : i32
    }
    %scan3A_46 = arith.constant 25 : i32
    %add3A_47 = arith.constant 0 : i32
    %add3A_48 = arith.addi %mul3A_2, %add3A_47 : i32
    %dma_start3A_49 = arith.constant 0 : i32
    %dma_start3A_50 = tpu.memref_slice %arg4[%add3A_48, %dma_start3A_49] : memref<128x10000xf32, #tpu.memory_space<hbm>> -> memref<1x10000xf32, #tpu.memory_space<hbm>>
    %dma_start3A_51 = tpu.memref_squeeze %dma_start3A_50 : memref<1x10000xf32, #tpu.memory_space<hbm>> -> memref<10000xf32, #tpu.memory_space<hbm>>
    %dma_start3A_52 = arith.constant 0 : i32
    %dma_start3A_53 = tpu.memref_slice %arg4[%add3A_48, %dma_start3A_52] : memref<128x10000xf32, #tpu.memory_space<hbm>> -> memref<1x10000xf32, #tpu.memory_space<hbm>>
    %dma_start3A_54 = tpu.memref_squeeze %dma_start3A_53 : memref<1x10000xf32, #tpu.memory_space<hbm>> -> memref<10000xf32, #tpu.memory_space<hbm>>
    tpu.enqueue_dma source(%arg7 : memref<10000xf32, #tpu.memory_space<vmem>>) target(%dma_start3A_54 : memref<10000xf32, #tpu.memory_space<hbm>>) target_semaphore(%arg15 : memref<!tpu.dma_semaphore, #tpu.memory_space<semaphore_mem>>)
    %add3A_55 = arith.constant 1 : i32
    %add3A_56 = arith.addi %mul3A_2, %add3A_55 : i32
    %dma_start3A_57 = arith.constant 0 : i32
    %dma_start3A_58 = tpu.memref_slice %arg4[%add3A_56, %dma_start3A_57] : memref<128x10000xf32, #tpu.memory_space<hbm>> -> memref<1x10000xf32, #tpu.memory_space<hbm>>
    %dma_start3A_59 = tpu.memref_squeeze %dma_start3A_58 : memref<1x10000xf32, #tpu.memory_space<hbm>> -> memref<10000xf32, #tpu.memory_space<hbm>>
    %dma_start3A_60 = arith.constant 0 : i32
    %dma_start3A_61 = tpu.memref_slice %arg4[%add3A_56, %dma_start3A_60] : memref<128x10000xf32, #tpu.memory_space<hbm>> -> memref<1x10000xf32, #tpu.memory_space<hbm>>
    %dma_start3A_62 = tpu.memref_squeeze %dma_start3A_61 : memref<1x10000xf32, #tpu.memory_space<hbm>> -> memref<10000xf32, #tpu.memory_space<hbm>>
    tpu.enqueue_dma source(%arg8 : memref<10000xf32, #tpu.memory_space<vmem>>) target(%dma_start3A_62 : memref<10000xf32, #tpu.memory_space<hbm>>) target_semaphore(%arg15 : memref<!tpu.dma_semaphore, #tpu.memory_space<semaphore_mem>>)
    %add3A_63 = arith.constant 2 : i32
    %add3A_64 = arith.addi %mul3A_2, %add3A_63 : i32
    %dma_start3A_65 = arith.constant 0 : i32
    %dma_start3A_66 = tpu.memref_slice %arg4[%add3A_64, %dma_start3A_65] : memref<128x10000xf32, #tpu.memory_space<hbm>> -> memref<1x10000xf32, #tpu.memory_space<hbm>>
    %dma_start3A_67 = tpu.memref_squeeze %dma_start3A_66 : memref<1x10000xf32, #tpu.memory_space<hbm>> -> memref<10000xf32, #tpu.memory_space<hbm>>
    %dma_start3A_68 = arith.constant 0 : i32
    %dma_start3A_69 = tpu.memref_slice %arg4[%add3A_64, %dma_start3A_68] : memref<128x10000xf32, #tpu.memory_space<hbm>> -> memref<1x10000xf32, #tpu.memory_space<hbm>>
    %dma_start3A_70 = tpu.memref_squeeze %dma_start3A_69 : memref<1x10000xf32, #tpu.memory_space<hbm>> -> memref<10000xf32, #tpu.memory_space<hbm>>
    tpu.enqueue_dma source(%arg9 : memref<10000xf32, #tpu.memory_space<vmem>>) target(%dma_start3A_70 : memref<10000xf32, #tpu.memory_space<hbm>>) target_semaphore(%arg15 : memref<!tpu.dma_semaphore, #tpu.memory_space<semaphore_mem>>)
    %add3A_71 = arith.constant 3 : i32
    %add3A_72 = arith.addi %mul3A_2, %add3A_71 : i32
    %dma_start3A_73 = arith.constant 0 : i32
    %dma_start3A_74 = tpu.memref_slice %arg4[%add3A_72, %dma_start3A_73] : memref<128x10000xf32, #tpu.memory_space<hbm>> -> memref<1x10000xf32, #tpu.memory_space<hbm>>
    %dma_start3A_75 = tpu.memref_squeeze %dma_start3A_74 : memref<1x10000xf32, #tpu.memory_space<hbm>> -> memref<10000xf32, #tpu.memory_space<hbm>>
    %dma_start3A_76 = arith.constant 0 : i32
    %dma_start3A_77 = tpu.memref_slice %arg4[%add3A_72, %dma_start3A_76] : memref<128x10000xf32, #tpu.memory_space<hbm>> -> memref<1x10000xf32, #tpu.memory_space<hbm>>
    %dma_start3A_78 = tpu.memref_squeeze %dma_start3A_77 : memref<1x10000xf32, #tpu.memory_space<hbm>> -> memref<10000xf32, #tpu.memory_space<hbm>>
    tpu.enqueue_dma source(%arg10 : memref<10000xf32, #tpu.memory_space<vmem>>) target(%dma_start3A_78 : memref<10000xf32, #tpu.memory_space<hbm>>) target_semaphore(%arg15 : memref<!tpu.dma_semaphore, #tpu.memory_space<semaphore_mem>>)
    %dma_wait3A_79 = arith.constant 0 : i32
    %dma_wait3A_80 = tpu.memref_slice %arg4[%add3A_48, %dma_wait3A_79] : memref<128x10000xf32, #tpu.memory_space<hbm>> -> memref<1x10000xf32, #tpu.memory_space<hbm>>
    %dma_wait3A_81 = tpu.memref_squeeze %dma_wait3A_80 : memref<1x10000xf32, #tpu.memory_space<hbm>> -> memref<10000xf32, #tpu.memory_space<hbm>>
    %dma_wait3A_82 = arith.constant 0 : i32
    %dma_wait3A_83 = tpu.memref_slice %arg4[%add3A_48, %dma_wait3A_82] : memref<128x10000xf32, #tpu.memory_space<hbm>> -> memref<1x10000xf32, #tpu.memory_space<hbm>>
    %dma_wait3A_84 = tpu.memref_squeeze %dma_wait3A_83 : memref<1x10000xf32, #tpu.memory_space<hbm>> -> memref<10000xf32, #tpu.memory_space<hbm>>
    tpu.wait_dma2 semaphore(%arg15 : memref<!tpu.dma_semaphore, #tpu.memory_space<semaphore_mem>>) src(%arg7 : memref<10000xf32, #tpu.memory_space<vmem>>) dst(%dma_wait3A_84 : memref<10000xf32, #tpu.memory_space<hbm>>)
    %dma_wait3A_85 = arith.constant 0 : i32
    %dma_wait3A_86 = tpu.memref_slice %arg4[%add3A_56, %dma_wait3A_85] : memref<128x10000xf32, #tpu.memory_space<hbm>> -> memref<1x10000xf32, #tpu.memory_space<hbm>>
    %dma_wait3A_87 = tpu.memref_squeeze %dma_wait3A_86 : memref<1x10000xf32, #tpu.memory_space<hbm>> -> memref<10000xf32, #tpu.memory_space<hbm>>
    %dma_wait3A_88 = arith.constant 0 : i32
    %dma_wait3A_89 = tpu.memref_slice %arg4[%add3A_56, %dma_wait3A_88] : memref<128x10000xf32, #tpu.memory_space<hbm>> -> memref<1x10000xf32, #tpu.memory_space<hbm>>
    %dma_wait3A_90 = tpu.memref_squeeze %dma_wait3A_89 : memref<1x10000xf32, #tpu.memory_space<hbm>> -> memref<10000xf32, #tpu.memory_space<hbm>>
    tpu.wait_dma2 semaphore(%arg15 : memref<!tpu.dma_semaphore, #tpu.memory_space<semaphore_mem>>) src(%arg8 : memref<10000xf32, #tpu.memory_space<vmem>>) dst(%dma_wait3A_90 : memref<10000xf32, #tpu.memory_space<hbm>>)
    %dma_wait3A_91 = arith.constant 0 : i32
    %dma_wait3A_92 = tpu.memref_slice %arg4[%add3A_64, %dma_wait3A_91] : memref<128x10000xf32, #tpu.memory_space<hbm>> -> memref<1x10000xf32, #tpu.memory_space<hbm>>
    %dma_wait3A_93 = tpu.memref_squeeze %dma_wait3A_92 : memref<1x10000xf32, #tpu.memory_space<hbm>> -> memref<10000xf32, #tpu.memory_space<hbm>>
    %dma_wait3A_94 = arith.constant 0 : i32
    %dma_wait3A_95 = tpu.memref_slice %arg4[%add3A_64, %dma_wait3A_94] : memref<128x10000xf32, #tpu.memory_space<hbm>> -> memref<1x10000xf32, #tpu.memory_space<hbm>>
    %dma_wait3A_96 = tpu.memref_squeeze %dma_wait3A_95 : memref<1x10000xf32, #tpu.memory_space<hbm>> -> memref<10000xf32, #tpu.memory_space<hbm>>
    tpu.wait_dma2 semaphore(%arg15 : memref<!tpu.dma_semaphore, #tpu.memory_space<semaphore_mem>>) src(%arg9 : memref<10000xf32, #tpu.memory_space<vmem>>) dst(%dma_wait3A_96 : memref<10000xf32, #tpu.memory_space<hbm>>)
    %dma_wait3A_97 = arith.constant 0 : i32
    %dma_wait3A_98 = tpu.memref_slice %arg4[%add3A_72, %dma_wait3A_97] : memref<128x10000xf32, #tpu.memory_space<hbm>> -> memref<1x10000xf32, #tpu.memory_space<hbm>>
    %dma_wait3A_99 = tpu.memref_squeeze %dma_wait3A_98 : memref<1x10000xf32, #tpu.memory_space<hbm>> -> memref<10000xf32, #tpu.memory_space<hbm>>
    %dma_wait3A_100 = arith.constant 0 : i32
    %dma_wait3A_101 = tpu.memref_slice %arg4[%add3A_72, %dma_wait3A_100] : memref<128x10000xf32, #tpu.memory_space<hbm>> -> memref<1x10000xf32, #tpu.memory_space<hbm>>
    %dma_wait3A_102 = tpu.memref_squeeze %dma_wait3A_101 : memref<1x10000xf32, #tpu.memory_space<hbm>> -> memref<10000xf32, #tpu.memory_space<hbm>>
    tpu.wait_dma2 semaphore(%arg15 : memref<!tpu.dma_semaphore, #tpu.memory_space<semaphore_mem>>) src(%arg10 : memref<10000xf32, #tpu.memory_space<vmem>>) dst(%dma_wait3A_102 : memref<10000xf32, #tpu.memory_space<hbm>>)
    return
  }
}

#map = affine_map<(d0, d1) -> (0, 0)>
#map1 = affine_map<(d0, d1) -> (0)>
#map2 = affine_map<(d0, d1) -> (0, 0, 0)>
module attributes {stable_mosaic.version = 14 : i64} {
  func.func @_agg_out(%arg0: i32, %arg1: i32, %arg2: memref<6x10000xf32, #tpu.memory_space<hbm>>, %arg3: memref<320000xi32, #tpu.memory_space<hbm>>, %arg4: memref<32x3x10000xf32, #tpu.memory_space<hbm>>, %arg5: memref<10000xf32, #tpu.memory_space<vmem>>, %arg6: memref<10000xf32, #tpu.memory_space<vmem>>, %arg7: memref<10000xf32, #tpu.memory_space<vmem>>, %arg8: memref<10000xf32, #tpu.memory_space<vmem>>, %arg9: memref<10000xf32, #tpu.memory_space<vmem>>, %arg10: memref<10000xf32, #tpu.memory_space<vmem>>, %arg11: memref<20000xi32, #tpu.memory_space<vmem>>, %arg12: memref<!tpu.dma_semaphore, #tpu.memory_space<semaphore_mem>>) attributes {dimension_semantics = [#tpu.dimension_semantics<core_parallel>, #tpu.dimension_semantics<subcore_parallel>], iteration_bounds = array<i64: 2, 16>, scalar_prefetch = 0 : i64, scratch_operands = 8 : i64, tpu.core_type = #tpu.core_type<sc_vector_subcore>, window_params = [{transform_indices = #map}, {transform_indices = #map1}, {transform_indices = #map2}]} {
    %mul3A = arith.constant 16 : i32
    %mul3A_0 = arith.muli %arg0, %mul3A : i32
    %add3A = arith.addi %mul3A_0, %arg1 : i32
    %jit3A = arith.constant 16 : i32
    %div3A = arith.divsi %add3A, %jit3A : i32
    %sign3A = arith.constant 0 : i32
    %sign3A_1 = arith.cmpi sgt, %add3A, %sign3A : i32
    %sign3A_2 = arith.extui %sign3A_1 : i1 to i32
    %sign3A_3 = arith.constant 0 : i32
    %sign3A_4 = arith.cmpi slt, %add3A, %sign3A_3 : i32
    %sign3A_5 = arith.extui %sign3A_4 : i1 to i32
    %sign3A_6 = arith.subi %sign3A_2, %sign3A_5 : i32
    %sign3A_7 = arith.constant 0 : i32
    %sign3A_8 = arith.cmpi sgt, %jit3A, %sign3A_7 : i32
    %sign3A_9 = arith.extui %sign3A_8 : i1 to i32
    %sign3A_10 = arith.constant 0 : i32
    %sign3A_11 = arith.cmpi slt, %jit3A, %sign3A_10 : i32
    %sign3A_12 = arith.extui %sign3A_11 : i1 to i32
    %sign3A_13 = arith.subi %sign3A_9, %sign3A_12 : i32
    %ne3A = arith.cmpi ne, %sign3A_6, %sign3A_13 : i32
    %rem3A = arith.remsi %add3A, %jit3A : i32
    %ne3A_14 = arith.constant 0 : i32
    %ne3A_15 = arith.cmpi ne, %rem3A, %ne3A_14 : i32
    %and3A = arith.andi %ne3A, %ne3A_15 : i1
    %sub3A = arith.constant 1 : i32
    %sub3A_16 = arith.subi %div3A, %sub3A : i32
    %select_n3A = arith.select %and3A, %sub3A_16, %div3A : i32
    %jit3A_17 = arith.constant 16 : i32
    %eq3A = arith.constant 0 : i32
    %eq3A_18 = arith.cmpi eq, %jit3A_17, %eq3A : i32
    %jit3A_19 = arith.constant 1 : i32
    %select_n3A_20 = arith.select %eq3A_18, %jit3A_19, %jit3A_17 : i32
    %rem3A_21 = arith.remsi %add3A, %select_n3A_20 : i32
    %ne3A_22 = arith.constant 0 : i32
    %ne3A_23 = arith.cmpi ne, %rem3A_21, %ne3A_22 : i32
    %lt3A = arith.constant 0 : i32
    %lt3A_24 = arith.cmpi slt, %rem3A_21, %lt3A : i32
    %lt3A_25 = arith.constant 0 : i32
    %lt3A_26 = arith.cmpi slt, %select_n3A_20, %lt3A_25 : i32
    %ne3A_27 = arith.xori %lt3A_24, %lt3A_26 : i1
    %and3A_28 = arith.andi %ne3A_27, %ne3A_23 : i1
    %add3A_29 = arith.addi %rem3A_21, %select_n3A_20 : i32
    %select_n3A_30 = arith.select %and3A_28, %add3A_29, %rem3A_21 : i32
    %mul3A_31 = arith.constant 20000 : i32
    %mul3A_32 = arith.muli %select_n3A_30, %mul3A_31 : i32
    %dma_start3A = tpu.memref_slice %arg3[%mul3A_32] : memref<320000xi32, #tpu.memory_space<hbm>> -> memref<20000xi32, #tpu.memory_space<hbm>>
    %dma_start3A_33 = tpu.memref_slice %arg3[%mul3A_32] : memref<320000xi32, #tpu.memory_space<hbm>> -> memref<20000xi32, #tpu.memory_space<hbm>>
    tpu.enqueue_dma source(%dma_start3A_33 : memref<20000xi32, #tpu.memory_space<hbm>>) target(%arg11 : memref<20000xi32, #tpu.memory_space<vmem>>) target_semaphore(%arg12 : memref<!tpu.dma_semaphore, #tpu.memory_space<semaphore_mem>>)
    %mul3A_34 = arith.constant 3 : i32
    %mul3A_35 = arith.muli %select_n3A, %mul3A_34 : i32
    %add3A_36 = arith.constant 0 : i32
    %add3A_37 = arith.addi %mul3A_35, %add3A_36 : i32
    %dma_start3A_38 = arith.constant 0 : i32
    %dma_start3A_39 = tpu.memref_slice %arg2[%add3A_37, %dma_start3A_38] : memref<6x10000xf32, #tpu.memory_space<hbm>> -> memref<1x10000xf32, #tpu.memory_space<hbm>>
    %dma_start3A_40 = tpu.memref_squeeze %dma_start3A_39 : memref<1x10000xf32, #tpu.memory_space<hbm>> -> memref<10000xf32, #tpu.memory_space<hbm>>
    %dma_start3A_41 = arith.constant 0 : i32
    %dma_start3A_42 = tpu.memref_slice %arg2[%add3A_37, %dma_start3A_41] : memref<6x10000xf32, #tpu.memory_space<hbm>> -> memref<1x10000xf32, #tpu.memory_space<hbm>>
    %dma_start3A_43 = tpu.memref_squeeze %dma_start3A_42 : memref<1x10000xf32, #tpu.memory_space<hbm>> -> memref<10000xf32, #tpu.memory_space<hbm>>
    tpu.enqueue_dma source(%dma_start3A_43 : memref<10000xf32, #tpu.memory_space<hbm>>) target(%arg5 : memref<10000xf32, #tpu.memory_space<vmem>>) target_semaphore(%arg12 : memref<!tpu.dma_semaphore, #tpu.memory_space<semaphore_mem>>)
    %mul3A_44 = arith.constant 3 : i32
    %mul3A_45 = arith.muli %select_n3A, %mul3A_44 : i32
    %add3A_46 = arith.constant 1 : i32
    %add3A_47 = arith.addi %mul3A_45, %add3A_46 : i32
    %dma_start3A_48 = arith.constant 0 : i32
    %dma_start3A_49 = tpu.memref_slice %arg2[%add3A_47, %dma_start3A_48] : memref<6x10000xf32, #tpu.memory_space<hbm>> -> memref<1x10000xf32, #tpu.memory_space<hbm>>
    %dma_start3A_50 = tpu.memref_squeeze %dma_start3A_49 : memref<1x10000xf32, #tpu.memory_space<hbm>> -> memref<10000xf32, #tpu.memory_space<hbm>>
    %dma_start3A_51 = arith.constant 0 : i32
    %dma_start3A_52 = tpu.memref_slice %arg2[%add3A_47, %dma_start3A_51] : memref<6x10000xf32, #tpu.memory_space<hbm>> -> memref<1x10000xf32, #tpu.memory_space<hbm>>
    %dma_start3A_53 = tpu.memref_squeeze %dma_start3A_52 : memref<1x10000xf32, #tpu.memory_space<hbm>> -> memref<10000xf32, #tpu.memory_space<hbm>>
    tpu.enqueue_dma source(%dma_start3A_53 : memref<10000xf32, #tpu.memory_space<hbm>>) target(%arg6 : memref<10000xf32, #tpu.memory_space<vmem>>) target_semaphore(%arg12 : memref<!tpu.dma_semaphore, #tpu.memory_space<semaphore_mem>>)
    %mul3A_54 = arith.constant 3 : i32
    %mul3A_55 = arith.muli %select_n3A, %mul3A_54 : i32
    %add3A_56 = arith.constant 2 : i32
    %add3A_57 = arith.addi %mul3A_55, %add3A_56 : i32
    %dma_start3A_58 = arith.constant 0 : i32
    %dma_start3A_59 = tpu.memref_slice %arg2[%add3A_57, %dma_start3A_58] : memref<6x10000xf32, #tpu.memory_space<hbm>> -> memref<1x10000xf32, #tpu.memory_space<hbm>>
    %dma_start3A_60 = tpu.memref_squeeze %dma_start3A_59 : memref<1x10000xf32, #tpu.memory_space<hbm>> -> memref<10000xf32, #tpu.memory_space<hbm>>
    %dma_start3A_61 = arith.constant 0 : i32
    %dma_start3A_62 = tpu.memref_slice %arg2[%add3A_57, %dma_start3A_61] : memref<6x10000xf32, #tpu.memory_space<hbm>> -> memref<1x10000xf32, #tpu.memory_space<hbm>>
    %dma_start3A_63 = tpu.memref_squeeze %dma_start3A_62 : memref<1x10000xf32, #tpu.memory_space<hbm>> -> memref<10000xf32, #tpu.memory_space<hbm>>
    tpu.enqueue_dma source(%dma_start3A_63 : memref<10000xf32, #tpu.memory_space<hbm>>) target(%arg7 : memref<10000xf32, #tpu.memory_space<vmem>>) target_semaphore(%arg12 : memref<!tpu.dma_semaphore, #tpu.memory_space<semaphore_mem>>)
    %parallel_loop3A = arith.constant 0 : i32
    %parallel_loop3A_64 = arith.constant 625 : i32
    %parallel_loop3A_65 = arith.constant 1 : i32
    scf.for %parallel_loop3A_130 = %parallel_loop3A to %parallel_loop3A_64 step %parallel_loop3A_65  : i32 {
      %parallel_loop3A_131 = arith.constant 0.000000e+00 : f32
      %parallel_loop3A_132 = vector.broadcast %parallel_loop3A_131 : f32 to vector<16xf32>
      %parallel_loop3A_133 = arith.constant 16 : i32
      %parallel_loop3A_134 = arith.muli %parallel_loop3A_130, %parallel_loop3A_133 : i32
      %parallel_loop3A_135 = arith.index_cast %parallel_loop3A_134 : i32 to index
      %parallel_loop3A_136 = tpu.vector_load %arg8[%parallel_loop3A_135] {strides = array<i32>} : memref<10000xf32, #tpu.memory_space<vmem>>, vector<16xf32>,
      tpu.vector_store %arg8[%parallel_loop3A_135], %parallel_loop3A_132 {strides = array<i32>} : memref<10000xf32, #tpu.memory_space<vmem>>, vector<16xf32>,
      %parallel_loop3A_137 = arith.constant 16 : i32
      %parallel_loop3A_138 = arith.muli %parallel_loop3A_130, %parallel_loop3A_137 : i32
      %parallel_loop3A_139 = arith.index_cast %parallel_loop3A_138 : i32 to index
      %parallel_loop3A_140 = tpu.vector_load %arg9[%parallel_loop3A_139] {strides = array<i32>} : memref<10000xf32, #tpu.memory_space<vmem>>, vector<16xf32>,
      tpu.vector_store %arg9[%parallel_loop3A_139], %parallel_loop3A_132 {strides = array<i32>} : memref<10000xf32, #tpu.memory_space<vmem>>, vector<16xf32>,
      %parallel_loop3A_141 = arith.constant 16 : i32
      %parallel_loop3A_142 = arith.muli %parallel_loop3A_130, %parallel_loop3A_141 : i32
      %parallel_loop3A_143 = arith.index_cast %parallel_loop3A_142 : i32 to index
      %parallel_loop3A_144 = tpu.vector_load %arg10[%parallel_loop3A_143] {strides = array<i32>} : memref<10000xf32, #tpu.memory_space<vmem>>, vector<16xf32>,
      tpu.vector_store %arg10[%parallel_loop3A_143], %parallel_loop3A_132 {strides = array<i32>} : memref<10000xf32, #tpu.memory_space<vmem>>, vector<16xf32>,
    } {sc.loop_unroll_factor = 8 : i64, sc.parallel_access}
    %dma_wait3A = tpu.memref_slice %arg3[%mul3A_32] : memref<320000xi32, #tpu.memory_space<hbm>> -> memref<20000xi32, #tpu.memory_space<hbm>>
    %dma_wait3A_66 = tpu.memref_slice %arg3[%mul3A_32] : memref<320000xi32, #tpu.memory_space<hbm>> -> memref<20000xi32, #tpu.memory_space<hbm>>
    tpu.wait_dma2 semaphore(%arg12 : memref<!tpu.dma_semaphore, #tpu.memory_space<semaphore_mem>>) src(%dma_wait3A_66 : memref<20000xi32, #tpu.memory_space<hbm>>) dst(%arg11 : memref<20000xi32, #tpu.memory_space<vmem>>)
    %dma_wait3A_67 = arith.constant 0 : i32
    %dma_wait3A_68 = tpu.memref_slice %arg2[%add3A_37, %dma_wait3A_67] : memref<6x10000xf32, #tpu.memory_space<hbm>> -> memref<1x10000xf32, #tpu.memory_space<hbm>>
    %dma_wait3A_69 = tpu.memref_squeeze %dma_wait3A_68 : memref<1x10000xf32, #tpu.memory_space<hbm>> -> memref<10000xf32, #tpu.memory_space<hbm>>
    %dma_wait3A_70 = arith.constant 0 : i32
    %dma_wait3A_71 = tpu.memref_slice %arg2[%add3A_37, %dma_wait3A_70] : memref<6x10000xf32, #tpu.memory_space<hbm>> -> memref<1x10000xf32, #tpu.memory_space<hbm>>
    %dma_wait3A_72 = tpu.memref_squeeze %dma_wait3A_71 : memref<1x10000xf32, #tpu.memory_space<hbm>> -> memref<10000xf32, #tpu.memory_space<hbm>>
    tpu.wait_dma2 semaphore(%arg12 : memref<!tpu.dma_semaphore, #tpu.memory_space<semaphore_mem>>) src(%dma_wait3A_72 : memref<10000xf32, #tpu.memory_space<hbm>>) dst(%arg5 : memref<10000xf32, #tpu.memory_space<vmem>>)
    %dma_wait3A_73 = arith.constant 0 : i32
    %dma_wait3A_74 = tpu.memref_slice %arg2[%add3A_47, %dma_wait3A_73] : memref<6x10000xf32, #tpu.memory_space<hbm>> -> memref<1x10000xf32, #tpu.memory_space<hbm>>
    %dma_wait3A_75 = tpu.memref_squeeze %dma_wait3A_74 : memref<1x10000xf32, #tpu.memory_space<hbm>> -> memref<10000xf32, #tpu.memory_space<hbm>>
    %dma_wait3A_76 = arith.constant 0 : i32
    %dma_wait3A_77 = tpu.memref_slice %arg2[%add3A_47, %dma_wait3A_76] : memref<6x10000xf32, #tpu.memory_space<hbm>> -> memref<1x10000xf32, #tpu.memory_space<hbm>>
    %dma_wait3A_78 = tpu.memref_squeeze %dma_wait3A_77 : memref<1x10000xf32, #tpu.memory_space<hbm>> -> memref<10000xf32, #tpu.memory_space<hbm>>
    tpu.wait_dma2 semaphore(%arg12 : memref<!tpu.dma_semaphore, #tpu.memory_space<semaphore_mem>>) src(%dma_wait3A_78 : memref<10000xf32, #tpu.memory_space<hbm>>) dst(%arg6 : memref<10000xf32, #tpu.memory_space<vmem>>)
    %dma_wait3A_79 = arith.constant 0 : i32
    %dma_wait3A_80 = tpu.memref_slice %arg2[%add3A_57, %dma_wait3A_79] : memref<6x10000xf32, #tpu.memory_space<hbm>> -> memref<1x10000xf32, #tpu.memory_space<hbm>>
    %dma_wait3A_81 = tpu.memref_squeeze %dma_wait3A_80 : memref<1x10000xf32, #tpu.memory_space<hbm>> -> memref<10000xf32, #tpu.memory_space<hbm>>
    %dma_wait3A_82 = arith.constant 0 : i32
    %dma_wait3A_83 = tpu.memref_slice %arg2[%add3A_57, %dma_wait3A_82] : memref<6x10000xf32, #tpu.memory_space<hbm>> -> memref<1x10000xf32, #tpu.memory_space<hbm>>
    %dma_wait3A_84 = tpu.memref_squeeze %dma_wait3A_83 : memref<1x10000xf32, #tpu.memory_space<hbm>> -> memref<10000xf32, #tpu.memory_space<hbm>>
    tpu.wait_dma2 semaphore(%arg12 : memref<!tpu.dma_semaphore, #tpu.memory_space<semaphore_mem>>) src(%dma_wait3A_84 : memref<10000xf32, #tpu.memory_space<hbm>>) dst(%arg7 : memref<10000xf32, #tpu.memory_space<vmem>>)
    %parallel_loop3A_85 = arith.constant 0 : i32
    %parallel_loop3A_86 = arith.constant 1250 : i32
    %parallel_loop3A_87 = arith.constant 1 : i32
    scf.for %parallel_loop3A_130 = %parallel_loop3A_85 to %parallel_loop3A_86 step %parallel_loop3A_87  : i32 {
      %parallel_loop3A_131 = arith.constant 16 : i32
      %parallel_loop3A_132 = arith.muli %parallel_loop3A_130, %parallel_loop3A_131 : i32
      %parallel_loop3A_133 = arith.index_cast %parallel_loop3A_132 : i32 to index
      %parallel_loop3A_134 = tpu.vector_load %arg11[%parallel_loop3A_133] {strides = array<i32>} : memref<20000xi32, #tpu.memory_space<vmem>>, vector<16xi32>,
      %parallel_loop3A_135 = arith.constant 16 : i32
      %parallel_loop3A_136 = vector.broadcast %parallel_loop3A_135 : i32 to vector<16xi32>
      %parallel_loop3A_137 = arith.shrui %parallel_loop3A_134, %parallel_loop3A_136 : vector<16xi32>
      %parallel_loop3A_138 = arith.constant 65535 : i32
      %parallel_loop3A_139 = vector.broadcast %parallel_loop3A_138 : i32 to vector<16xi32>
      %parallel_loop3A_140 = arith.andi %parallel_loop3A_134, %parallel_loop3A_139 : vector<16xi32>
      %parallel_loop3A_141 = tpu.vector_load_idx %arg5[%parallel_loop3A_137] : memref<10000xf32, #tpu.memory_space<vmem>>[vector<16xi32>], vector<16xf32>,
      tpu.vector_store_idx %arg8[%parallel_loop3A_140], %parallel_loop3A_141 {add = true} : memref<10000xf32, #tpu.memory_space<vmem>>[vector<16xi32>], vector<16xf32>,
      %parallel_loop3A_142 = tpu.vector_load_idx %arg6[%parallel_loop3A_137] : memref<10000xf32, #tpu.memory_space<vmem>>[vector<16xi32>], vector<16xf32>,
      tpu.vector_store_idx %arg9[%parallel_loop3A_140], %parallel_loop3A_142 {add = true} : memref<10000xf32, #tpu.memory_space<vmem>>[vector<16xi32>], vector<16xf32>,
      %parallel_loop3A_143 = tpu.vector_load_idx %arg7[%parallel_loop3A_137] : memref<10000xf32, #tpu.memory_space<vmem>>[vector<16xi32>], vector<16xf32>,
      tpu.vector_store_idx %arg10[%parallel_loop3A_140], %parallel_loop3A_143 {add = true} : memref<10000xf32, #tpu.memory_space<vmem>>[vector<16xi32>], vector<16xf32>,
    } {sc.loop_unroll_factor = 8 : i64, sc.parallel_access}
    %dma_start3A_88 = arith.constant 0 : i32
    %dma_start3A_89 = arith.constant 0 : i32
    %dma_start3A_90 = tpu.memref_slice %arg4[%add3A, %dma_start3A_88, %dma_start3A_89] : memref<32x3x10000xf32, #tpu.memory_space<hbm>> -> memref<1x1x10000xf32, #tpu.memory_space<hbm>>
    %dma_start3A_91 = tpu.memref_squeeze %dma_start3A_90 : memref<1x1x10000xf32, #tpu.memory_space<hbm>> -> memref<10000xf32, #tpu.memory_space<hbm>>
    %dma_start3A_92 = arith.constant 0 : i32
    %dma_start3A_93 = tpu.memref_slice %arg4[%add3A, %dma_start3A_88, %dma_start3A_92] : memref<32x3x10000xf32, #tpu.memory_space<hbm>> -> memref<1x1x10000xf32, #tpu.memory_space<hbm>>
    %dma_start3A_94 = tpu.memref_squeeze %dma_start3A_93 : memref<1x1x10000xf32, #tpu.memory_space<hbm>> -> memref<10000xf32, #tpu.memory_space<hbm>>
    tpu.enqueue_dma source(%arg8 : memref<10000xf32, #tpu.memory_space<vmem>>) target(%dma_start3A_94 : memref<10000xf32, #tpu.memory_space<hbm>>) target_semaphore(%arg12 : memref<!tpu.dma_semaphore, #tpu.memory_space<semaphore_mem>>)
    %dma_start3A_95 = arith.constant 1 : i32
    %dma_start3A_96 = arith.constant 0 : i32
    %dma_start3A_97 = tpu.memref_slice %arg4[%add3A, %dma_start3A_95, %dma_start3A_96] : memref<32x3x10000xf32, #tpu.memory_space<hbm>> -> memref<1x1x10000xf32, #tpu.memory_space<hbm>>
    %dma_start3A_98 = tpu.memref_squeeze %dma_start3A_97 : memref<1x1x10000xf32, #tpu.memory_space<hbm>> -> memref<10000xf32, #tpu.memory_space<hbm>>
    %dma_start3A_99 = arith.constant 0 : i32
    %dma_start3A_100 = tpu.memref_slice %arg4[%add3A, %dma_start3A_95, %dma_start3A_99] : memref<32x3x10000xf32, #tpu.memory_space<hbm>> -> memref<1x1x10000xf32, #tpu.memory_space<hbm>>
    %dma_start3A_101 = tpu.memref_squeeze %dma_start3A_100 : memref<1x1x10000xf32, #tpu.memory_space<hbm>> -> memref<10000xf32, #tpu.memory_space<hbm>>
    tpu.enqueue_dma source(%arg9 : memref<10000xf32, #tpu.memory_space<vmem>>) target(%dma_start3A_101 : memref<10000xf32, #tpu.memory_space<hbm>>) target_semaphore(%arg12 : memref<!tpu.dma_semaphore, #tpu.memory_space<semaphore_mem>>)
    %dma_start3A_102 = arith.constant 2 : i32
    %dma_start3A_103 = arith.constant 0 : i32
    %dma_start3A_104 = tpu.memref_slice %arg4[%add3A, %dma_start3A_102, %dma_start3A_103] : memref<32x3x10000xf32, #tpu.memory_space<hbm>> -> memref<1x1x10000xf32, #tpu.memory_space<hbm>>
    %dma_start3A_105 = tpu.memref_squeeze %dma_start3A_104 : memref<1x1x10000xf32, #tpu.memory_space<hbm>> -> memref<10000xf32, #tpu.memory_space<hbm>>
    %dma_start3A_106 = arith.constant 0 : i32
    %dma_start3A_107 = tpu.memref_slice %arg4[%add3A, %dma_start3A_102, %dma_start3A_106] : memref<32x3x10000xf32, #tpu.memory_space<hbm>> -> memref<1x1x10000xf32, #tpu.memory_space<hbm>>
    %dma_start3A_108 = tpu.memref_squeeze %dma_start3A_107 : memref<1x1x10000xf32, #tpu.memory_space<hbm>> -> memref<10000xf32, #tpu.memory_space<hbm>>
    tpu.enqueue_dma source(%arg10 : memref<10000xf32, #tpu.memory_space<vmem>>) target(%dma_start3A_108 : memref<10000xf32, #tpu.memory_space<hbm>>) target_semaphore(%arg12 : memref<!tpu.dma_semaphore, #tpu.memory_space<semaphore_mem>>)
    %dma_wait3A_109 = arith.constant 0 : i32
    %dma_wait3A_110 = arith.constant 0 : i32
    %dma_wait3A_111 = tpu.memref_slice %arg4[%add3A, %dma_wait3A_109, %dma_wait3A_110] : memref<32x3x10000xf32, #tpu.memory_space<hbm>> -> memref<1x1x10000xf32, #tpu.memory_space<hbm>>
    %dma_wait3A_112 = tpu.memref_squeeze %dma_wait3A_111 : memref<1x1x10000xf32, #tpu.memory_space<hbm>> -> memref<10000xf32, #tpu.memory_space<hbm>>
    %dma_wait3A_113 = arith.constant 0 : i32
    %dma_wait3A_114 = tpu.memref_slice %arg4[%add3A, %dma_wait3A_109, %dma_wait3A_113] : memref<32x3x10000xf32, #tpu.memory_space<hbm>> -> memref<1x1x10000xf32, #tpu.memory_space<hbm>>
    %dma_wait3A_115 = tpu.memref_squeeze %dma_wait3A_114 : memref<1x1x10000xf32, #tpu.memory_space<hbm>> -> memref<10000xf32, #tpu.memory_space<hbm>>
    tpu.wait_dma2 semaphore(%arg12 : memref<!tpu.dma_semaphore, #tpu.memory_space<semaphore_mem>>) src(%arg8 : memref<10000xf32, #tpu.memory_space<vmem>>) dst(%dma_wait3A_115 : memref<10000xf32, #tpu.memory_space<hbm>>)
    %dma_wait3A_116 = arith.constant 1 : i32
    %dma_wait3A_117 = arith.constant 0 : i32
    %dma_wait3A_118 = tpu.memref_slice %arg4[%add3A, %dma_wait3A_116, %dma_wait3A_117] : memref<32x3x10000xf32, #tpu.memory_space<hbm>> -> memref<1x1x10000xf32, #tpu.memory_space<hbm>>
    %dma_wait3A_119 = tpu.memref_squeeze %dma_wait3A_118 : memref<1x1x10000xf32, #tpu.memory_space<hbm>> -> memref<10000xf32, #tpu.memory_space<hbm>>
    %dma_wait3A_120 = arith.constant 0 : i32
    %dma_wait3A_121 = tpu.memref_slice %arg4[%add3A, %dma_wait3A_116, %dma_wait3A_120] : memref<32x3x10000xf32, #tpu.memory_space<hbm>> -> memref<1x1x10000xf32, #tpu.memory_space<hbm>>
    %dma_wait3A_122 = tpu.memref_squeeze %dma_wait3A_121 : memref<1x1x10000xf32, #tpu.memory_space<hbm>> -> memref<10000xf32, #tpu.memory_space<hbm>>
    tpu.wait_dma2 semaphore(%arg12 : memref<!tpu.dma_semaphore, #tpu.memory_space<semaphore_mem>>) src(%arg9 : memref<10000xf32, #tpu.memory_space<vmem>>) dst(%dma_wait3A_122 : memref<10000xf32, #tpu.memory_space<hbm>>)
    %dma_wait3A_123 = arith.constant 2 : i32
    %dma_wait3A_124 = arith.constant 0 : i32
    %dma_wait3A_125 = tpu.memref_slice %arg4[%add3A, %dma_wait3A_123, %dma_wait3A_124] : memref<32x3x10000xf32, #tpu.memory_space<hbm>> -> memref<1x1x10000xf32, #tpu.memory_space<hbm>>
    %dma_wait3A_126 = tpu.memref_squeeze %dma_wait3A_125 : memref<1x1x10000xf32, #tpu.memory_space<hbm>> -> memref<10000xf32, #tpu.memory_space<hbm>>
    %dma_wait3A_127 = arith.constant 0 : i32
    %dma_wait3A_128 = tpu.memref_slice %arg4[%add3A, %dma_wait3A_123, %dma_wait3A_127] : memref<32x3x10000xf32, #tpu.memory_space<hbm>> -> memref<1x1x10000xf32, #tpu.memory_space<hbm>>
    %dma_wait3A_129 = tpu.memref_squeeze %dma_wait3A_128 : memref<1x1x10000xf32, #tpu.memory_space<hbm>> -> memref<10000xf32, #tpu.memory_space<hbm>>
    tpu.wait_dma2 semaphore(%arg12 : memref<!tpu.dma_semaphore, #tpu.memory_space<semaphore_mem>>) src(%arg10 : memref<10000xf32, #tpu.memory_space<vmem>>) dst(%dma_wait3A_129 : memref<10000xf32, #tpu.memory_space<hbm>>)
    return
  }
}

module attributes {stable_mosaic.version = 14 : i64} {
  func.func @_mm1_pack_body(%arg0: memref<2x320000xi32, #tpu.memory_space<vmem>>, %arg1: memref<10000x128xf32, #tpu.memory_space<vmem>>, %arg2: memref<128x64xf32, #tpu.memory_space<vmem>>, %arg3: memref<128x64xf32, #tpu.memory_space<vmem>>, %arg4: memref<320000xi32, #tpu.memory_space<vmem>>, %arg5: memref<64x10000xi32, #tpu.memory_space<vmem>>) attributes {dimension_semantics = [], scalar_prefetch = 0 : i64, scratch_operands = 0 : i64, tpu.core_type = #tpu.core_type<tc>} {
    %get3A = arith.constant 0 : index
    %get3A_0 = arith.constant 0 : index
    %get3A_1 = vector.load %arg0[%get3A, %get3A_0] : memref<2x320000xi32, #tpu.memory_space<vmem>>, vector<1x320000xi32>
    %get3A_2 = vector.shape_cast %get3A_1 : vector<1x320000xi32> to vector<320000xi32>
    %shift_left3A = arith.constant 16 : i32
    %shift_left3A_3 = vector.broadcast %shift_left3A : i32 to vector<320000xi32>
    %shift_left3A_4 = arith.shli %get3A_2, %shift_left3A_3 : vector<320000xi32>
    %get3A_5 = arith.constant 1 : index
    %get3A_6 = arith.constant 0 : index
    %get3A_7 = vector.load %arg0[%get3A_5, %get3A_6] : memref<2x320000xi32, #tpu.memory_space<vmem>>, vector<1x320000xi32>
    %get3A_8 = vector.shape_cast %get3A_7 : vector<1x320000xi32> to vector<320000xi32>
    %or3A = arith.ori %shift_left3A_4, %get3A_8 : vector<320000xi32>
    %swap3A = arith.constant 0 : index
    %swap3A_9 = vector.load %arg4[%swap3A] : memref<320000xi32, #tpu.memory_space<vmem>>, vector<320000xi32>
    tpu.vector_store %arg4[%swap3A], %or3A {strides = array<i32>} : memref<320000xi32, #tpu.memory_space<vmem>>, vector<320000xi32>,
    %get3A_10 = arith.constant 0 : index
    %get3A_11 = arith.constant 0 : index
    %get3A_12 = vector.load %arg2[%get3A_10, %get3A_11] : memref<128x64xf32, #tpu.memory_space<vmem>>, vector<128x64xf32>
    %get3A_13 = arith.constant 0 : index
    %get3A_14 = arith.constant 0 : index
    %get3A_15 = vector.load %arg1[%get3A_13, %get3A_14] : memref<10000x128xf32, #tpu.memory_space<vmem>>, vector<10000x128xf32>
    %dot_general3A = arith.constant dense<0.000000e+00> : vector<64x10000xf32>
    %dot_general3A_16 = tpu.matmul %get3A_12, %get3A_15, %dot_general3A {dimension_numbers = #tpu.dot_dimension_numbers<[0], [1], [1], [0], [0, 1, 1, 0], [], []>, transpose_lhs_hint = false} : vector<128x64xf32>, vector<10000x128xf32>, vector<64x10000xf32> -> vector<64x10000xf32>
    %get3A_17 = arith.constant 0 : index
    %get3A_18 = arith.constant 0 : index
    %get3A_19 = vector.load %arg3[%get3A_17, %get3A_18] : memref<128x64xf32, #tpu.memory_space<vmem>>, vector<128x64xf32>
    %get3A_20 = arith.constant 0 : index
    %get3A_21 = arith.constant 0 : index
    %get3A_22 = vector.load %arg1[%get3A_20, %get3A_21] : memref<10000x128xf32, #tpu.memory_space<vmem>>, vector<10000x128xf32>
    %dot_general3A_23 = arith.constant dense<0.000000e+00> : vector<64x10000xf32>
    %dot_general3A_24 = tpu.matmul %get3A_19, %get3A_22, %dot_general3A_23 {dimension_numbers = #tpu.dot_dimension_numbers<[0], [1], [1], [0], [0, 1, 1, 0], [], []>, transpose_lhs_hint = false} : vector<128x64xf32>, vector<10000x128xf32>, vector<64x10000xf32> -> vector<64x10000xf32>
    %convert_element_type3A = arith.truncf %dot_general3A_16 : vector<64x10000xf32> to vector<64x10000xbf16>
    %bitcast_convert_type3A = tpu.bitcast %convert_element_type3A : vector<64x10000xbf16> -> vector<64x10000xi16>
    %convert_element_type3A_25 = arith.extui %bitcast_convert_type3A : vector<64x10000xi16> to vector<64x10000xi32>
    %convert_element_type3A_26 = arith.truncf %dot_general3A_24 : vector<64x10000xf32> to vector<64x10000xbf16>
    %bitcast_convert_type3A_27 = tpu.bitcast %convert_element_type3A_26 : vector<64x10000xbf16> -> vector<64x10000xi16>
    %convert_element_type3A_28 = arith.extui %bitcast_convert_type3A_27 : vector<64x10000xi16> to vector<64x10000xi32>
    %shift_left3A_29 = arith.constant 16 : i32
    %shift_left3A_30 = vector.broadcast %shift_left3A_29 : i32 to vector<64x10000xi32>
    %shift_left3A_31 = arith.shli %convert_element_type3A_28, %shift_left3A_30 : vector<64x10000xi32>
    %or3A_32 = arith.ori %convert_element_type3A_25, %shift_left3A_31 : vector<64x10000xi32>
    %bitcast_convert_type3A_33 = tpu.bitcast %or3A_32 : vector<64x10000xi32> -> vector<64x10000xi32>
    %swap3A_34 = arith.constant 0 : index
    %swap3A_35 = arith.constant 0 : index
    %swap3A_36 = vector.load %arg5[%swap3A_34, %swap3A_35] : memref<64x10000xi32, #tpu.memory_space<vmem>>, vector<64x10000xi32>
    tpu.vector_store %arg5[%swap3A_34, %swap3A_35], %bitcast_convert_type3A_33 {strides = array<i32>} : memref<64x10000xi32, #tpu.memory_space<vmem>>, vector<64x10000xi32>,
    return
  }
}

module attributes {stable_mosaic.version = 14 : i64} {
  func.func @_mm_t_pack_body(%arg0: memref<128x10000xf32, #tpu.memory_space<vmem>>, %arg1: memref<128x64xf32, #tpu.memory_space<vmem>>, %arg2: memref<128x64xf32, #tpu.memory_space<vmem>>, %arg3: memref<64x10000xi32, #tpu.memory_space<vmem>>) attributes {dimension_semantics = [], scalar_prefetch = 0 : i64, scratch_operands = 0 : i64, tpu.core_type = #tpu.core_type<tc>} {
    %get3A = arith.constant 0 : index
    %get3A_0 = arith.constant 0 : index
    %get3A_1 = vector.load %arg1[%get3A, %get3A_0] : memref<128x64xf32, #tpu.memory_space<vmem>>, vector<128x64xf32>
    %get3A_2 = arith.constant 0 : index
    %get3A_3 = arith.constant 0 : index
    %get3A_4 = vector.load %arg0[%get3A_2, %get3A_3] : memref<128x10000xf32, #tpu.memory_space<vmem>>, vector<128x10000xf32>
    %dot_general3A = arith.constant dense<0.000000e+00> : vector<64x10000xf32>
    %dot_general3A_5 = tpu.matmul %get3A_1, %get3A_4, %dot_general3A {dimension_numbers = #tpu.dot_dimension_numbers<[0], [0], [1], [1], [0, 1, 1, 1], [], []>, transpose_lhs_hint = false} : vector<128x64xf32>, vector<128x10000xf32>, vector<64x10000xf32> -> vector<64x10000xf32>
    %get3A_6 = arith.constant 0 : index
    %get3A_7 = arith.constant 0 : index
    %get3A_8 = vector.load %arg2[%get3A_6, %get3A_7] : memref<128x64xf32, #tpu.memory_space<vmem>>, vector<128x64xf32>
    %get3A_9 = arith.constant 0 : index
    %get3A_10 = arith.constant 0 : index
    %get3A_11 = vector.load %arg0[%get3A_9, %get3A_10] : memref<128x10000xf32, #tpu.memory_space<vmem>>, vector<128x10000xf32>
    %dot_general3A_12 = arith.constant dense<0.000000e+00> : vector<64x10000xf32>
    %dot_general3A_13 = tpu.matmul %get3A_8, %get3A_11, %dot_general3A_12 {dimension_numbers = #tpu.dot_dimension_numbers<[0], [0], [1], [1], [0, 1, 1, 1], [], []>, transpose_lhs_hint = false} : vector<128x64xf32>, vector<128x10000xf32>, vector<64x10000xf32> -> vector<64x10000xf32>
    %convert_element_type3A = arith.truncf %dot_general3A_5 : vector<64x10000xf32> to vector<64x10000xbf16>
    %bitcast_convert_type3A = tpu.bitcast %convert_element_type3A : vector<64x10000xbf16> -> vector<64x10000xi16>
    %convert_element_type3A_14 = arith.extui %bitcast_convert_type3A : vector<64x10000xi16> to vector<64x10000xi32>
    %convert_element_type3A_15 = arith.truncf %dot_general3A_13 : vector<64x10000xf32> to vector<64x10000xbf16>
    %bitcast_convert_type3A_16 = tpu.bitcast %convert_element_type3A_15 : vector<64x10000xbf16> -> vector<64x10000xi16>
    %convert_element_type3A_17 = arith.extui %bitcast_convert_type3A_16 : vector<64x10000xi16> to vector<64x10000xi32>
    %shift_left3A = arith.constant 16 : i32
    %shift_left3A_18 = vector.broadcast %shift_left3A : i32 to vector<64x10000xi32>
    %shift_left3A_19 = arith.shli %convert_element_type3A_17, %shift_left3A_18 : vector<64x10000xi32>
    %or3A = arith.ori %convert_element_type3A_14, %shift_left3A_19 : vector<64x10000xi32>
    %bitcast_convert_type3A_20 = tpu.bitcast %or3A : vector<64x10000xi32> -> vector<64x10000xi32>
    %swap3A = arith.constant 0 : index
    %swap3A_21 = arith.constant 0 : index
    %swap3A_22 = vector.load %arg3[%swap3A, %swap3A_21] : memref<64x10000xi32, #tpu.memory_space<vmem>>, vector<64x10000xi32>
    tpu.vector_store %arg3[%swap3A, %swap3A_21], %bitcast_convert_type3A_20 {strides = array<i32>} : memref<64x10000xi32, #tpu.memory_space<vmem>>, vector<64x10000xi32>,
    return
  }
}

module attributes {stable_mosaic.version = 14 : i64} {
  func.func @_mm_t_body(%arg0: memref<128x10000xf32, #tpu.memory_space<vmem>>, %arg1: memref<128x6xf32, #tpu.memory_space<vmem>>, %arg2: memref<6x10000xf32, #tpu.memory_space<vmem>>) attributes {dimension_semantics = [], scalar_prefetch = 0 : i64, scratch_operands = 0 : i64, tpu.core_type = #tpu.core_type<tc>} {
    %get3A = arith.constant 0 : index
    %get3A_0 = arith.constant 0 : index
    %get3A_1 = vector.load %arg1[%get3A, %get3A_0] : memref<128x6xf32, #tpu.memory_space<vmem>>, vector<128x6xf32>
    %get3A_2 = arith.constant 0 : index
    %get3A_3 = arith.constant 0 : index
    %get3A_4 = vector.load %arg0[%get3A_2, %get3A_3] : memref<128x10000xf32, #tpu.memory_space<vmem>>, vector<128x10000xf32>
    %dot_general3A = arith.constant dense<0.000000e+00> : vector<6x10000xf32>
    %dot_general3A_5 = tpu.matmul %get3A_1, %get3A_4, %dot_general3A {dimension_numbers = #tpu.dot_dimension_numbers<[0], [0], [1], [1], [0, 1, 1, 1], [], []>, transpose_lhs_hint = false} : vector<128x6xf32>, vector<128x10000xf32>, vector<6x10000xf32> -> vector<6x10000xf32>
    %swap3A = arith.constant 0 : index
    %swap3A_6 = arith.constant 0 : index
    %swap3A_7 = vector.load %arg2[%swap3A, %swap3A_6] : memref<6x10000xf32, #tpu.memory_space<vmem>>, vector<6x10000xf32>
    tpu.vector_store %arg2[%swap3A, %swap3A_6], %dot_general3A_5 {strides = array<i32>} : memref<6x10000xf32, #tpu.memory_space<vmem>>, vector<6x10000xf32>,
    return
  }
}

module attributes {stable_mosaic.version = 14 : i64} {
  func.func @_comb_body(%arg0: memref<32x3x10000xf32, #tpu.memory_space<vmem>>, %arg1: memref<10000x6xf32, #tpu.memory_space<vmem>>) attributes {dimension_semantics = [], scalar_prefetch = 0 : i64, scratch_operands = 0 : i64, tpu.core_type = #tpu.core_type<tc>} {
    %get3A = arith.constant 0 : index
    %get3A_0 = arith.constant 0 : index
    %get3A_1 = arith.constant 0 : index
    %get3A_2 = vector.load %arg0[%get3A, %get3A_0, %get3A_1] : memref<32x3x10000xf32, #tpu.memory_space<vmem>>, vector<32x3x10000xf32>
    %slice3A = vector.extract_strided_slice %get3A_2 {offsets = [0, 0, 0], sizes = [16, 3, 10000], strides = [1, 1, 1]} : vector<32x3x10000xf32> to vector<16x3x10000xf32>
    %reduce_sum3A = arith.constant dense<0.000000e+00> : vector<3x10000xf32>
    %reduce_sum3A_3 = vector.multi_reduction <add>, %slice3A, %reduce_sum3A [0] : vector<16x3x10000xf32> to vector<3x10000xf32>
    %slice3A_4 = vector.extract_strided_slice %get3A_2 {offsets = [16, 0, 0], sizes = [16, 3, 10000], strides = [1, 1, 1]} : vector<32x3x10000xf32> to vector<16x3x10000xf32>
    %reduce_sum3A_5 = arith.constant dense<0.000000e+00> : vector<3x10000xf32>
    %reduce_sum3A_6 = vector.multi_reduction <add>, %slice3A_4, %reduce_sum3A_5 [0] : vector<16x3x10000xf32> to vector<3x10000xf32>
    %concatenate3A = tpu.concatenate %reduce_sum3A_3, %reduce_sum3A_6 in 0 : vector<3x10000xf32>, vector<3x10000xf32> -> vector<6x10000xf32>
    %iota3A = tpu.iota {dimensions = array<i32: 0>} : vector<6x6xi32>
    %iota3A_7 = tpu.iota {dimensions = array<i32: 1>} : vector<6x6xi32>
    %eq3A = arith.cmpi eq, %iota3A, %iota3A_7 : vector<6x6xi32>
    %convert_element_type3A = arith.extui %eq3A : vector<6x6xi1> to vector<6x6xi32>
    %convert_element_type3A_8 = arith.sitofp %convert_element_type3A : vector<6x6xi32> to vector<6x6xf32>
    %dot_general3A = arith.constant dense<0.000000e+00> : vector<10000x6xf32>
    %dot_general3A_9 = tpu.matmul %concatenate3A, %convert_element_type3A_8, %dot_general3A {dimension_numbers = #tpu.dot_dimension_numbers<[0], [0], [1], [1], [0, 1, 1, 1], [], []>, transpose_lhs_hint = false} : vector<6x10000xf32>, vector<6x6xf32>, vector<10000x6xf32> -> vector<10000x6xf32>
    %swap3A = arith.constant 0 : index
    %swap3A_10 = arith.constant 0 : index
    %swap3A_11 = vector.load %arg1[%swap3A, %swap3A_10] : memref<10000x6xf32, #tpu.memory_space<vmem>>, vector<10000x6xf32>
    tpu.vector_store %arg1[%swap3A, %swap3A_10], %dot_general3A_9 {strides = array<i32>} : memref<10000x6xf32, #tpu.memory_space<vmem>>, vector<10000x6xf32>,
    return
  }
}

</mosaic_0001>

<sc_bundles>
// kernel: kernel.12.cloned.1.call-start
scs
__scs_entry_jumppad:
0x0: {  	(pc) =	sbr.rel $0x88, $3  }
0x1: {  	(tag) =	ssettag $0x0;
	lr =	simm.s32 $0x1  }
0x2: {  	[smem:$0x3F9C] =	sst lr;
	_ =	strace $0xD0000000  }
0x3: {  	_ = 	snop  }
0x4: {  	_ = 	snop  }
0x5: {  	_ = 	snop  }
0x6: {  	_ = 	snop  }
0x7: {  	_ = 	snop  }
__scs_overlays_trampoline_lowered:
0x8: {  	[smem:$0x3FAB] =	sst s0  }
0x9: {  	[smem:$0x3FAC] =	sst s1  }
0xa: {  	[smem:$0x3FAD] =	sst s2  }
0xb: {  	[smem:$0x3FAE] =	sst s3  }
0xc: {  	[smem:$0x3FAF] =	sst s4  }
0xd: {  	[smem:$0x3FB0] =	sst s5  }
0xe: {  	[smem:$0x3FB1] =	sst s6  }
0xf: {  	[smem:$0x3FB2] =	sst s7  }
0x10: {  	[smem:$0x3FB3] =	sst s8  }
0x11: {  	[smem:$0x3FB4] =	sst s9;
	s0 =	simm.s32 @!p0 $0x0  }
0x12: {  	s1 =	sld [smem:$0x3F9A];
	s0 =	simm.s32 @p0 $0x1  }
0x13: {  	[smem:$0x3FB5] =	sst s0;
	s0 =	simm.s32 @!p1 $0x0  }
0x14: {  	s2 =	sld [smem:$0x3F99];
	s0 =	simm.s32 @p1 $0x1  }
0x15: {  	[smem:$0x3FB6] =	sst s0;
	s0 =	simm.s32 @!p2 $0x0  }
0x16: {  	s3 =	sld [smem:$0x3FDB];
	s0 =	simm.s32 @p2 $0x1  }
0x17: {  	s4 =	simm.s32 $0x1BF5;
	[smem:$0x3FB8] =	sst s0  }
0x18: {  	s0 =	sld [smem:$0x3F9B];
	_ =	swait.ge [sflag:s4], $0x0  }
0x19: {  	s7 =	sld [smem:$0x3F9C]  }
0x1a: {  	s8 =	sadd.s32 $0xFFFFE003, lr  }
0x1b: {  	s9 =	sadd.s32 $0xFFFFFEF7, lr;
	s5 =	simm.s32 $0xFFFFFFFF;
	p2 =	slt.u32 s8, $0xFFFFF086  }
0x1c: {  	p1 =	slt.u32 s9, $0xF7A;
	s5 =	simm.s32 @!p2 $0x0  }
0x1d: {  	s5 =	simm.s32 @p1 $0x1;
	p0 =	seq.s32 s7, s2  }
0x1e: {  	s7 =	smul.u32 @!p0 $0xF7A, s2;
	p2 =	seq.s32 @!p0 s5, $0x0  }
0x1f: {  	s9 =	smul.u32 $0xF7A, s1;
	s8 =	simm.s32 @!p0 $0x1BF5;
	p2 =	por !p2, p0  }
0x20: {  	[sflag:s8] =	ssyncset.s32 @!p0 $0xFFFFF086;
	s6 =	sadd.s32 @!p0 s3, s7;
	s7 =	simm.s32 @!p0 $0x108  }
0x21: {  	s3 =	sadd.s32 s3, s9;
	s6 =	sadd.s32 @!p0 $0x88, s6;
	s7 =	simm.s32 @p2 $0x1082  }
0x22: {  	[simem:s7], [sflag:s8] =	dma.local @!p0 [hbm:s6], $0xF7A  }
0x23: {  	s9 =	sor.u32 $0xD0000000, s2;
	s6 =	simm.s32 $0x108;
	_ =	swait.ge @!p0 [sflag:s8], $0x0  }
0x24: {  	s3 =	sadd.s32 $0x88, s3;
	s6 =	simm.s32 @!p1 $0x1082;
	[sflag:s4] =	ssyncset.s32 $0xFFFFF086  }
0x25: {  	[simem:s6], [sflag:s4] =	dma.local [hbm:s3], $0xF7A  }
0x26: {  	[smem:$0x3F9C] =	sst s1;
	(tag) =	ssettag s2;
	_ =	strace s9  }
0x27: {  	s1 =	sld [smem:$0x3FAC]  }
0x28: {  	s2 =	sld [smem:$0x3FAD]  }
0x29: {  	s4 =	sld [smem:$0x3FAF]  }
0x2a: {  	p0 =	seq.s32 s5, $0x0;
	s5 =	sld [smem:$0x3FB0]  }
0x2b: {  	s6 =	sld [smem:$0x3FB1]  }
0x2c: {  	s7 =	sld [smem:$0x3FB2]  }
0x2d: {  	s3 =	simm.s32 $0x108;
	s8 =	sld [smem:$0x3FB3]  }
0x2e: {  	s3 =	simm.s32 @!p0 $0x1082;
	s9 =	sld [smem:$0x3FB4]  }
0x2f: {  	lr =	sadd.s32 s0, s3;
	s0 =	sld [smem:$0x3FAB]  }
0x30: {  	s3 =	sld [smem:$0x3FAE]  }
0x31: {  	[smem:$0x3FB7] =	sst s10  }
0x32: {  	s10 =	sld [smem:$0x3FB5];
	_ =	sdelay $0x3  }
0x33: {  	p0 =	seq.s32 s10, $0x1;
	s10 =	sld [smem:$0x3FB7];
	_ =	sdelay $0x3  }
0x34: {  	[smem:$0x3FB7] =	sst s10  }
0x35: {  	s10 =	sld [smem:$0x3FB6];
	_ =	sdelay $0x3  }
0x36: {  	p1 =	seq.s32 s10, $0x1;
	s10 =	sld [smem:$0x3FB7];
	_ =	sdelay $0x3  }
0x37: {  	[smem:$0x3FB7] =	sst s10  }
0x38: {  	s10 =	sld [smem:$0x3FB8]  }
0x39: {  	_ = 	snop;
	(pc) =	sbr.ind lr, $3  }
0x3a: {  	_ = 	snop  }
0x3b: {  	_ = 	snop  }
0x3c: {  	p2 =	seq.s32 s10, $0x1;
	s10 =	sld [smem:$0x3FB7]  }
0x3d: {  	_ =	shalt  }
0x3e: {  	_ =	shalt  }
0x3f: {  	_ =	shalt  }
0x40: {  	_ =	shalt  }
0x41: {  	_ =	shalt  }
0x42: {  	_ =	shalt  }
0x43: {  	_ =	shalt  }
0x44: {  	_ =	shalt  }
0x45: {  	_ =	shalt  }
0x46: {  	_ =	shalt  }
0x47: {  	_ =	shalt  }
0x48: {  	_ =	shalt  }
0x49: {  	_ =	shalt  }
0x4a: {  	_ =	shalt  }
0x4b: {  	_ =	shalt  }
0x4c: {  	_ =	shalt  }
0x4d: {  	_ =	shalt  }
0x4e: {  	_ =	shalt  }
0x4f: {  	_ =	shalt  }
0x50: {  	_ =	shalt  }
0x51: {  	_ =	shalt  }
0x52: {  	_ =	shalt  }
0x53: {  	_ =	shalt  }
0x54: {  	_ =	shalt  }
0x55: {  	_ =	shalt  }
0x56: {  	_ =	shalt  }
0x57: {  	_ =	shalt  }
0x58: {  	_ =	shalt  }
0x59: {  	_ =	shalt  }
0x5a: {  	_ =	shalt  }
0x5b: {  	_ =	shalt  }
0x5c: {  	_ =	shalt  }
0x5d: {  	_ =	shalt  }
0x5e: {  	_ =	shalt  }
0x5f: {  	_ =	shalt  }
0x60: {  	_ =	shalt  }
0x61: {  	_ =	shalt  }
0x62: {  	_ =	shalt  }
0x63: {  	_ =	shalt  }
0x64: {  	_ =	shalt  }
0x65: {  	_ =	shalt  }
0x66: {  	_ =	shalt  }
0x67: {  	_ =	shalt  }
0x68: {  	_ =	shalt  }
0x69: {  	_ =	shalt  }
0x6a: {  	_ =	shalt  }
0x6b: {  	_ =	shalt  }
0x6c: {  	_ =	shalt  }
0x6d: {  	_ =	shalt  }
0x6e: {  	_ =	shalt  }
0x6f: {  	_ =	shalt  }
0x70: {  	_ =	shalt  }
0x71: {  	_ =	shalt  }
0x72: {  	_ =	shalt  }
0x73: {  	_ =	shalt  }
0x74: {  	_ =	shalt  }
0x75: {  	_ =	shalt  }
0x76: {  	_ =	shalt  }
0x77: {  	_ =	shalt  }
0x78: {  	_ =	shalt  }
0x79: {  	_ =	shalt  }
0x7a: {  	_ =	shalt  }
0x7b: {  	_ =	shalt  }
0x7c: {  	_ =	shalt  }
0x7d: {  	_ =	shalt  }
0x7e: {  	_ =	shalt  }
0x7f: {  	_ =	shalt  }
0x80: {  	_ =	shalt  }
0x81: {  	_ =	shalt  }
0x82: {  	_ =	shalt  }
0x83: {  	_ =	shalt  }
0x84: {  	_ =	shalt  }
0x85: {  	_ =	shalt  }
0x86: {  	_ =	shalt  }
0x87: {  	_ =	shalt  }
.Lfunc_end0:
.L_simem_size_0:
called_computation.1_lowered:
.L_overlay_start_0:
0x88: {  	s2 =	sld [smem:$0x3FD9]  }
0x89: {  	s3 =	sld [smem:$0x3FFE];
	_ =	sdelay $0x1  }
0x8a: {  	s1 =	srdreg.scid  }
0x8b: {  	s0 =	sand.u32 $0x1, s1  }
0x8c: {  	s16 =	sshll.u32 s0, $0xA;
	s2 =	sadd.s32 s3, s2  }
0x8d: {  	s2 =	sadd.s32 s2, s16  }
0x8e: {  	[smem:$0x3FC3] =	sst s2  }
0x8f: {  	_ = 	snop  }
0x90: {  	(tm) =	ssettm $0x1  }
0x91: {  	s17 =	sld [smem:$0x3FFB];
	_ =	sdelay $0x3  }
0x92: {  	_ =	strace s17  }
0x93: {  	s2 =	sld [smem:$0x3FFC];
	_ =	sdelay $0x3  }
0x94: {  	_ =	strace s2  }
0x95: {  	s2 =	sld [smem:$0x3FFD];
	_ =	sdelay $0x3  }
0x96: {  	_ =	strace s2  }
0x97: {  	_ =	strace $0x8FFFFFFF  }
0x98: {  	s18 =	sld [smem:$0x3FDB];
	_ =	sdelay $0x1  }
0x99: {  	s19 =	simm.s32 $_scs_section_size  }
0x9a: {  	s4 =	simm.s32 $_size__tile_overlayer_lowered;
	s5 =	simm.s32 $_tile_overlayer_lowered  }
0x9b: {  	s22 =	simm.s32 $0x1BFF;
	s21 =	sshll.u32 s5, $0x1;
	s2 =	sadd.s32 s19, s18  }
0x9c: {  	s6 =	simm.s32 $0x0;
	s20 =	sshll.u32 s4, $0x1;
	s4 =	sadd.s32 s21, s2  }
0x9d: {  	[timem:s6], [sflag:s22] =	dma.local [hbm:s4], s20  }
0x9e: {  	_ =	swait.ge [sflag:s22], s20  }
0x9f: {  	s3 =	ssub.s32 $0x0, s20;
	[sflag:s22] =	ssyncset.done $0x0  }
0xa0: {  	[sflag:s22] =	ssyncadd.s32 s3;
	_ =	sdelay $0x1  }
0xa1: {  	s23 =	simm.s32 $0x1B8B  }
0xa2: {  	_ =	swait.ge [sflag:s23], $0x1  }
0xa3: {  	[sflag:s23] =	ssyncset.done $0x0  }
0xa4: {  	s25 =	simm.s32 $0x1B8E;
	s24 =	sld [smem:$0x3FFE];
	[sflag:s23] =	ssyncadd.s32 $0xFFFFFFFF  }
0xa5: {  	s26 =	simm.s32 $execute0_lowered;
	[smem:$0x3FD2] =	sst s25  }
0xa6: {  	s4 =	sshll.u32 s26, $0x1;
	_ =	strace $0x80000049;
	[dreg:$0x1] =	wrdreg $0xFFFFFFFF  }
0xa7: {  	s28 =	simm.s32 $_size_execute0_lowered;
	s2 =	sadd.s32 s2, s4;
	[dreg:$0x0] =	wrdreg $0x0  }
0xa8: {  	s4 =	sshll.u32 s28, $0x1;
	[dreg:$0x2] =	wrdreg s2  }
0xa9: {  	[dreg:$0x3] =	wrdreg s4  }
0xaa: {  	[dreg:$0x4] =	wrdreg $0xC0  }
0xab: {  	_ =	task [dreg:s6], $0x5FFFF  }
0xac: {  	[dreg:$0x1] =	wrdreg $0xFFFFFFFF  }
0xad: {  	[dreg:$0x0] =	wrdreg $0x60  }
0xae: {  	[dreg:$0x2] =	wrdreg s24  }
0xaf: {  	[dreg:$0x3] =	wrdreg $0x9  }
0xb0: {  	_ =	task.clear_ibuf [dreg:s6], $0x4FFFF;
	_ =	strace $0x90000049  }
0xb1: {  	s29 =	simm.s32 $0x9;
	_ =	strace $0x8000004B  }
0xb2: {  	_ =	swait.ge [sflag:s29], $0x1  }
0xb3: {  	[sflag:s29] =	ssyncadd.s32 $0xFFFFFFFF  }
0xb4: {  	_ =	strace $0x9000004B  }
0xb5: {  	_ =	sfence  }
0xb6: {  	s30 =	sld [smem:$0x0];
	_ =	sdelay $0x2  }
0xb7: {  	s31 =	sshll.u32 s1, $0xD;
	s1 =	sshrl.u32 s1, $0x2  }
0xb8: {  	s3 =	sand.u32 $0x4000, s31;
	s1 =	sadd.s32 s1, s30  }
0xb9: {  	s0 =	sor.u32 s3, s0;
	s1 =	sshll.u32 s1, $0x11  }
0xba: {  	s0 =	sor.u32 s1, s0  }
0xbb: {  	s0 =	sadd.s32 $0x8F2B, s0  }
0xbc: {  	[sflag:s0] =	ssyncadd.remote.s32 $0x1  }
0xbd: {  	_ =	sfence.sel $0xFFFF  }
0xbe: {  	[dreg:$0x0] =	wrdreg $0xFFFFFFFF;
	(pc) =	sbr.abs _section_cstart, $3  }
0xbf: {  	[dreg:$0x1] =	wrdreg $0xFFFFFFFF  }
0xc0: {  	_ =	task.clear_ibuf [dreg:s6], $0x2FFFF;
	_ =	strace $0x9FFFFFFF  }
0xc1: {  	(tm) =	ssettm $0x7FFFFFFF  }
tec
execute0_lowered:
.L_overlay_start_1:
0x0: {  	(tag) =	ssettag $0x1  }
0x1: {  	s4 =	rddreg [dreg:$0x0];
	s1 =	srdreg.scid  }
0x2: {  	s0 =	rddreg [dreg:$0x1];
	s2 =	simm.s32 $0x0;
	s13 =	simm.s32 $0x10360  }
0x3: {  	s14 =	simm.s32 $0x2710;
	s15 =	simm.s32 $0x3;
	s16 =	simm.s32 $0x1  }
0x4: {  	s17 =	simm.s32 $0x4E20;
	s18 =	simm.s32 $0x7530;
	s3 =	sand.u32 $0x1, s1  }
0x5: {  	s19 =	simm.s32 $0x9C40;
	s1 =	stileid.u32;
	s5 =	sshll.u32 s3, $0x4  }
0x6: {  	s20 =	simm.s32 $0xC350;
	s21 =	simm.s32 $0x2;
	s5 =	sor.u32 s1, s5  }
0x7: {  	s22 =	simm.s32 $0x0;
	[smem:$0x7FF] =	sst s2;
	s8 =	smul.u32 $0x9C4, s5  }
0x8: {  	s6 =	sadd.s32 $0xB600, s4;
	s11 =	sadd.s32 $0x1F000, s4;
	s10 =	smul.u32 $0x4E20, s5  }
0x9: {  	_ =	strace $0x8000004A;
	s7 =	ssub.s32 $0x2, s3;
	s26 =	smul.u32 $0x9C40, s5  }
0xa: {  	s3 =	sadd.s32 $0x1800, s4;
	s9 =	sshrl.u32 s7, $0x1;
	s29 =	smul.u32 $0x1388, s5  }
.Ltmp0:
0xb: {  	s4 =	sadd.s32 $0x1B20, s4;
	s12 =	ssub.s32 s7, s9;
	(pc) =	sbr.rel .LBB2_1-.Ltmp0, $4  }
0xc: {  	s28 =	sshrl.u32 s10, $0x3;
	s5 =	sadd.s32 s6, s8;
	s30 =	sshrl.u32 s26, $0x3  }
0xd: {  	s7 =	sadd.s32 s11, s29;
	s6 =	sadd.s32 s6, s28;
	s31 =	sadd.s32 s11, s30  }
0xe: {  	s11 =	smax.u32 s12, $0x1;
	s12 =	simm.s32 $0xEA60;
	s6 =	sadd.s32 $0x4E2, s6  }
0xf: {  	v0 =	vimm.f32 $0.0e+00;
	s8 =	sadd.s32 $0x4E2, s31;
	s9 =	sadd.s32 $0x9C4, s31;
	s10 =	sadd.s32 $0xEA6, s31  }
.LBB2_10:
0x10: {  	[hbm4b:s7+s2] =	stream.linear.scatter [tilespmem:s17], [sflag:$0x3], $0x2710, $0x38;
	[tilespmem:$0x11C60] =	vst v63  }
0x11: {  	_ = 	snop  }
0x12: {  	[hbm4b:s8+s2] =	stream.linear.scatter [tilespmem:s18], [sflag:$0x3], $0x2710, $0x38;
	[tilespmem:$0x11C60] =	vst v63  }
0x13: {  	_ = 	snop  }
0x14: {  	[hbm4b:s9+s2] =	stream.linear.scatter [tilespmem:s19], [sflag:$0x3], $0x2710, $0x38;
	[tilespmem:$0x11C60] =	vst v63  }
0x15: {  	_ = 	snop  }
0x16: {  	[hbm4b:s10+s2] =	stream.linear.scatter [tilespmem:s20], [sflag:$0x3], $0x2710, $0x38;
	[tilespmem:$0x11C60] =	vst v63  }
0x17: {  	_ =	swait.ge [sflag:s15], $0x2710  }
0x18: {  	[sflag:s15] =	ssyncset.done $0x0  }
0x19: {  	[sflag:s15] =	ssyncadd.s32 $0xFFFFD8F0  }
0x1a: {  	_ =	swait.ge [sflag:s15], $0x2710  }
0x1b: {  	[sflag:s15] =	ssyncset.done $0x0  }
0x1c: {  	s22 =	sadd.s32 $0x1, s22;
	[sflag:s15] =	ssyncadd.s32 $0xFFFFD8F0  }
0x1d: {  	p0 =	sne.s32 s22, s11;
	_ =	swait.ge [sflag:s15], $0x2710  }
.Ltmp1:
0x1e: {  	[sflag:s15] =	ssyncset.done $0x0;
	(pc) =	sbr.rel @!p0 .LBB2_11-.Ltmp1, $4  }
0x1f: {  	[sflag:s15] =	ssyncadd.s32 $0xFFFFD8F0  }
0x20: {  	_ =	swait.ge [sflag:s15], $0x2710  }
0x21: {  	[sflag:s15] =	ssyncset.done $0x0  }
0x22: {  	[sflag:s15] =	ssyncadd.s32 $0xFFFFD8F0  }
.LBB2_1:
0x23: {  	[tilespmem:s12], [sflag:$0x1] =	stream.linear.gather [hbm4b:s3+s2], $0x1900, $0x38;
	[tilespmem:$0x11C60] =	vst v63  }
0x24: {  	_ = 	snop  }
0x25: {  	[tilespmem:s13], [sflag:$0x2] =	stream.linear.gather [hbm4b:s4+s2], $0x1900, $0x38;
	[tilespmem:$0x11C60] =	vst v63  }
0x26: {  	_ = 	snop  }
0x27: {  	[tilespmem:s2], [sflag:$0x3] =	stream.linear.gather [hbm4b:s5+s2], $0x2710, $0x38;
	[tilespmem:$0x11C60] =	vst v63  }
0x28: {  	s25 =	simm.s32 $0x4E60  }
0x29: {  	[tilespmem:s14], [sflag:$0x3] =	stream.linear.gather [hbm4b:s6+s2], $0x2710, $0x38;
	[tilespmem:$0x11C60] =	vst v63  }
0x2a: {  	[tilespmem:s25+$0x30] =	vst v0  }
0x2b: {  	[tilespmem:s25+$0xFFFFFFE0] =	vst v0  }
0x2c: {  	[tilespmem:s25+$0xFFFFFFF0] =	vst v0  }
0x2d: {  	[tilespmem:s25+$0x0] =	vst v0  }
0x2e: {  	[tilespmem:s25+$0xFFFFFFC0] =	vst v0  }
0x2f: {  	[tilespmem:s25+$0x10] =	vst v0  }
0x30: {  	[tilespmem:s25+$0x20] =	vst v0  }
0x31: {  	s24 =	simm.s32 $0x7570;
	[tilespmem:s25+$0xFFFFFFD0] =	vst v0  }
0x32: {  	[tilespmem:s24+$0x30] =	vst v0  }
0x33: {  	[tilespmem:s24+$0xFFFFFFC0] =	vst v0  }
0x34: {  	[tilespmem:s24+$0x10] =	vst v0  }
0x35: {  	[tilespmem:s24+$0xFFFFFFD0] =	vst v0  }
0x36: {  	[tilespmem:s24+$0x20] =	vst v0  }
0x37: {  	[tilespmem:s24+$0x0] =	vst v0  }
0x38: {  	s23 =	simm.s32 $0x9C80;
	[tilespmem:s24+$0xFFFFFFF0] =	vst v0  }
0x39: {  	[tilespmem:s23+$0x30] =	vst v0  }
0x3a: {  	[tilespmem:s23+$0xFFFFFFC0] =	vst v0  }
0x3b: {  	[tilespmem:s23+$0x10] =	vst v0  }
0x3c: {  	[tilespmem:s23+$0xFFFFFFD0] =	vst v0  }
0x3d: {  	[tilespmem:s23+$0x20] =	vst v0  }
0x3e: {  	[tilespmem:s23+$0x0] =	vst v0  }
0x3f: {  	s26 =	simm.s32 $0xC390;
	[tilespmem:s23+$0xFFFFFFF0] =	vst v0  }
0x40: {  	[tilespmem:s26+$0x30] =	vst v0  }
0x41: {  	[tilespmem:s26+$0xFFFFFFC0] =	vst v0  }
0x42: {  	[tilespmem:s26+$0x10] =	vst v0  }
0x43: {  	[tilespmem:s26+$0xFFFFFFD0] =	vst v0  }
0x44: {  	s28 =	simm.s32 $0x0;
	s29 =	simm.s32 $0x9D00;
	s30 =	simm.s32 $0xC410;
	[tilespmem:s26+$0x20] =	vst v0  }
.LBB2_2:
0x45: {  	s28 =	sadd.s32 $0x8, s28;
	[tilespmem:s24+$0xFFFFFFE0] =	vst v0;
	s25 =	sadd.s32 $0x80, s25;
	s24 =	sadd.s32 $0x80, s24  }
0x46: {  	[tilespmem:s25+$0x30] =	vst v0;
	p0 =	slt.u32 s28, $0x268  }
0x47: {  	[tilespmem:s24+$0x30] =	vst v0  }
0x48: {  	[tilespmem:s29+$0x30] =	vst v0  }
0x49: {  	[tilespmem:s26+$0xFFFFFFF0] =	vst v0  }
0x4a: {  	[tilespmem:s26+$0x0] =	vst v0  }
0x4b: {  	[tilespmem:s23+$0xFFFFFFE0] =	vst v0;
	s23 =	smov.u32 s29  }
0x4c: {  	[tilespmem:s26+$0xFFFFFFE0] =	vst v0;
	s26 =	smov.u32 s30  }
0x4d: {  	[tilespmem:s30+$0x30] =	vst v0  }
0x4e: {  	[tilespmem:s25+$0xFFFFFFE0] =	vst v0  }
0x4f: {  	[tilespmem:s25+$0xFFFFFFF0] =	vst v0  }
0x50: {  	[tilespmem:s25+$0x0] =	vst v0  }
0x51: {  	[tilespmem:s25+$0xFFFFFFC0] =	vst v0  }
0x52: {  	[tilespmem:s24+$0xFFFFFFC0] =	vst v0  }
0x53: {  	[tilespmem:s29+$0xFFFFFFC0] =	vst v0  }
0x54: {  	[tilespmem:s30+$0xFFFFFFC0] =	vst v0  }
0x55: {  	[tilespmem:s25+$0x10] =	vst v0  }
0x56: {  	[tilespmem:s24+$0x10] =	vst v0  }
0x57: {  	[tilespmem:s29+$0x10] =	vst v0  }
0x58: {  	[tilespmem:s30+$0x10] =	vst v0  }
0x59: {  	[tilespmem:s25+$0x20] =	vst v0  }
0x5a: {  	[tilespmem:s25+$0xFFFFFFD0] =	vst v0  }
0x5b: {  	[tilespmem:s24+$0xFFFFFFD0] =	vst v0  }
0x5c: {  	[tilespmem:s29+$0xFFFFFFD0] =	vst v0  }
0x5d: {  	[tilespmem:s30+$0xFFFFFFD0] =	vst v0  }
0x5e: {  	[tilespmem:s24+$0x20] =	vst v0  }
0x5f: {  	[tilespmem:s29+$0x20] =	vst v0  }
.Ltmp2:
0x60: {  	[tilespmem:s30+$0x20] =	vst v0;
	(pc) =	sbr.rel @p0 .LBB2_2-.Ltmp2, $4  }
0x61: {  	[tilespmem:s24+$0x0] =	vst v0  }
0x62: {  	[tilespmem:s29+$0x0] =	vst v0  }
0x63: {  	[tilespmem:s24+$0xFFFFFFF0] =	vst v0  }
0x64: {  	s30 =	sadd.s32 $0x80, s30;
	s29 =	sadd.s32 $0x80, s29;
	[tilespmem:s23+$0xFFFFFFF0] =	vst v0  }
0x65: {  	[tilespmem:s24+$0xFFFFFFE0] =	vst v0  }
0x66: {  	[tilespmem:s26+$0xFFFFFFF0] =	vst v0  }
0x67: {  	[tilespmem:s26+$0x0] =	vst v0  }
0x68: {  	[tilespmem:s23+$0xFFFFFFE0] =	vst v0  }
0x69: {  	[tilespmem:s26+$0xFFFFFFE0] =	vst v0  }
0x6a: {  	[tilespmem:$0x7520] =	vst v0  }
0x6b: {  	[tilespmem:$0x9C30] =	vst v0  }
0x6c: {  	[tilespmem:$0xC340] =	vst v0  }
0x6d: {  	[tilespmem:$0xEA50] =	vst v0  }
0x6e: {  	_ =	swait.ge [sflag:s15], $0x2710  }
0x6f: {  	[sflag:s15] =	ssyncset.done $0x0  }
0x70: {  	[sflag:s15] =	ssyncadd.s32 $0xFFFFD8F0  }
0x71: {  	_ =	swait.ge [sflag:s15], $0x2710  }
0x72: {  	[sflag:s15] =	ssyncset.done $0x0  }
0x73: {  	s23 =	simm.s32 $0x0;
	[sflag:s15] =	ssyncadd.s32 $0xFFFFD8F0  }
.LBB2_4:
0x74: {  	_ =	swait.ge [sflag:s16], $0x1900  }
0x75: {  	[sflag:s16] =	ssyncset.done $0x0  }
0x76: {  	s24 =	simm.s32 $0xEAA0;
	[sflag:s16] =	ssyncadd.s32 $0xFFFFE700  }
0x77: {  	v1 =	vld [tilespmem:s24+$0x30]  }
0x78: {  	v2 =	vld [tilespmem:s24+$0xFFFFFFD0]  }
0x79: {  	v3 =	vld [tilespmem:s24+$0xFFFFFFE0]  }
0x7a: {  	v4 =	vld [tilespmem:s24+$0xFFFFFFF0]  }
0x7b: {  	v5 =	vld [tilespmem:s24+$0x0]  }
0x7c: {  	v6 =	vld [tilespmem:s24+$0x10];
	v7 =	vshrl.u32 v1, $0x10  }
0x7d: {  	v12 =	vld [tilespmem:s24+$0xFFFFFFC0];
	v8 =	vshrl.u32 v2, $0x10  }
0x7e: {  	v9 =	vld [tilespmem:s24+$0x20];
	v10 =	vshrl.u32 v3, $0x10  }
0x7f: {  	v11 =	vshrl.u32 v4, $0x10  }
0x80: {  	v13 =	vshrl.u32 v5, $0x10  }
0x81: {  	v14 =	vshrl.u32 v6, $0x10;
	v15 =	vld.idx.msk [tilespmem:v7+s2+$0x0], $0xffff  }
0x82: {  	v21 =	vshrl.u32 v12, $0x10;
	v16 =	vld.idx.msk [tilespmem:v8+s2+$0x0], $0xffff  }
0x83: {  	v17 =	vshrl.u32 v9, $0x10;
	v18 =	vld.idx.msk [tilespmem:v10+s2+$0x0], $0xffff  }
0x84: {  	v1 =	vand.u32 $0xFFFF, v1;
	v19 =	vld.idx.msk [tilespmem:v11+s2+$0x0], $0xffff  }
0x85: {  	v2 =	vand.u32 $0xFFFF, v2;
	v20 =	vld.idx.msk [tilespmem:v13+s2+$0x0], $0xffff  }
0x86: {  	v3 =	vand.u32 $0xFFFF, v3;
	v22 =	vld.idx.msk [tilespmem:v14+s2+$0x0], $0xffff  }
0x87: {  	v4 =	vand.u32 $0xFFFF, v4;
	v40 =	vld.idx.msk [tilespmem:v21+s2+$0x0], $0xffff  }
0x88: {  	v12 =	vand.u32 $0xFFFF, v12;
	v23 =	vld.idx.msk [tilespmem:v17+s2+$0x0], $0xffff;
	v24 =	vshll.u32 v15, $0x10  }
0x89: {  	v5 =	vand.u32 $0xFFFF, v5;
	v39 =	vshll.u32 v16, $0x10;
	[tilespmem:v1+s17+$0x0] =	vst.idx.add.f32.msk $0xffff, v24  }
0x8a: {  	v6 =	vand.u32 $0xFFFF, v6;
	v41 =	vshll.u32 v18, $0x10;
	[tilespmem:v2+s17+$0x0] =	vst.idx.add.f32.msk $0xffff, v39  }
0x8b: {  	v43 =	vshll.u32 v19, $0x10;
	[tilespmem:v3+s17+$0x0] =	vst.idx.add.f32.msk $0xffff, v41  }
0x8c: {  	v45 =	vshll.u32 v40, $0x10;
	[tilespmem:v4+s17+$0x0] =	vst.idx.add.f32.msk $0xffff, v43  }
0x8d: {  	v47 =	vshll.u32 v20, $0x10;
	[tilespmem:v12+s17+$0x0] =	vst.idx.add.f32.msk $0xffff, v45  }
0x8e: {  	v49 =	vshll.u32 v22, $0x10;
	[tilespmem:v5+s17+$0x0] =	vst.idx.add.f32.msk $0xffff, v47  }
0x8f: {  	v15 =	vand.u32 $0xFFFF0000, v15;
	[tilespmem:v6+s17+$0x0] =	vst.idx.add.f32.msk $0xffff, v49  }
0x90: {  	v16 =	vand.u32 $0xFFFF0000, v16;
	[tilespmem:v1+s18+$0x0] =	vst.idx.add.f32.msk $0xffff, v15  }
0x91: {  	v42 =	vand.u32 $0xFFFF0000, v18;
	[tilespmem:v2+s18+$0x0] =	vst.idx.add.f32.msk $0xffff, v16  }
0x92: {  	v46 =	vand.u32 $0xFFFF0000, v19;
	[tilespmem:v3+s18+$0x0] =	vst.idx.add.f32.msk $0xffff, v42  }
0x93: {  	v48 =	vand.u32 $0xFFFF0000, v20;
	[tilespmem:v4+s18+$0x0] =	vst.idx.add.f32.msk $0xffff, v46  }
0x94: {  	v50 =	vand.u32 $0xFFFF0000, v22;
	[tilespmem:v5+s18+$0x0] =	vst.idx.add.f32.msk $0xffff, v48  }
0x95: {  	[tilespmem:v6+s18+$0x0] =	vst.idx.add.f32.msk $0xffff, v50  }
0x96: {  	v7 =	vld.idx.msk [tilespmem:v7+s14+$0x0], $0xffff  }
0x97: {  	v8 =	vld.idx.msk [tilespmem:v8+s14+$0x0], $0xffff  }
0x98: {  	v54 =	vld.idx.msk [tilespmem:v10+s14+$0x0], $0xffff  }
0x99: {  	v55 =	vld.idx.msk [tilespmem:v11+s14+$0x0], $0xffff  }
0x9a: {  	v56 =	vld.idx.msk [tilespmem:v13+s14+$0x0], $0xffff  }
0x9b: {  	v57 =	vld.idx.msk [tilespmem:v14+s14+$0x0], $0xffff;
	v44 =	vshll.u32 v7, $0x10  }
0x9c: {  	v60 =	vshll.u32 v8, $0x10;
	[tilespmem:v1+s19+$0x0] =	vst.idx.add.f32.msk $0xffff, v44  }
0x9d: {  	v62 =	vshll.u32 v54, $0x10;
	[tilespmem:v2+s19+$0x0] =	vst.idx.add.f32.msk $0xffff, v60  }
0x9e: {  	v63 =	vshll.u32 v55, $0x10;
	[tilespmem:v3+s19+$0x0] =	vst.idx.add.f32.msk $0xffff, v62  }
0x9f: {  	v7 =	vand.u32 $0xFFFF0000, v7;
	[tilespmem:v4+s19+$0x0] =	vst.idx.add.f32.msk $0xffff, v63  }
0xa0: {  	v61 =	vand.u32 $0xFFFF0000, v8;
	[tilespmem:v1+s20+$0x0] =	vst.idx.add.f32.msk $0xffff, v7  }
0xa1: {  	v1 =	vand.u32 $0xFFFF0000, v40;
	[tilespmem:v2+s20+$0x0] =	vst.idx.add.f32.msk $0xffff, v61  }
0xa2: {  	v2 =	vand.u32 $0xFFFF0000, v54;
	[tilespmem:v12+s18+$0x0] =	vst.idx.add.f32.msk $0xffff, v1;
	v1 =	vand.u32 $0xFFFF, v9  }
0xa3: {  	[tilespmem:v3+s20+$0x0] =	vst.idx.add.f32.msk $0xffff, v2  }
0xa4: {  	v2 =	vand.u32 $0xFFFF0000, v55;
	v53 =	vld.idx.msk [tilespmem:v21+s14+$0x0], $0xffff  }
0xa5: {  	v3 =	vshll.u32 v56, $0x10;
	[tilespmem:v4+s20+$0x0] =	vst.idx.add.f32.msk $0xffff, v2  }
0xa6: {  	v51 =	vshll.u32 v23, $0x10;
	[tilespmem:v5+s19+$0x0] =	vst.idx.add.f32.msk $0xffff, v3  }
0xa7: {  	v52 =	vand.u32 $0xFFFF0000, v23;
	[tilespmem:v1+s17+$0x0] =	vst.idx.add.f32.msk $0xffff, v51  }
0xa8: {  	[tilespmem:v1+s18+$0x0] =	vst.idx.add.f32.msk $0xffff, v52  }
0xa9: {  	v2 =	vand.u32 $0xFFFF0000, v56;
	v59 =	vld.idx.msk [tilespmem:v17+s14+$0x0], $0xffff  }
0xaa: {  	v3 =	vshll.u32 v57, $0x10;
	[tilespmem:v5+s20+$0x0] =	vst.idx.add.f32.msk $0xffff, v2  }
0xab: {  	v4 =	vand.u32 $0xFFFF0000, v57;
	[tilespmem:v6+s19+$0x0] =	vst.idx.add.f32.msk $0xffff, v3  }
0xac: {  	[tilespmem:v6+s20+$0x0] =	vst.idx.add.f32.msk $0xffff, v4;
	v58 =	vshll.u32 v53, $0x10  }
0xad: {  	v7 =	vand.u32 $0xFFFF0000, v53;
	[tilespmem:v12+s19+$0x0] =	vst.idx.add.f32.msk $0xffff, v58  }
0xae: {  	s25 =	simm.s32 $0xEB20;
	s24 =	simm.s32 $0x0;
	[tilespmem:v12+s20+$0x0] =	vst.idx.add.f32.msk $0xffff, v7;
	v3 =	vshll.u32 v59, $0x10;
	v2 =	vand.u32 $0xFFFF0000, v59  }
.LBB2_5:
0xaf: {  	v4 =	vld [tilespmem:s25+$0x30]  }
0xb0: {  	v5 =	vld [tilespmem:s25+$0xFFFFFFD0]  }
0xb1: {  	s24 =	sadd.s32 $0x8, s24;
	v6 =	vld [tilespmem:s25+$0xFFFFFFE0]  }
0xb2: {  	p0 =	slt.u32 s24, $0x188;
	v7 =	vld [tilespmem:s25+$0xFFFFFFF0]  }
0xb3: {  	v8 =	vld [tilespmem:s25+$0x0]  }
0xb4: {  	v9 =	vld [tilespmem:s25+$0x10];
	v10 =	vshrl.u32 v4, $0x10  }
0xb5: {  	v11 =	vshrl.u32 v5, $0x10;
	v5 =	vand.u32 $0xFFFF, v5;
	v12 =	vld [tilespmem:s25+$0x20]  }
0xb6: {  	v13 =	vld [tilespmem:s25+$0xFFFFFFC0];
	v14 =	vshrl.u32 v6, $0x10;
	v6 =	vand.u32 $0xFFFF, v6  }
0xb7: {  	v15 =	vshrl.u32 v7, $0x10;
	v7 =	vand.u32 $0xFFFF, v7;
	[tilespmem:v1+s19+$0x0] =	vst.idx.add.f32.msk $0xffff, v3  }
0xb8: {  	v3 =	vshrl.u32 v8, $0x10;
	v8 =	vand.u32 $0xFFFF, v8;
	[tilespmem:v1+s20+$0x0] =	vst.idx.add.f32.msk $0xffff, v2  }
0xb9: {  	v2 =	vshrl.u32 v9, $0x10;
	v9 =	vand.u32 $0xFFFF, v9;
	v16 =	vld.idx.msk [tilespmem:v10+s2+$0x0], $0xffff  }
0xba: {  	v17 =	vld.idx.msk [tilespmem:v11+s2+$0x0], $0xffff;
	v18 =	vshrl.u32 v12, $0x10;
	v1 =	vand.u32 $0xFFFF, v12  }
0xbb: {  	v4 =	vand.u32 $0xFFFF, v4;
	v12 =	vshrl.u32 v13, $0x10;
	v13 =	vand.u32 $0xFFFF, v13;
	v19 =	vld.idx.msk [tilespmem:v14+s2+$0x0], $0xffff  }
0xbc: {  	v20 =	vld.idx.msk [tilespmem:v15+s2+$0x0], $0xffff  }
0xbd: {  	v21 =	vld.idx.msk [tilespmem:v3+s2+$0x0], $0xffff  }
0xbe: {  	v22 =	vld.idx.msk [tilespmem:v2+s2+$0x0], $0xffff  }
0xbf: {  	v24 =	vshll.u32 v16, $0x10;
	v23 =	vld.idx.msk [tilespmem:v18+s2+$0x0], $0xffff  }
0xc0: {  	v16 =	vand.u32 $0xFFFF0000, v16;
	v25 =	vshll.u32 v17, $0x10;
	v17 =	vand.u32 $0xFFFF0000, v17;
	[tilespmem:v4+s17+$0x0] =	vst.idx.add.f32.msk $0xffff, v24  }
0xc1: {  	v24 =	vshll.u32 v19, $0x10;
	v19 =	vand.u32 $0xFFFF0000, v19;
	[tilespmem:v4+s18+$0x0] =	vst.idx.add.f32.msk $0xffff, v16  }
0xc2: {  	v16 =	vshll.u32 v20, $0x10;
	v20 =	vand.u32 $0xFFFF0000, v20;
	v10 =	vld.idx.msk [tilespmem:v10+s14+$0x0], $0xffff  }
0xc3: {  	v27 =	vshll.u32 v21, $0x10;
	v21 =	vand.u32 $0xFFFF0000, v21;
	v26 =	vld.idx.msk [tilespmem:v12+s2+$0x0], $0xffff  }
0xc4: {  	[tilespmem:v5+s17+$0x0] =	vst.idx.add.f32.msk $0xffff, v25;
	v25 =	vshll.u32 v22, $0x10;
	v22 =	vand.u32 $0xFFFF0000, v22  }
0xc5: {  	[tilespmem:v5+s18+$0x0] =	vst.idx.add.f32.msk $0xffff, v17;
	v17 =	vshll.u32 v23, $0x10;
	v23 =	vand.u32 $0xFFFF0000, v23  }
0xc6: {  	[tilespmem:v6+s17+$0x0] =	vst.idx.add.f32.msk $0xffff, v24  }
0xc7: {  	[tilespmem:v6+s18+$0x0] =	vst.idx.add.f32.msk $0xffff, v19  }
0xc8: {  	[tilespmem:v7+s17+$0x0] =	vst.idx.add.f32.msk $0xffff, v16;
	v16 =	vshll.u32 v10, $0x10  }
0xc9: {  	v19 =	vshll.u32 v26, $0x10;
	v24 =	vand.u32 $0xFFFF0000, v26;
	v10 =	vand.u32 $0xFFFF0000, v10;
	[tilespmem:v4+s19+$0x0] =	vst.idx.add.f32.msk $0xffff, v16  }
0xca: {  	[tilespmem:v4+s20+$0x0] =	vst.idx.add.f32.msk $0xffff, v10  }
0xcb: {  	[tilespmem:v13+s17+$0x0] =	vst.idx.add.f32.msk $0xffff, v19  }
0xcc: {  	[tilespmem:v13+s18+$0x0] =	vst.idx.add.f32.msk $0xffff, v24  }
0xcd: {  	[tilespmem:v7+s18+$0x0] =	vst.idx.add.f32.msk $0xffff, v20  }
0xce: {  	[tilespmem:v8+s17+$0x0] =	vst.idx.add.f32.msk $0xffff, v27  }
0xcf: {  	[tilespmem:v8+s18+$0x0] =	vst.idx.add.f32.msk $0xffff, v21  }
0xd0: {  	[tilespmem:v9+s17+$0x0] =	vst.idx.add.f32.msk $0xffff, v25  }
0xd1: {  	[tilespmem:v9+s18+$0x0] =	vst.idx.add.f32.msk $0xffff, v22  }
0xd2: {  	[tilespmem:v1+s17+$0x0] =	vst.idx.add.f32.msk $0xffff, v17  }
0xd3: {  	[tilespmem:v1+s18+$0x0] =	vst.idx.add.f32.msk $0xffff, v23  }
0xd4: {  	v4 =	vld.idx.msk [tilespmem:v12+s14+$0x0], $0xffff  }
0xd5: {  	v10 =	vld.idx.msk [tilespmem:v11+s14+$0x0], $0xffff  }
0xd6: {  	v11 =	vld.idx.msk [tilespmem:v14+s14+$0x0], $0xffff  }
0xd7: {  	v12 =	vld.idx.msk [tilespmem:v15+s14+$0x0], $0xffff  }
0xd8: {  	v3 =	vld.idx.msk [tilespmem:v3+s14+$0x0], $0xffff  }
0xd9: {  	v2 =	vld.idx.msk [tilespmem:v2+s14+$0x0], $0xffff  }
0xda: {  	v14 =	vshll.u32 v4, $0x10;
	v4 =	vand.u32 $0xFFFF0000, v4;
	v15 =	vld.idx.msk [tilespmem:v18+s14+$0x0], $0xffff  }
0xdb: {  	[tilespmem:v13+s19+$0x0] =	vst.idx.add.f32.msk $0xffff, v14;
	v14 =	vshll.u32 v10, $0x10;
	v10 =	vand.u32 $0xFFFF0000, v10  }
0xdc: {  	[tilespmem:v13+s20+$0x0] =	vst.idx.add.f32.msk $0xffff, v4;
	v4 =	vshll.u32 v11, $0x10;
	v11 =	vand.u32 $0xFFFF0000, v11  }
0xdd: {  	v13 =	vshll.u32 v12, $0x10;
	v12 =	vand.u32 $0xFFFF0000, v12;
	[tilespmem:v5+s19+$0x0] =	vst.idx.add.f32.msk $0xffff, v14  }
0xde: {  	[tilespmem:v5+s20+$0x0] =	vst.idx.add.f32.msk $0xffff, v10;
	v5 =	vshll.u32 v3, $0x10;
	v10 =	vand.u32 $0xFFFF0000, v3  }
0xdf: {  	v14 =	vand.u32 $0xFFFF0000, v2;
	[tilespmem:v6+s19+$0x0] =	vst.idx.add.f32.msk $0xffff, v4;
	v4 =	vshll.u32 v2, $0x10  }
0xe0: {  	v3 =	vshll.u32 v15, $0x10;
	v2 =	vand.u32 $0xFFFF0000, v15;
	[tilespmem:v6+s20+$0x0] =	vst.idx.add.f32.msk $0xffff, v11  }
0xe1: {  	[tilespmem:v7+s19+$0x0] =	vst.idx.add.f32.msk $0xffff, v13  }
.Ltmp3:
0xe2: {  	[tilespmem:v7+s20+$0x0] =	vst.idx.add.f32.msk $0xffff, v12;
	(pc) =	sbr.rel @p0 .LBB2_5-.Ltmp3, $4  }
0xe3: {  	[tilespmem:v8+s19+$0x0] =	vst.idx.add.f32.msk $0xffff, v5  }
0xe4: {  	[tilespmem:v8+s20+$0x0] =	vst.idx.add.f32.msk $0xffff, v10  }
0xe5: {  	[tilespmem:v9+s19+$0x0] =	vst.idx.add.f32.msk $0xffff, v4  }
0xe6: {  	s25 =	sadd.s32 $0x80, s25;
	[tilespmem:v9+s20+$0x0] =	vst.idx.add.f32.msk $0xffff, v14  }
0xe7: {  	p0 =	seq.s32 s23, $0x18  }
0xe8: {  	s24 =	smul.u32 @!p0 $0x3200, s23;
	_ =	sdelay $0x1  }
0xe9: {  	s24 =	sshrl.u32 @!p0 s24, $0x3  }
0xea: {  	[tilespmem:v1+s19+$0x0] =	vst.idx.add.f32.msk $0xffff, v3;
	s24 =	sadd.s32 @!p0 s3, s24  }
0xeb: {  	[tilespmem:v1+s20+$0x0] =	vst.idx.add.f32.msk $0xffff, v2;
	s25 =	simm.s32 @!p0 $0x0;
	s26 =	simm.s32 @!p0 $0xEA60;
	s24 =	sadd.s32 @!p0 $0x640, s24  }
0xec: {  	[tilespmem:s26], [sflag:$0x1] =	stream.linear.gather @!p0 [hbm4b:s24+s25], $0x1900, $0x38;
	[tilespmem:$0x11C60] =	vst v63  }
0xed: {  	_ =	swait.ge [sflag:s21], $0x1900  }
0xee: {  	[sflag:s21] =	ssyncset.done $0x0  }
0xef: {  	s31 =	simm.s32 $0x103A0;
	[sflag:s21] =	ssyncadd.s32 $0xFFFFE700  }
0xf0: {  	v1 =	vld [tilespmem:s31+$0x30]  }
0xf1: {  	v2 =	vld [tilespmem:s31+$0xFFFFFFD0]  }
0xf2: {  	v3 =	vld [tilespmem:s31+$0xFFFFFFE0]  }
0xf3: {  	v4 =	vld [tilespmem:s31+$0xFFFFFFF0]  }
0xf4: {  	v5 =	vld [tilespmem:s31+$0x0]  }
0xf5: {  	v6 =	vld [tilespmem:s31+$0x10];
	v7 =	vshrl.u32 v1, $0x10  }
0xf6: {  	v12 =	vld [tilespmem:s31+$0xFFFFFFC0];
	v8 =	vshrl.u32 v2, $0x10  }
0xf7: {  	v9 =	vld [tilespmem:s31+$0x20];
	v10 =	vshrl.u32 v3, $0x10  }
0xf8: {  	v11 =	vshrl.u32 v4, $0x10  }
0xf9: {  	v13 =	vshrl.u32 v5, $0x10  }
0xfa: {  	v14 =	vshrl.u32 v6, $0x10;
	v15 =	vld.idx.msk [tilespmem:v7+s2+$0x0], $0xffff  }
0xfb: {  	v21 =	vshrl.u32 v12, $0x10;
	v16 =	vld.idx.msk [tilespmem:v8+s2+$0x0], $0xffff  }
0xfc: {  	v17 =	vshrl.u32 v9, $0x10;
	v18 =	vld.idx.msk [tilespmem:v10+s2+$0x0], $0xffff  }
0xfd: {  	v1 =	vand.u32 $0xFFFF, v1;
	v19 =	vld.idx.msk [tilespmem:v11+s2+$0x0], $0xffff  }
0xfe: {  	v2 =	vand.u32 $0xFFFF, v2;
	v20 =	vld.idx.msk [tilespmem:v13+s2+$0x0], $0xffff  }
0xff: {  	v3 =	vand.u32 $0xFFFF, v3;
	v22 =	vld.idx.msk [tilespmem:v14+s2+$0x0], $0xffff  }
0x100: {  	v4 =	vand.u32 $0xFFFF, v4;
	v40 =	vld.idx.msk [tilespmem:v21+s2+$0x0], $0xffff  }
0x101: {  	v12 =	vand.u32 $0xFFFF, v12;
	v23 =	vld.idx.msk [tilespmem:v17+s2+$0x0], $0xffff;
	v24 =	vshll.u32 v15, $0x10  }
0x102: {  	v5 =	vand.u32 $0xFFFF, v5;
	v39 =	vshll.u32 v16, $0x10;
	[tilespmem:v1+s17+$0x0] =	vst.idx.add.f32.msk $0xffff, v24  }
0x103: {  	v6 =	vand.u32 $0xFFFF, v6;
	v41 =	vshll.u32 v18, $0x10;
	[tilespmem:v2+s17+$0x0] =	vst.idx.add.f32.msk $0xffff, v39  }
0x104: {  	v43 =	vshll.u32 v19, $0x10;
	[tilespmem:v3+s17+$0x0] =	vst.idx.add.f32.msk $0xffff, v41  }
0x105: {  	v45 =	vshll.u32 v40, $0x10;
	[tilespmem:v4+s17+$0x0] =	vst.idx.add.f32.msk $0xffff, v43  }
0x106: {  	v47 =	vshll.u32 v20, $0x10;
	[tilespmem:v12+s17+$0x0] =	vst.idx.add.f32.msk $0xffff, v45  }
0x107: {  	v49 =	vshll.u32 v22, $0x10;
	[tilespmem:v5+s17+$0x0] =	vst.idx.add.f32.msk $0xffff, v47  }
0x108: {  	v15 =	vand.u32 $0xFFFF0000, v15;
	[tilespmem:v6+s17+$0x0] =	vst.idx.add.f32.msk $0xffff, v49  }
0x109: {  	v16 =	vand.u32 $0xFFFF0000, v16;
	[tilespmem:v1+s18+$0x0] =	vst.idx.add.f32.msk $0xffff, v15  }
0x10a: {  	v42 =	vand.u32 $0xFFFF0000, v18;
	[tilespmem:v2+s18+$0x0] =	vst.idx.add.f32.msk $0xffff, v16  }
0x10b: {  	v46 =	vand.u32 $0xFFFF0000, v19;
	[tilespmem:v3+s18+$0x0] =	vst.idx.add.f32.msk $0xffff, v42  }
0x10c: {  	v48 =	vand.u32 $0xFFFF0000, v20;
	[tilespmem:v4+s18+$0x0] =	vst.idx.add.f32.msk $0xffff, v46  }
0x10d: {  	v50 =	vand.u32 $0xFFFF0000, v22;
	[tilespmem:v5+s18+$0x0] =	vst.idx.add.f32.msk $0xffff, v48  }
0x10e: {  	[tilespmem:v6+s18+$0x0] =	vst.idx.add.f32.msk $0xffff, v50  }
0x10f: {  	v7 =	vld.idx.msk [tilespmem:v7+s14+$0x0], $0xffff  }
0x110: {  	v8 =	vld.idx.msk [tilespmem:v8+s14+$0x0], $0xffff  }
0x111: {  	v54 =	vld.idx.msk [tilespmem:v10+s14+$0x0], $0xffff  }
0x112: {  	v55 =	vld.idx.msk [tilespmem:v11+s14+$0x0], $0xffff  }
0x113: {  	v56 =	vld.idx.msk [tilespmem:v13+s14+$0x0], $0xffff  }
0x114: {  	v57 =	vld.idx.msk [tilespmem:v14+s14+$0x0], $0xffff;
	v44 =	vshll.u32 v7, $0x10  }
0x115: {  	v60 =	vshll.u32 v8, $0x10;
	[tilespmem:v1+s19+$0x0] =	vst.idx.add.f32.msk $0xffff, v44  }
0x116: {  	v62 =	vshll.u32 v54, $0x10;
	[tilespmem:v2+s19+$0x0] =	vst.idx.add.f32.msk $0xffff, v60  }
0x117: {  	v63 =	vshll.u32 v55, $0x10;
	[tilespmem:v3+s19+$0x0] =	vst.idx.add.f32.msk $0xffff, v62  }
0x118: {  	v7 =	vand.u32 $0xFFFF0000, v7;
	[tilespmem:v4+s19+$0x0] =	vst.idx.add.f32.msk $0xffff, v63  }
0x119: {  	v61 =	vand.u32 $0xFFFF0000, v8;
	[tilespmem:v1+s20+$0x0] =	vst.idx.add.f32.msk $0xffff, v7  }
0x11a: {  	v1 =	vand.u32 $0xFFFF0000, v40;
	[tilespmem:v2+s20+$0x0] =	vst.idx.add.f32.msk $0xffff, v61  }
0x11b: {  	v2 =	vand.u32 $0xFFFF0000, v54;
	[tilespmem:v12+s18+$0x0] =	vst.idx.add.f32.msk $0xffff, v1;
	v1 =	vand.u32 $0xFFFF, v9  }
0x11c: {  	[tilespmem:v3+s20+$0x0] =	vst.idx.add.f32.msk $0xffff, v2  }
0x11d: {  	v2 =	vand.u32 $0xFFFF0000, v55;
	v53 =	vld.idx.msk [tilespmem:v21+s14+$0x0], $0xffff  }
0x11e: {  	v3 =	vshll.u32 v56, $0x10;
	[tilespmem:v4+s20+$0x0] =	vst.idx.add.f32.msk $0xffff, v2  }
0x11f: {  	v51 =	vshll.u32 v23, $0x10;
	[tilespmem:v5+s19+$0x0] =	vst.idx.add.f32.msk $0xffff, v3  }
0x120: {  	v52 =	vand.u32 $0xFFFF0000, v23;
	[tilespmem:v1+s17+$0x0] =	vst.idx.add.f32.msk $0xffff, v51  }
0x121: {  	[tilespmem:v1+s18+$0x0] =	vst.idx.add.f32.msk $0xffff, v52  }
0x122: {  	v2 =	vand.u32 $0xFFFF0000, v56;
	v59 =	vld.idx.msk [tilespmem:v17+s14+$0x0], $0xffff  }
0x123: {  	v3 =	vshll.u32 v57, $0x10;
	[tilespmem:v5+s20+$0x0] =	vst.idx.add.f32.msk $0xffff, v2  }
0x124: {  	v4 =	vand.u32 $0xFFFF0000, v57;
	[tilespmem:v6+s19+$0x0] =	vst.idx.add.f32.msk $0xffff, v3  }
0x125: {  	[tilespmem:v6+s20+$0x0] =	vst.idx.add.f32.msk $0xffff, v4;
	v58 =	vshll.u32 v53, $0x10  }
0x126: {  	v7 =	vand.u32 $0xFFFF0000, v53;
	[tilespmem:v12+s19+$0x0] =	vst.idx.add.f32.msk $0xffff, v58  }
0x127: {  	s24 =	simm.s32 $0x0;
	s25 =	simm.s32 $0x10420;
	[tilespmem:v12+s20+$0x0] =	vst.idx.add.f32.msk $0xffff, v7;
	v3 =	vshll.u32 v59, $0x10;
	v2 =	vand.u32 $0xFFFF0000, v59  }
.LBB2_7:
0x128: {  	v4 =	vld [tilespmem:s25+$0x30]  }
0x129: {  	v5 =	vld [tilespmem:s25+$0xFFFFFFD0]  }
0x12a: {  	s24 =	sadd.s32 $0x8, s24;
	v6 =	vld [tilespmem:s25+$0xFFFFFFE0]  }
0x12b: {  	p1 =	slt.u32 s24, $0x188;
	v7 =	vld [tilespmem:s25+$0xFFFFFFF0]  }
0x12c: {  	v8 =	vld [tilespmem:s25+$0x0]  }
0x12d: {  	v9 =	vld [tilespmem:s25+$0x10];
	v10 =	vshrl.u32 v4, $0x10  }
0x12e: {  	v11 =	vshrl.u32 v5, $0x10;
	v5 =	vand.u32 $0xFFFF, v5;
	v12 =	vld [tilespmem:s25+$0x20]  }
0x12f: {  	v13 =	vld [tilespmem:s25+$0xFFFFFFC0];
	v14 =	vshrl.u32 v6, $0x10;
	v6 =	vand.u32 $0xFFFF, v6  }
0x130: {  	v15 =	vshrl.u32 v7, $0x10;
	v7 =	vand.u32 $0xFFFF, v7;
	[tilespmem:v1+s19+$0x0] =	vst.idx.add.f32.msk $0xffff, v3  }
0x131: {  	v3 =	vshrl.u32 v8, $0x10;
	v8 =	vand.u32 $0xFFFF, v8;
	[tilespmem:v1+s20+$0x0] =	vst.idx.add.f32.msk $0xffff, v2  }
0x132: {  	v2 =	vshrl.u32 v9, $0x10;
	v9 =	vand.u32 $0xFFFF, v9;
	v16 =	vld.idx.msk [tilespmem:v10+s2+$0x0], $0xffff  }
0x133: {  	v17 =	vld.idx.msk [tilespmem:v11+s2+$0x0], $0xffff;
	v18 =	vshrl.u32 v12, $0x10;
	v1 =	vand.u32 $0xFFFF, v12  }
0x134: {  	v4 =	vand.u32 $0xFFFF, v4;
	v12 =	vshrl.u32 v13, $0x10;
	v13 =	vand.u32 $0xFFFF, v13;
	v19 =	vld.idx.msk [tilespmem:v14+s2+$0x0], $0xffff  }
0x135: {  	v20 =	vld.idx.msk [tilespmem:v15+s2+$0x0], $0xffff  }
0x136: {  	v21 =	vld.idx.msk [tilespmem:v3+s2+$0x0], $0xffff  }
0x137: {  	v22 =	vld.idx.msk [tilespmem:v2+s2+$0x0], $0xffff  }
0x138: {  	v24 =	vshll.u32 v16, $0x10;
	v23 =	vld.idx.msk [tilespmem:v18+s2+$0x0], $0xffff  }
0x139: {  	v16 =	vand.u32 $0xFFFF0000, v16;
	v25 =	vshll.u32 v17, $0x10;
	v17 =	vand.u32 $0xFFFF0000, v17;
	[tilespmem:v4+s17+$0x0] =	vst.idx.add.f32.msk $0xffff, v24  }
0x13a: {  	v24 =	vshll.u32 v19, $0x10;
	v19 =	vand.u32 $0xFFFF0000, v19;
	[tilespmem:v4+s18+$0x0] =	vst.idx.add.f32.msk $0xffff, v16  }
0x13b: {  	v16 =	vshll.u32 v20, $0x10;
	v20 =	vand.u32 $0xFFFF0000, v20;
	v10 =	vld.idx.msk [tilespmem:v10+s14+$0x0], $0xffff  }
0x13c: {  	v27 =	vshll.u32 v21, $0x10;
	v21 =	vand.u32 $0xFFFF0000, v21;
	v26 =	vld.idx.msk [tilespmem:v12+s2+$0x0], $0xffff  }
0x13d: {  	[tilespmem:v5+s17+$0x0] =	vst.idx.add.f32.msk $0xffff, v25;
	v25 =	vshll.u32 v22, $0x10;
	v22 =	vand.u32 $0xFFFF0000, v22  }
0x13e: {  	[tilespmem:v5+s18+$0x0] =	vst.idx.add.f32.msk $0xffff, v17;
	v17 =	vshll.u32 v23, $0x10;
	v23 =	vand.u32 $0xFFFF0000, v23  }
0x13f: {  	[tilespmem:v6+s17+$0x0] =	vst.idx.add.f32.msk $0xffff, v24  }
0x140: {  	[tilespmem:v6+s18+$0x0] =	vst.idx.add.f32.msk $0xffff, v19  }
0x141: {  	[tilespmem:v7+s17+$0x0] =	vst.idx.add.f32.msk $0xffff, v16;
	v16 =	vshll.u32 v10, $0x10  }
0x142: {  	v19 =	vshll.u32 v26, $0x10;
	v24 =	vand.u32 $0xFFFF0000, v26;
	v10 =	vand.u32 $0xFFFF0000, v10;
	[tilespmem:v4+s19+$0x0] =	vst.idx.add.f32.msk $0xffff, v16  }
0x143: {  	[tilespmem:v4+s20+$0x0] =	vst.idx.add.f32.msk $0xffff, v10  }
0x144: {  	[tilespmem:v13+s17+$0x0] =	vst.idx.add.f32.msk $0xffff, v19  }
0x145: {  	[tilespmem:v13+s18+$0x0] =	vst.idx.add.f32.msk $0xffff, v24  }
0x146: {  	[tilespmem:v7+s18+$0x0] =	vst.idx.add.f32.msk $0xffff, v20  }
0x147: {  	[tilespmem:v8+s17+$0x0] =	vst.idx.add.f32.msk $0xffff, v27  }
0x148: {  	[tilespmem:v8+s18+$0x0] =	vst.idx.add.f32.msk $0xffff, v21  }
0x149: {  	[tilespmem:v9+s17+$0x0] =	vst.idx.add.f32.msk $0xffff, v25  }
0x14a: {  	[tilespmem:v9+s18+$0x0] =	vst.idx.add.f32.msk $0xffff, v22  }
0x14b: {  	[tilespmem:v1+s17+$0x0] =	vst.idx.add.f32.msk $0xffff, v17  }
0x14c: {  	[tilespmem:v1+s18+$0x0] =	vst.idx.add.f32.msk $0xffff, v23  }
0x14d: {  	v4 =	vld.idx.msk [tilespmem:v12+s14+$0x0], $0xffff  }
0x14e: {  	v10 =	vld.idx.msk [tilespmem:v11+s14+$0x0], $0xffff  }
0x14f: {  	v11 =	vld.idx.msk [tilespmem:v14+s14+$0x0], $0xffff  }
0x150: {  	v12 =	vld.idx.msk [tilespmem:v15+s14+$0x0], $0xffff  }
0x151: {  	v3 =	vld.idx.msk [tilespmem:v3+s14+$0x0], $0xffff  }
0x152: {  	v2 =	vld.idx.msk [tilespmem:v2+s14+$0x0], $0xffff  }
0x153: {  	v14 =	vshll.u32 v4, $0x10;
	v4 =	vand.u32 $0xFFFF0000, v4;
	v15 =	vld.idx.msk [tilespmem:v18+s14+$0x0], $0xffff  }
0x154: {  	[tilespmem:v13+s19+$0x0] =	vst.idx.add.f32.msk $0xffff, v14;
	v14 =	vshll.u32 v10, $0x10;
	v10 =	vand.u32 $0xFFFF0000, v10  }
0x155: {  	[tilespmem:v13+s20+$0x0] =	vst.idx.add.f32.msk $0xffff, v4;
	v4 =	vshll.u32 v11, $0x10;
	v11 =	vand.u32 $0xFFFF0000, v11  }
0x156: {  	v13 =	vshll.u32 v12, $0x10;
	v12 =	vand.u32 $0xFFFF0000, v12;
	[tilespmem:v5+s19+$0x0] =	vst.idx.add.f32.msk $0xffff, v14  }
0x157: {  	[tilespmem:v5+s20+$0x0] =	vst.idx.add.f32.msk $0xffff, v10;
	v5 =	vshll.u32 v3, $0x10;
	v10 =	vand.u32 $0xFFFF0000, v3  }
0x158: {  	v14 =	vand.u32 $0xFFFF0000, v2;
	[tilespmem:v6+s19+$0x0] =	vst.idx.add.f32.msk $0xffff, v4;
	v4 =	vshll.u32 v2, $0x10  }
0x159: {  	v3 =	vshll.u32 v15, $0x10;
	v2 =	vand.u32 $0xFFFF0000, v15;
	[tilespmem:v6+s20+$0x0] =	vst.idx.add.f32.msk $0xffff, v11  }
0x15a: {  	[tilespmem:v7+s19+$0x0] =	vst.idx.add.f32.msk $0xffff, v13  }
.Ltmp4:
0x15b: {  	[tilespmem:v7+s20+$0x0] =	vst.idx.add.f32.msk $0xffff, v12;
	(pc) =	sbr.rel @p1 .LBB2_7-.Ltmp4, $4  }
0x15c: {  	[tilespmem:v8+s19+$0x0] =	vst.idx.add.f32.msk $0xffff, v5  }
0x15d: {  	[tilespmem:v8+s20+$0x0] =	vst.idx.add.f32.msk $0xffff, v10  }
0x15e: {  	[tilespmem:v9+s19+$0x0] =	vst.idx.add.f32.msk $0xffff, v4  }
0x15f: {  	s25 =	sadd.s32 $0x80, s25;
	[tilespmem:v9+s20+$0x0] =	vst.idx.add.f32.msk $0xffff, v14  }
0x160: {  	_ = 	snop  }
.Ltmp5:
0x161: {  	_ = 	snop;
	(pc) =	sbr.rel @p0 .LBB2_10-.Ltmp5, $3  }
0x162: {  	_ =	sdelay $0x1  }
0x163: {  	[tilespmem:v1+s19+$0x0] =	vst.idx.add.f32.msk $0xffff, v3  }
0x164: {  	[tilespmem:v1+s20+$0x0] =	vst.idx.add.f32.msk $0xffff, v2  }
0x165: {  	s24 =	smul.u32 $0x3200, s23  }
.Ltmp6:
0x166: {  	_ = 	snop;
	(pc) =	sbr.rel .LBB2_4-.Ltmp6, $4  }
0x167: {  	s24 =	sshrl.u32 s24, $0x3  }
0x168: {  	s24 =	sadd.s32 s3, s24  }
0x169: {  	s23 =	sadd.s32 $0x1, s23;
	s24 =	sadd.s32 $0x960, s24  }
0x16a: {  	[tilespmem:s13], [sflag:$0x2] =	stream.linear.gather [hbm4b:s24+s2], $0x1900, $0x38;
	[tilespmem:$0x11C60] =	vst v63  }
.LBB2_11:
0x16b: {  	_ =	sfence.sel $0x180000  }
0x16c: {  	[bflag:$0x0] =	sbarrier.arrive $0xFFFF  }
0x16d: {  	p0 =	sne.s32 s1, $0x0;
	_ =	strace $0x9000004A  }
0x16e: {  	s0 =	sadd.s32 @!p0 $0x100000, s0;
	[bflag:$0x2] =	sbarrier.arrive $0xFFFF  }
0x16f: {  	[sflag:s0] =	ssyncadd.tile.s32 @!p0 $0x1;
	_ =	shalt  }
.Lfunc_end2:
_tile_overlayer_lowered:
.L_overlay_start_2:
0x170: {  	(tag) =	ssettag $0x2  }
0x171: {  	s0 =	rddreg [dreg:$0x0];
	s2 =	stileid.u32  }
0x172: {  	s1 =	rddreg [dreg:$0x1];
	p0 =	sne.s32 s2, $0x0  }
0x173: {  	s3 =	rddreg [dreg:$0x2];
	[bflag:$0x3] =	sbarrier.arrive $0xFFFF;
	s2 =	simm.s32 @!p0 $0x1C04  }
0x174: {  	[timem:s3], [sflag:s2] =	dma.local @!p0 [hbm:s0], s1  }
0x175: {  	s0 =	simm.s32 @!p0 $0x4  }
0x176: {  	_ =	swait.ge @!p0 [sflag:s0], s1  }
0x177: {  	s1 =	ssub.s32 @!p0 $0x0, s1;
	[sflag:s0] =	ssyncset.done @!p0 $0x0  }
0x178: {  	[sflag:s0] =	ssyncadd.s32 @!p0 s1  }
0x179: {  	[bflag:$0x3] =	sbarrier.arrive $0xFFFF  }
0x17a: {  	_ =	shalt  }

// kernel: kernel.15.cloned.1.call-start
scs
__scs_entry_jumppad:
0x0: {  	(pc) =	sbr.rel $0x88, $3  }
0x1: {  	(tag) =	ssettag $0x0;
	lr =	simm.s32 $0x1  }
0x2: {  	[smem:$0x3F9C] =	sst lr;
	_ =	strace $0xD0000000  }
0x3: {  	_ = 	snop  }
0x4: {  	_ = 	snop  }
0x5: {  	_ = 	snop  }
0x6: {  	_ = 	snop  }
0x7: {  	_ = 	snop  }
__scs_overlays_trampoline_lowered:
0x8: {  	[smem:$0x3FAB] =	sst s0  }
0x9: {  	[smem:$0x3FAC] =	sst s1  }
0xa: {  	[smem:$0x3FAD] =	sst s2  }
0xb: {  	[smem:$0x3FAE] =	sst s3  }
0xc: {  	[smem:$0x3FAF] =	sst s4  }
0xd: {  	[smem:$0x3FB0] =	sst s5  }
0xe: {  	[smem:$0x3FB1] =	sst s6  }
0xf: {  	[smem:$0x3FB2] =	sst s7  }
0x10: {  	[smem:$0x3FB3] =	sst s8  }
0x11: {  	[smem:$0x3FB4] =	sst s9;
	s0 =	simm.s32 @!p0 $0x0  }
0x12: {  	s1 =	sld [smem:$0x3F9A];
	s0 =	simm.s32 @p0 $0x1  }
0x13: {  	[smem:$0x3FB5] =	sst s0;
	s0 =	simm.s32 @!p1 $0x0  }
0x14: {  	s2 =	sld [smem:$0x3F99];
	s0 =	simm.s32 @p1 $0x1  }
0x15: {  	[smem:$0x3FB6] =	sst s0;
	s0 =	simm.s32 @!p2 $0x0  }
0x16: {  	s3 =	sld [smem:$0x3FDB];
	s0 =	simm.s32 @p2 $0x1  }
0x17: {  	s4 =	simm.s32 $0x1BF5;
	[smem:$0x3FB8] =	sst s0  }
0x18: {  	s0 =	sld [smem:$0x3F9B];
	_ =	swait.ge [sflag:s4], $0x0  }
0x19: {  	s7 =	sld [smem:$0x3F9C]  }
0x1a: {  	s8 =	sadd.s32 $0xFFFFE003, lr  }
0x1b: {  	s9 =	sadd.s32 $0xFFFFFEF7, lr;
	s5 =	simm.s32 $0xFFFFFFFF;
	p2 =	slt.u32 s8, $0xFFFFF086  }
0x1c: {  	p1 =	slt.u32 s9, $0xF7A;
	s5 =	simm.s32 @!p2 $0x0  }
0x1d: {  	s5 =	simm.s32 @p1 $0x1;
	p0 =	seq.s32 s7, s2  }
0x1e: {  	s7 =	smul.u32 @!p0 $0xF7A, s2;
	p2 =	seq.s32 @!p0 s5, $0x0  }
0x1f: {  	s9 =	smul.u32 $0xF7A, s1;
	s8 =	simm.s32 @!p0 $0x1BF5;
	p2 =	por !p2, p0  }
0x20: {  	[sflag:s8] =	ssyncset.s32 @!p0 $0xFFFFF086;
	s6 =	sadd.s32 @!p0 s3, s7;
	s7 =	simm.s32 @!p0 $0x108  }
0x21: {  	s3 =	sadd.s32 s3, s9;
	s6 =	sadd.s32 @!p0 $0x88, s6;
	s7 =	simm.s32 @p2 $0x1082  }
0x22: {  	[simem:s7], [sflag:s8] =	dma.local @!p0 [hbm:s6], $0xF7A  }
0x23: {  	s9 =	sor.u32 $0xD0000000, s2;
	s6 =	simm.s32 $0x108;
	_ =	swait.ge @!p0 [sflag:s8], $0x0  }
0x24: {  	s3 =	sadd.s32 $0x88, s3;
	s6 =	simm.s32 @!p1 $0x1082;
	[sflag:s4] =	ssyncset.s32 $0xFFFFF086  }
0x25: {  	[simem:s6], [sflag:s4] =	dma.local [hbm:s3], $0xF7A  }
0x26: {  	[smem:$0x3F9C] =	sst s1;
	(tag) =	ssettag s2;
	_ =	strace s9  }
0x27: {  	s1 =	sld [smem:$0x3FAC]  }
0x28: {  	s2 =	sld [smem:$0x3FAD]  }
0x29: {  	s4 =	sld [smem:$0x3FAF]  }
0x2a: {  	p0 =	seq.s32 s5, $0x0;
	s5 =	sld [smem:$0x3FB0]  }
0x2b: {  	s6 =	sld [smem:$0x3FB1]  }
0x2c: {  	s7 =	sld [smem:$0x3FB2]  }
0x2d: {  	s3 =	simm.s32 $0x108;
	s8 =	sld [smem:$0x3FB3]  }
0x2e: {  	s3 =	simm.s32 @!p0 $0x1082;
	s9 =	sld [smem:$0x3FB4]  }
0x2f: {  	lr =	sadd.s32 s0, s3;
	s0 =	sld [smem:$0x3FAB]  }
0x30: {  	s3 =	sld [smem:$0x3FAE]  }
0x31: {  	[smem:$0x3FB7] =	sst s10  }
0x32: {  	s10 =	sld [smem:$0x3FB5];
	_ =	sdelay $0x3  }
0x33: {  	p0 =	seq.s32 s10, $0x1;
	s10 =	sld [smem:$0x3FB7];
	_ =	sdelay $0x3  }
0x34: {  	[smem:$0x3FB7] =	sst s10  }
0x35: {  	s10 =	sld [smem:$0x3FB6];
	_ =	sdelay $0x3  }
0x36: {  	p1 =	seq.s32 s10, $0x1;
	s10 =	sld [smem:$0x3FB7];
	_ =	sdelay $0x3  }
0x37: {  	[smem:$0x3FB7] =	sst s10  }
0x38: {  	s10 =	sld [smem:$0x3FB8]  }
0x39: {  	_ = 	snop;
	(pc) =	sbr.ind lr, $3  }
0x3a: {  	_ = 	snop  }
0x3b: {  	_ = 	snop  }
0x3c: {  	p2 =	seq.s32 s10, $0x1;
	s10 =	sld [smem:$0x3FB7]  }
0x3d: {  	_ =	shalt  }
0x3e: {  	_ =	shalt  }
0x3f: {  	_ =	shalt  }
0x40: {  	_ =	shalt  }
0x41: {  	_ =	shalt  }
0x42: {  	_ =	shalt  }
0x43: {  	_ =	shalt  }
0x44: {  	_ =	shalt  }
0x45: {  	_ =	shalt  }
0x46: {  	_ =	shalt  }
0x47: {  	_ =	shalt  }
0x48: {  	_ =	shalt  }
0x49: {  	_ =	shalt  }
0x4a: {  	_ =	shalt  }
0x4b: {  	_ =	shalt  }
0x4c: {  	_ =	shalt  }
0x4d: {  	_ =	shalt  }
0x4e: {  	_ =	shalt  }
0x4f: {  	_ =	shalt  }
0x50: {  	_ =	shalt  }
0x51: {  	_ =	shalt  }
0x52: {  	_ =	shalt  }
0x53: {  	_ =	shalt  }
0x54: {  	_ =	shalt  }
0x55: {  	_ =	shalt  }
0x56: {  	_ =	shalt  }
0x57: {  	_ =	shalt  }
0x58: {  	_ =	shalt  }
0x59: {  	_ =	shalt  }
0x5a: {  	_ =	shalt  }
0x5b: {  	_ =	shalt  }
0x5c: {  	_ =	shalt  }
0x5d: {  	_ =	shalt  }
0x5e: {  	_ =	shalt  }
0x5f: {  	_ =	shalt  }
0x60: {  	_ =	shalt  }
0x61: {  	_ =	shalt  }
0x62: {  	_ =	shalt  }
0x63: {  	_ =	shalt  }
0x64: {  	_ =	shalt  }
0x65: {  	_ =	shalt  }
0x66: {  	_ =	shalt  }
0x67: {  	_ =	shalt  }
0x68: {  	_ =	shalt  }
0x69: {  	_ =	shalt  }
0x6a: {  	_ =	shalt  }
0x6b: {  	_ =	shalt  }
0x6c: {  	_ =	shalt  }
0x6d: {  	_ =	shalt  }
0x6e: {  	_ =	shalt  }
0x6f: {  	_ =	shalt  }
0x70: {  	_ =	shalt  }
0x71: {  	_ =	shalt  }
0x72: {  	_ =	shalt  }
0x73: {  	_ =	shalt  }
0x74: {  	_ =	shalt  }
0x75: {  	_ =	shalt  }
0x76: {  	_ =	shalt  }
0x77: {  	_ =	shalt  }
0x78: {  	_ =	shalt  }
0x79: {  	_ =	shalt  }
0x7a: {  	_ =	shalt  }
0x7b: {  	_ =	shalt  }
0x7c: {  	_ =	shalt  }
0x7d: {  	_ =	shalt  }
0x7e: {  	_ =	shalt  }
0x7f: {  	_ =	shalt  }
0x80: {  	_ =	shalt  }
0x81: {  	_ =	shalt  }
0x82: {  	_ =	shalt  }
0x83: {  	_ =	shalt  }
0x84: {  	_ =	shalt  }
0x85: {  	_ =	shalt  }
0x86: {  	_ =	shalt  }
0x87: {  	_ =	shalt  }
.Lfunc_end0:
.L_simem_size_0:
called_computation.2_lowered:
.L_overlay_start_0:
0x88: {  	s2 =	sld [smem:$0x3FD9]  }
0x89: {  	s3 =	sld [smem:$0x3FFE];
	_ =	sdelay $0x1  }
0x8a: {  	s1 =	srdreg.scid  }
0x8b: {  	s0 =	sand.u32 $0x1, s1  }
0x8c: {  	s17 =	sshll.u32 s0, $0xA;
	s2 =	sadd.s32 s3, s2  }
0x8d: {  	s2 =	sadd.s32 s2, s17  }
0x8e: {  	[smem:$0x3FC3] =	sst s2  }
0x8f: {  	_ = 	snop  }
0x90: {  	s2 =	sld [smem:$0x3FD0];
	(tm) =	ssettm $0x1  }
0x91: {  	s18 =	sld [smem:$0x3FFB];
	_ =	sdelay $0x3  }
0x92: {  	_ =	strace s18  }
0x93: {  	s3 =	sld [smem:$0x3FFC];
	_ =	sdelay $0x3  }
0x94: {  	_ =	strace s3  }
0x95: {  	s3 =	sld [smem:$0x3FFD];
	_ =	sdelay $0x3  }
0x96: {  	_ =	strace s3  }
0x97: {  	_ =	strace $0x8FFFFFFF  }
0x98: {  	s19 =	sld [smem:$0x3FDB];
	_ =	sdelay $0x1  }
0x99: {  	s4 =	simm.s32 $_scs_section_size  }
0x9a: {  	s5 =	simm.s32 $_size__tile_overlayer_lowered;
	s6 =	simm.s32 $_tile_overlayer_lowered  }
0x9b: {  	s22 =	simm.s32 $0x1BFF;
	s21 =	sshll.u32 s6, $0x1;
	s3 =	sadd.s32 s4, s19  }
0x9c: {  	s7 =	simm.s32 $0x0;
	s20 =	sshll.u32 s5, $0x1;
	s5 =	sadd.s32 s21, s3  }
0x9d: {  	[timem:s7], [sflag:s22] =	dma.local [hbm:s5], s20  }
0x9e: {  	_ =	swait.ge [sflag:s22], s20  }
0x9f: {  	s4 =	ssub.s32 $0x0, s20;
	[sflag:s22] =	ssyncset.done $0x0  }
0xa0: {  	[sflag:s22] =	ssyncadd.s32 s4;
	_ =	sdelay $0x1  }
0xa1: {  	s23 =	simm.s32 $0x1B8B  }
0xa2: {  	_ =	swait.ge [sflag:s23], $0x1  }
0xa3: {  	[sflag:s23] =	ssyncset.done $0x0  }
0xa4: {  	s25 =	simm.s32 $0x1B8E;
	s24 =	sld [smem:$0x3FFE];
	[sflag:s23] =	ssyncadd.s32 $0xFFFFFFFF  }
0xa5: {  	s26 =	simm.s32 $execute0_lowered;
	[smem:$0x3FD2] =	sst s25  }
0xa6: {  	s5 =	sshll.u32 s26, $0x1;
	_ =	strace $0x8000004C;
	[dreg:$0x1] =	wrdreg $0xFFFFFFFF  }
0xa7: {  	s28 =	simm.s32 $_size_execute0_lowered;
	s3 =	sadd.s32 s3, s5;
	[dreg:$0x0] =	wrdreg $0x0  }
0xa8: {  	s5 =	sshll.u32 s28, $0x1;
	[dreg:$0x2] =	wrdreg s3  }
0xa9: {  	[dreg:$0x3] =	wrdreg s5  }
0xaa: {  	[dreg:$0x4] =	wrdreg $0xC0  }
0xab: {  	_ =	task [dreg:s7], $0x5FFFF  }
0xac: {  	[dreg:$0x1] =	wrdreg $0xFFFFFFFF  }
0xad: {  	[dreg:$0x0] =	wrdreg $0x60  }
0xae: {  	[dreg:$0x2] =	wrdreg s2  }
0xaf: {  	[dreg:$0x3] =	wrdreg s24  }
0xb0: {  	[dreg:$0x4] =	wrdreg $0x9  }
0xb1: {  	_ =	task.clear_ibuf [dreg:s7], $0x5FFFF;
	_ =	strace $0x9000004C  }
0xb2: {  	s29 =	simm.s32 $0x9;
	_ =	strace $0x8000004E  }
0xb3: {  	_ =	swait.ge [sflag:s29], $0x1  }
0xb4: {  	[sflag:s29] =	ssyncadd.s32 $0xFFFFFFFF  }
0xb5: {  	_ =	strace $0x9000004E  }
0xb6: {  	_ =	sfence  }
0xb7: {  	s30 =	sld [smem:$0x0];
	_ =	sdelay $0x2  }
0xb8: {  	s31 =	sshll.u32 s1, $0xD;
	s1 =	sshrl.u32 s1, $0x2  }
0xb9: {  	s3 =	sand.u32 $0x4000, s31;
	s1 =	sadd.s32 s1, s30  }
0xba: {  	s0 =	sor.u32 s3, s0;
	s1 =	sshll.u32 s1, $0x11  }
0xbb: {  	s0 =	sor.u32 s1, s0  }
0xbc: {  	s0 =	sadd.s32 $0x8F2B, s0  }
0xbd: {  	[sflag:s0] =	ssyncadd.remote.s32 $0x1  }
0xbe: {  	_ =	sfence.sel $0xFFFF  }
0xbf: {  	[dreg:$0x0] =	wrdreg $0xFFFFFFFF;
	(pc) =	sbr.abs _section_cstart, $3  }
0xc0: {  	[dreg:$0x1] =	wrdreg $0xFFFFFFFF  }
0xc1: {  	_ =	task.clear_ibuf [dreg:s7], $0x2FFFF;
	_ =	strace $0x9FFFFFFF  }
0xc2: {  	(tm) =	ssettm $0x7FFFFFFF  }
0xc3: {  	_ =	shalt  }
tec
execute0_lowered:
.L_overlay_start_1:
0x0: {  	(tag) =	ssettag $0x1  }
0x1: {  	s4 =	rddreg [dreg:$0x0]  }
0x2: {  	s0 =	srdreg.scid;
	s5 =	rddreg [dreg:$0x1];
	s2 =	simm.s32 $0x0  }
0x3: {  	s12 =	simm.s32 $0x2710;
	s13 =	simm.s32 $0x4E20;
	s14 =	simm.s32 $0x1  }
0x4: {  	s15 =	simm.s32 $0x7530;
	s16 =	simm.s32 $0x9C40;
	s17 =	simm.s32 $0xC350  }
0x5: {  	s18 =	simm.s32 $0x0;
	s3 =	sand.u32 $0x1, s0;
	s0 =	stileid.u32  }
0x6: {  	[smem:$0x7FF] =	sst s2;
	s1 =	sshll.u32 s3, $0x4;
	s6 =	smul.u32 $0x9C4, s0  }
0x7: {  	s8 =	smul.u32 $0x7530, s3;
	s3 =	ssub.s32 $0x2, s3;
	s7 =	sor.u32 s0, s1  }
0x8: {  	s1 =	rddreg [dreg:$0x2];
	_ =	strace $0x8000004D;
	s7 =	smul.u32 $0x7530, s7  }
0x9: {  	s9 =	sshrl.u32 s3, $0x1;
	s6 =	sadd.s32 s6, s5;
	s8 =	sshrl.u32 s8, $0x3  }
0xa: {  	s11 =	ssub.s32 s3, s9;
	s3 =	sadd.s32 s4, s8;
	s7 =	sshrl.u32 s7, $0x3  }
0xb: {  	s4 =	sadd.s32 $0x1800, s6;
	s6 =	sadd.s32 $0x9C4, s3;
	s10 =	sadd.s32 s7, s5  }
0xc: {  	s5 =	sadd.s32 $0x4E2, s3;
	s7 =	sadd.s32 $0xB600, s10;
	s8 =	sadd.s32 $0xBAE2, s10  }
0xd: {  	v0 =	vimm.f32 $0.0e+00;
	s9 =	sadd.s32 $0xBFC4, s10;
	s10 =	smax.u32 s11, $0x1;
	s11 =	simm.s32 $0xEA60  }
.LBB2_1:
0xe: {  	[tilespmem:s11], [sflag:$0x1] =	stream.linear.gather [hbm4b:s4+s2], $0x4E20, $0x38;
	[tilespmem:$0x13880] =	vst v63  }
0xf: {  	_ = 	snop  }
0x10: {  	[tilespmem:s2], [sflag:$0x1] =	stream.linear.gather [hbm4b:s3+s2], $0x2710, $0x38;
	[tilespmem:$0x13880] =	vst v63  }
0x11: {  	_ = 	snop  }
0x12: {  	[tilespmem:s12], [sflag:$0x1] =	stream.linear.gather [hbm4b:s5+s2], $0x2710, $0x38;
	[tilespmem:$0x13880] =	vst v63  }
0x13: {  	s19 =	simm.s32 $0x7570  }
0x14: {  	[tilespmem:s13], [sflag:$0x1] =	stream.linear.gather [hbm4b:s6+s2], $0x2710, $0x38;
	[tilespmem:$0x13880] =	vst v63  }
0x15: {  	[tilespmem:s19+$0xFFFFFFD0] =	vst v0  }
0x16: {  	[tilespmem:s19+$0x0] =	vst v0  }
0x17: {  	[tilespmem:s19+$0xFFFFFFC0] =	vst v0  }
0x18: {  	[tilespmem:s19+$0x30] =	vst v0  }
0x19: {  	[tilespmem:s19+$0xFFFFFFF0] =	vst v0  }
0x1a: {  	[tilespmem:s19+$0xFFFFFFE0] =	vst v0  }
0x1b: {  	[tilespmem:s19+$0x10] =	vst v0  }
0x1c: {  	s21 =	simm.s32 $0x9C80;
	[tilespmem:s19+$0x20] =	vst v0  }
0x1d: {  	[tilespmem:s21+$0xFFFFFFC0] =	vst v0  }
0x1e: {  	[tilespmem:s21+$0x30] =	vst v0  }
0x1f: {  	[tilespmem:s21+$0x0] =	vst v0  }
0x20: {  	[tilespmem:s21+$0x20] =	vst v0  }
0x21: {  	[tilespmem:s21+$0x10] =	vst v0  }
0x22: {  	[tilespmem:s21+$0xFFFFFFD0] =	vst v0  }
0x23: {  	[tilespmem:s21+$0xFFFFFFE0] =	vst v0  }
0x24: {  	s20 =	simm.s32 $0xC390;
	[tilespmem:s21+$0xFFFFFFF0] =	vst v0  }
0x25: {  	[tilespmem:s20+$0xFFFFFFC0] =	vst v0  }
0x26: {  	[tilespmem:s20+$0x30] =	vst v0  }
0x27: {  	[tilespmem:s20+$0x20] =	vst v0  }
0x28: {  	[tilespmem:s20+$0x10] =	vst v0  }
0x29: {  	s22 =	simm.s32 $0x0;
	s23 =	simm.s32 $0xC410;
	[tilespmem:s20+$0xFFFFFFD0] =	vst v0  }
.LBB2_2:
0x2a: {  	s22 =	sadd.s32 $0x8, s22;
	[tilespmem:s20+$0xFFFFFFE0] =	vst v0;
	s19 =	sadd.s32 $0x80, s19;
	s21 =	sadd.s32 $0x80, s21  }
0x2b: {  	p0 =	slt.u32 s22, $0x268;
	[tilespmem:s20+$0x0] =	vst v0  }
0x2c: {  	[tilespmem:s20+$0xFFFFFFF0] =	vst v0;
	s20 =	smov.u32 s23  }
0x2d: {  	[tilespmem:s19+$0xFFFFFFD0] =	vst v0  }
0x2e: {  	[tilespmem:s19+$0x0] =	vst v0  }
0x2f: {  	[tilespmem:s19+$0xFFFFFFC0] =	vst v0  }
0x30: {  	[tilespmem:s21+$0xFFFFFFC0] =	vst v0  }
0x31: {  	[tilespmem:s23+$0xFFFFFFC0] =	vst v0  }
0x32: {  	[tilespmem:s19+$0x30] =	vst v0  }
0x33: {  	[tilespmem:s21+$0x30] =	vst v0  }
0x34: {  	[tilespmem:s23+$0x30] =	vst v0  }
0x35: {  	[tilespmem:s21+$0x0] =	vst v0  }
0x36: {  	[tilespmem:s19+$0xFFFFFFF0] =	vst v0  }
0x37: {  	[tilespmem:s19+$0xFFFFFFE0] =	vst v0  }
0x38: {  	[tilespmem:s19+$0x10] =	vst v0  }
0x39: {  	[tilespmem:s19+$0x20] =	vst v0  }
0x3a: {  	[tilespmem:s21+$0x20] =	vst v0  }
0x3b: {  	[tilespmem:s23+$0x20] =	vst v0  }
0x3c: {  	[tilespmem:s21+$0x10] =	vst v0  }
.Ltmp0:
0x3d: {  	[tilespmem:s23+$0x10] =	vst v0;
	(pc) =	sbr.rel @p0 .LBB2_2-.Ltmp0, $4  }
0x3e: {  	[tilespmem:s21+$0xFFFFFFD0] =	vst v0  }
0x3f: {  	[tilespmem:s21+$0xFFFFFFE0] =	vst v0  }
0x40: {  	[tilespmem:s23+$0xFFFFFFD0] =	vst v0  }
0x41: {  	s23 =	sadd.s32 $0x80, s23;
	[tilespmem:s21+$0xFFFFFFF0] =	vst v0  }
0x42: {  	[tilespmem:s20+$0xFFFFFFE0] =	vst v0  }
0x43: {  	[tilespmem:s20+$0x0] =	vst v0  }
0x44: {  	[tilespmem:s20+$0xFFFFFFF0] =	vst v0  }
0x45: {  	[tilespmem:$0x9C30] =	vst v0  }
0x46: {  	[tilespmem:$0xC340] =	vst v0  }
0x47: {  	[tilespmem:$0xEA50] =	vst v0  }
0x48: {  	_ =	swait.ge [sflag:s14], $0x4E20  }
0x49: {  	[sflag:s14] =	ssyncset.done $0x0  }
0x4a: {  	[sflag:s14] =	ssyncadd.s32 $0xFFFFB1E0  }
0x4b: {  	_ =	swait.ge [sflag:s14], $0x2710  }
0x4c: {  	[sflag:s14] =	ssyncset.done $0x0  }
0x4d: {  	[sflag:s14] =	ssyncadd.s32 $0xFFFFD8F0  }
0x4e: {  	_ =	swait.ge [sflag:s14], $0x2710  }
0x4f: {  	[sflag:s14] =	ssyncset.done $0x0  }
0x50: {  	[sflag:s14] =	ssyncadd.s32 $0xFFFFD8F0  }
0x51: {  	_ =	swait.ge [sflag:s14], $0x2710  }
0x52: {  	[sflag:s14] =	ssyncset.done $0x0  }
0x53: {  	s19 =	simm.s32 $0xEAA0;
	[sflag:s14] =	ssyncadd.s32 $0xFFFFD8F0  }
0x54: {  	v1 =	vld [tilespmem:s19+$0x30]  }
0x55: {  	v2 =	vld [tilespmem:s19+$0xFFFFFFD0]  }
0x56: {  	v3 =	vld [tilespmem:s19+$0xFFFFFFE0]  }
0x57: {  	v4 =	vld [tilespmem:s19+$0xFFFFFFF0]  }
0x58: {  	v5 =	vld [tilespmem:s19+$0x0]  }
0x59: {  	v6 =	vld [tilespmem:s19+$0x10];
	v7 =	vshrl.u32 v1, $0x10  }
0x5a: {  	v10 =	vld [tilespmem:s19+$0xFFFFFFC0];
	v8 =	vshrl.u32 v2, $0x10  }
0x5b: {  	v12 =	vld [tilespmem:s19+$0x20];
	v9 =	vshrl.u32 v3, $0x10  }
0x5c: {  	v11 =	vshrl.u32 v4, $0x10  }
0x5d: {  	s19 =	simm.s32 $0x0;
	v13 =	vshrl.u32 v5, $0x10  }
0x5e: {  	v14 =	vshrl.u32 v6, $0x10;
	v15 =	vld.idx.msk [tilespmem:v7+s19+$0x0], $0xffff  }
0x5f: {  	v18 =	vshrl.u32 v10, $0x10;
	v16 =	vld.idx.msk [tilespmem:v8+s19+$0x0], $0xffff  }
0x60: {  	v17 =	vand.u32 $0xFFFF, v1;
	v20 =	vshrl.u32 v12, $0x10;
	v1 =	vld.idx.msk [tilespmem:v9+s19+$0x0], $0xffff  }
0x61: {  	v19 =	vld.idx.msk [tilespmem:v11+s19+$0x0], $0xffff  }
0x62: {  	v22 =	vand.u32 $0xFFFF, v2;
	v21 =	vld.idx.msk [tilespmem:v13+s19+$0x0], $0xffff  }
0x63: {  	v24 =	vand.u32 $0xFFFF, v3;
	v23 =	vld.idx.msk [tilespmem:v14+s19+$0x0], $0xffff  }
0x64: {  	v57 =	vand.u32 $0xFFFF, v4;
	v4 =	vld.idx.msk [tilespmem:v18+s19+$0x0], $0xffff  }
0x65: {  	v10 =	vand.u32 $0xFFFF, v10;
	v25 =	vld.idx.msk [tilespmem:v20+s19+$0x0], $0xffff  }
0x66: {  	v5 =	vand.u32 $0xFFFF, v5;
	[tilespmem:v17+s15+$0x0] =	vst.idx.add.f32.msk $0xffff, v15  }
0x67: {  	v2 =	vand.u32 $0xFFFF, v12;
	[tilespmem:v22+s15+$0x0] =	vst.idx.add.f32.msk $0xffff, v16  }
0x68: {  	[tilespmem:v24+s15+$0x0] =	vst.idx.add.f32.msk $0xffff, v1  }
0x69: {  	[tilespmem:v57+s15+$0x0] =	vst.idx.add.f32.msk $0xffff, v19  }
0x6a: {  	[tilespmem:v10+s15+$0x0] =	vst.idx.add.f32.msk $0xffff, v4  }
0x6b: {  	[tilespmem:v5+s15+$0x0] =	vst.idx.add.f32.msk $0xffff, v21  }
0x6c: {  	[tilespmem:v2+s15+$0x0] =	vst.idx.add.f32.msk $0xffff, v25  }
0x6d: {  	v1 =	vand.u32 $0xFFFF, v6;
	v3 =	vld.idx.msk [tilespmem:v7+s12+$0x0], $0xffff  }
0x6e: {  	v4 =	vld.idx.msk [tilespmem:v18+s12+$0x0], $0xffff  }
0x6f: {  	v6 =	vld.idx.msk [tilespmem:v9+s12+$0x0], $0xffff  }
0x70: {  	v58 =	vld.idx.msk [tilespmem:v13+s12+$0x0], $0xffff  }
0x71: {  	v60 =	vld.idx.msk [tilespmem:v20+s12+$0x0], $0xffff  }
0x72: {  	[tilespmem:v1+s15+$0x0] =	vst.idx.add.f32.msk $0xffff, v23  }
0x73: {  	[tilespmem:v17+s16+$0x0] =	vst.idx.add.f32.msk $0xffff, v3  }
0x74: {  	v59 =	vld.idx.msk [tilespmem:v14+s12+$0x0], $0xffff  }
0x75: {  	[tilespmem:v10+s16+$0x0] =	vst.idx.add.f32.msk $0xffff, v4  }
0x76: {  	[tilespmem:v24+s16+$0x0] =	vst.idx.add.f32.msk $0xffff, v6  }
0x77: {  	[tilespmem:v5+s16+$0x0] =	vst.idx.add.f32.msk $0xffff, v58  }
0x78: {  	[tilespmem:v2+s16+$0x0] =	vst.idx.add.f32.msk $0xffff, v60  }
0x79: {  	v3 =	vld.idx.msk [tilespmem:v7+s13+$0x0], $0xffff  }
0x7a: {  	v7 =	vld.idx.msk [tilespmem:v11+s12+$0x0], $0xffff  }
0x7b: {  	v6 =	vld.idx.msk [tilespmem:v18+s13+$0x0], $0xffff  }
0x7c: {  	v61 =	vld.idx.msk [tilespmem:v9+s13+$0x0], $0xffff  }
0x7d: {  	v63 =	vld.idx.msk [tilespmem:v13+s13+$0x0], $0xffff  }
0x7e: {  	[tilespmem:v1+s16+$0x0] =	vst.idx.add.f32.msk $0xffff, v59  }
0x7f: {  	[tilespmem:v17+s17+$0x0] =	vst.idx.add.f32.msk $0xffff, v3  }
0x80: {  	v3 =	vld.idx.msk [tilespmem:v8+s12+$0x0], $0xffff  }
0x81: {  	[tilespmem:v57+s16+$0x0] =	vst.idx.add.f32.msk $0xffff, v7  }
0x82: {  	v4 =	vld.idx.msk [tilespmem:v14+s13+$0x0], $0xffff  }
0x83: {  	[tilespmem:v10+s17+$0x0] =	vst.idx.add.f32.msk $0xffff, v6  }
0x84: {  	v62 =	vld.idx.msk [tilespmem:v11+s13+$0x0], $0xffff  }
0x85: {  	[tilespmem:v22+s16+$0x0] =	vst.idx.add.f32.msk $0xffff, v3  }
0x86: {  	v7 =	vld.idx.msk [tilespmem:v8+s13+$0x0], $0xffff  }
0x87: {  	[tilespmem:v24+s17+$0x0] =	vst.idx.add.f32.msk $0xffff, v61  }
0x88: {  	[tilespmem:v5+s17+$0x0] =	vst.idx.add.f32.msk $0xffff, v63  }
0x89: {  	v3 =	vld.idx.msk [tilespmem:v20+s13+$0x0], $0xffff  }
0x8a: {  	[tilespmem:v57+s17+$0x0] =	vst.idx.add.f32.msk $0xffff, v62  }
0x8b: {  	s20 =	simm.s32 $0x0;
	s21 =	simm.s32 $0xEB20;
	[tilespmem:v22+s17+$0x0] =	vst.idx.add.f32.msk $0xffff, v7  }
.LBB2_4:
0x8c: {  	v5 =	vld [tilespmem:s21+$0x30];
	s20 =	sadd.s32 $0x8, s20  }
0x8d: {  	v6 =	vld [tilespmem:s21+$0xFFFFFFD0];
	p0 =	slt.u32 s20, $0x4D8  }
0x8e: {  	v7 =	vld [tilespmem:s21+$0xFFFFFFE0]  }
0x8f: {  	v8 =	vld [tilespmem:s21+$0xFFFFFFF0]  }
0x90: {  	v9 =	vld [tilespmem:s21+$0x0]  }
0x91: {  	v10 =	vld [tilespmem:s21+$0x10];
	v11 =	vshrl.u32 v5, $0x10  }
0x92: {  	v12 =	vshrl.u32 v6, $0x10;
	v6 =	vand.u32 $0xFFFF, v6;
	v13 =	vld [tilespmem:s21+$0x20]  }
0x93: {  	v14 =	vld [tilespmem:s21+$0xFFFFFFC0];
	v15 =	vshrl.u32 v7, $0x10;
	v7 =	vand.u32 $0xFFFF, v7  }
0x94: {  	v16 =	vshrl.u32 v8, $0x10;
	v8 =	vand.u32 $0xFFFF, v8;
	[tilespmem:v1+s17+$0x0] =	vst.idx.add.f32.msk $0xffff, v4  }
0x95: {  	v4 =	vshrl.u32 v9, $0x10;
	v9 =	vand.u32 $0xFFFF, v9;
	[tilespmem:v2+s17+$0x0] =	vst.idx.add.f32.msk $0xffff, v3  }
0x96: {  	v3 =	vshrl.u32 v10, $0x10;
	v1 =	vand.u32 $0xFFFF, v10;
	v10 =	vld.idx.msk [tilespmem:v11+s19+$0x0], $0xffff  }
0x97: {  	v5 =	vand.u32 $0xFFFF, v5;
	v17 =	vld.idx.msk [tilespmem:v12+s19+$0x0], $0xffff;
	v18 =	vshrl.u32 v13, $0x10;
	v2 =	vand.u32 $0xFFFF, v13  }
0x98: {  	v13 =	vshrl.u32 v14, $0x10;
	v14 =	vand.u32 $0xFFFF, v14;
	v19 =	vld.idx.msk [tilespmem:v15+s19+$0x0], $0xffff  }
0x99: {  	v20 =	vld.idx.msk [tilespmem:v16+s19+$0x0], $0xffff  }
0x9a: {  	v21 =	vld.idx.msk [tilespmem:v4+s19+$0x0], $0xffff  }
0x9b: {  	v22 =	vld.idx.msk [tilespmem:v3+s19+$0x0], $0xffff  }
0x9c: {  	[tilespmem:v5+s15+$0x0] =	vst.idx.add.f32.msk $0xffff, v10  }
0x9d: {  	v10 =	vld.idx.msk [tilespmem:v11+s12+$0x0], $0xffff  }
0x9e: {  	v23 =	vld.idx.msk [tilespmem:v13+s19+$0x0], $0xffff  }
0x9f: {  	v24 =	vld.idx.msk [tilespmem:v18+s19+$0x0], $0xffff  }
0xa0: {  	[tilespmem:v6+s15+$0x0] =	vst.idx.add.f32.msk $0xffff, v17  }
0xa1: {  	[tilespmem:v7+s15+$0x0] =	vst.idx.add.f32.msk $0xffff, v19  }
0xa2: {  	[tilespmem:v8+s15+$0x0] =	vst.idx.add.f32.msk $0xffff, v20  }
0xa3: {  	[tilespmem:v5+s16+$0x0] =	vst.idx.add.f32.msk $0xffff, v10  }
0xa4: {  	v10 =	vld.idx.msk [tilespmem:v11+s13+$0x0], $0xffff  }
0xa5: {  	[tilespmem:v14+s15+$0x0] =	vst.idx.add.f32.msk $0xffff, v23  }
0xa6: {  	[tilespmem:v9+s15+$0x0] =	vst.idx.add.f32.msk $0xffff, v21  }
0xa7: {  	[tilespmem:v1+s15+$0x0] =	vst.idx.add.f32.msk $0xffff, v22  }
0xa8: {  	[tilespmem:v2+s15+$0x0] =	vst.idx.add.f32.msk $0xffff, v24  }
0xa9: {  	v11 =	vld.idx.msk [tilespmem:v13+s12+$0x0], $0xffff  }
0xaa: {  	[tilespmem:v5+s17+$0x0] =	vst.idx.add.f32.msk $0xffff, v10  }
0xab: {  	v5 =	vld.idx.msk [tilespmem:v12+s12+$0x0], $0xffff  }
0xac: {  	v10 =	vld.idx.msk [tilespmem:v15+s12+$0x0], $0xffff  }
0xad: {  	v17 =	vld.idx.msk [tilespmem:v16+s12+$0x0], $0xffff  }
0xae: {  	v19 =	vld.idx.msk [tilespmem:v4+s12+$0x0], $0xffff  }
0xaf: {  	v20 =	vld.idx.msk [tilespmem:v3+s12+$0x0], $0xffff  }
0xb0: {  	v21 =	vld.idx.msk [tilespmem:v18+s12+$0x0], $0xffff  }
0xb1: {  	[tilespmem:v14+s16+$0x0] =	vst.idx.add.f32.msk $0xffff, v11  }
0xb2: {  	[tilespmem:v6+s16+$0x0] =	vst.idx.add.f32.msk $0xffff, v5  }
0xb3: {  	[tilespmem:v7+s16+$0x0] =	vst.idx.add.f32.msk $0xffff, v10  }
0xb4: {  	[tilespmem:v8+s16+$0x0] =	vst.idx.add.f32.msk $0xffff, v17  }
0xb5: {  	[tilespmem:v9+s16+$0x0] =	vst.idx.add.f32.msk $0xffff, v19  }
0xb6: {  	[tilespmem:v1+s16+$0x0] =	vst.idx.add.f32.msk $0xffff, v20  }
0xb7: {  	[tilespmem:v2+s16+$0x0] =	vst.idx.add.f32.msk $0xffff, v21  }
0xb8: {  	v5 =	vld.idx.msk [tilespmem:v13+s13+$0x0], $0xffff  }
0xb9: {  	v10 =	vld.idx.msk [tilespmem:v12+s13+$0x0], $0xffff  }
0xba: {  	v11 =	vld.idx.msk [tilespmem:v15+s13+$0x0], $0xffff  }
0xbb: {  	v12 =	vld.idx.msk [tilespmem:v16+s13+$0x0], $0xffff  }
0xbc: {  	v13 =	vld.idx.msk [tilespmem:v4+s13+$0x0], $0xffff  }
0xbd: {  	v4 =	vld.idx.msk [tilespmem:v3+s13+$0x0], $0xffff  }
0xbe: {  	v3 =	vld.idx.msk [tilespmem:v18+s13+$0x0], $0xffff  }
.Ltmp1:
0xbf: {  	[tilespmem:v14+s17+$0x0] =	vst.idx.add.f32.msk $0xffff, v5;
	(pc) =	sbr.rel @p0 .LBB2_4-.Ltmp1, $4  }
0xc0: {  	[tilespmem:v6+s17+$0x0] =	vst.idx.add.f32.msk $0xffff, v10  }
0xc1: {  	[tilespmem:v7+s17+$0x0] =	vst.idx.add.f32.msk $0xffff, v11  }
0xc2: {  	[tilespmem:v8+s17+$0x0] =	vst.idx.add.f32.msk $0xffff, v12  }
0xc3: {  	s21 =	sadd.s32 $0x80, s21;
	[tilespmem:v9+s17+$0x0] =	vst.idx.add.f32.msk $0xffff, v13  }
0xc4: {  	_ =	sdelay $0x3  }
0xc5: {  	[tilespmem:v1+s17+$0x0] =	vst.idx.add.f32.msk $0xffff, v4  }
0xc6: {  	[tilespmem:v2+s17+$0x0] =	vst.idx.add.f32.msk $0xffff, v3  }
.LBB2_6:
0xc7: {  	s20 =	sshra.s32 s19, $0x2  }
0xc8: {  	v1 =	vld [tilespmem:s20+$0x13860];
	_ =	sdelay $0x4  }
0xc9: {  	v2 =	vshrl.u32 v1, $0x10;
	_ =	sdelay $0x4  }
0xca: {  	v1 =	vand.u32 $0xFFFF, v1;
	v3 =	vld.idx.msk [tilespmem:v2+s2+$0x0], $0xffff;
	_ =	sdelay $0x4  }
0xcb: {  	[tilespmem:v1+s15+$0x0] =	vst.idx.add.f32.msk $0xffff, v3  }
0xcc: {  	v3 =	vld.idx.msk [tilespmem:v2+s12+$0x0], $0xffff;
	_ =	sdelay $0x4  }
0xcd: {  	[tilespmem:v1+s16+$0x0] =	vst.idx.add.f32.msk $0xffff, v3  }
0xce: {  	p0 =	sne.s32 s19, $0x40;
	v2 =	vld.idx.msk [tilespmem:v2+s13+$0x0], $0xffff  }
.Ltmp2:
0xcf: {  	_ = 	snop;
	(pc) =	sbr.rel @p0 .LBB2_6-.Ltmp2, $2  }
0xd0: {  	_ =	sdelay $0x2  }
0xd1: {  	s19 =	sadd.s32 $0x40, s19;
	[tilespmem:v1+s17+$0x0] =	vst.idx.add.f32.msk $0xffff, v2  }
0xd2: {  	[hbm4b:s7+s2] =	stream.linear.scatter [tilespmem:s15], [sflag:$0x1], $0x2710, $0x38;
	[tilespmem:$0x13880] =	vst v63  }
0xd3: {  	_ = 	snop  }
0xd4: {  	[hbm4b:s8+s2] =	stream.linear.scatter [tilespmem:s16], [sflag:$0x1], $0x2710, $0x38;
	[tilespmem:$0x13880] =	vst v63  }
0xd5: {  	_ = 	snop  }
0xd6: {  	[hbm4b:s9+s2] =	stream.linear.scatter [tilespmem:s17], [sflag:$0x1], $0x2710, $0x38;
	[tilespmem:$0x13880] =	vst v63  }
0xd7: {  	_ =	swait.ge [sflag:s14], $0x2710  }
0xd8: {  	[sflag:s14] =	ssyncset.done $0x0  }
0xd9: {  	s18 =	sadd.s32 $0x1, s18;
	[sflag:s14] =	ssyncadd.s32 $0xFFFFD8F0  }
0xda: {  	p0 =	sne.s32 s18, s10;
	_ =	swait.ge [sflag:s14], $0x2710  }
.Ltmp3:
0xdb: {  	[sflag:s14] =	ssyncset.done $0x0;
	(pc) =	sbr.rel @p0 .LBB2_1-.Ltmp3, $4  }
0xdc: {  	[sflag:s14] =	ssyncadd.s32 $0xFFFFD8F0  }
0xdd: {  	_ =	swait.ge [sflag:s14], $0x2710  }
0xde: {  	[sflag:s14] =	ssyncset.done $0x0  }
0xdf: {  	[sflag:s14] =	ssyncadd.s32 $0xFFFFD8F0  }
0xe0: {  	_ =	sfence.sel $0x180000  }
0xe1: {  	[bflag:$0x0] =	sbarrier.arrive $0xFFFF  }
0xe2: {  	p0 =	sne.s32 s0, $0x0;
	_ =	strace $0x9000004D  }
0xe3: {  	s0 =	sadd.s32 @!p0 $0x100000, s1;
	[bflag:$0x2] =	sbarrier.arrive $0xFFFF  }
0xe4: {  	[sflag:s0] =	ssyncadd.tile.s32 @!p0 $0x1;
	_ =	shalt  }
.Lfunc_end2:
_tile_overlayer_lowered:
.L_overlay_start_2:
0xe5: {  	(tag) =	ssettag $0x2  }
0xe6: {  	s0 =	rddreg [dreg:$0x0];
	s2 =	stileid.u32  }
0xe7: {  	s1 =	rddreg [dreg:$0x1];
	p0 =	sne.s32 s2, $0x0  }
0xe8: {  	s3 =	rddreg [dreg:$0x2];
	[bflag:$0x3] =	sbarrier.arrive $0xFFFF;
	s2 =	simm.s32 @!p0 $0x1C02  }
0xe9: {  	[timem:s3], [sflag:s2] =	dma.local @!p0 [hbm:s0], s1  }
0xea: {  	s0 =	simm.s32 @!p0 $0x2  }
0xeb: {  	_ =	swait.ge @!p0 [sflag:s0], s1  }
0xec: {  	s1 =	ssub.s32 @!p0 $0x0, s1;
	[sflag:s0] =	ssyncset.done @!p0 $0x0  }
0xed: {  	[sflag:s0] =	ssyncadd.s32 @!p0 s1  }
0xee: {  	[bflag:$0x3] =	sbarrier.arrive $0xFFFF  }
0xef: {  	_ =	shalt  }

// kernel: kernel.9.cloned.1.call-start
scs
__scs_entry_jumppad:
0x0: {  	(pc) =	sbr.rel $0x88, $3  }
0x1: {  	(tag) =	ssettag $0x0;
	lr =	simm.s32 $0x1  }
0x2: {  	[smem:$0x3F9C] =	sst lr;
	_ =	strace $0xD0000000  }
0x3: {  	_ = 	snop  }
0x4: {  	_ = 	snop  }
0x5: {  	_ = 	snop  }
0x6: {  	_ = 	snop  }
0x7: {  	_ = 	snop  }
__scs_overlays_trampoline_lowered:
0x8: {  	[smem:$0x3FAB] =	sst s0  }
0x9: {  	[smem:$0x3FAC] =	sst s1  }
0xa: {  	[smem:$0x3FAD] =	sst s2  }
0xb: {  	[smem:$0x3FAE] =	sst s3  }
0xc: {  	[smem:$0x3FAF] =	sst s4  }
0xd: {  	[smem:$0x3FB0] =	sst s5  }
0xe: {  	[smem:$0x3FB1] =	sst s6  }
0xf: {  	[smem:$0x3FB2] =	sst s7  }
0x10: {  	[smem:$0x3FB3] =	sst s8  }
0x11: {  	[smem:$0x3FB4] =	sst s9;
	s0 =	simm.s32 @!p0 $0x0  }
0x12: {  	s1 =	sld [smem:$0x3F9A];
	s0 =	simm.s32 @p0 $0x1  }
0x13: {  	[smem:$0x3FB5] =	sst s0;
	s0 =	simm.s32 @!p1 $0x0  }
0x14: {  	s2 =	sld [smem:$0x3F99];
	s0 =	simm.s32 @p1 $0x1  }
0x15: {  	[smem:$0x3FB6] =	sst s0;
	s0 =	simm.s32 @!p2 $0x0  }
0x16: {  	s3 =	sld [smem:$0x3FDB];
	s0 =	simm.s32 @p2 $0x1  }
0x17: {  	s4 =	simm.s32 $0x1BF5;
	[smem:$0x3FB8] =	sst s0  }
0x18: {  	s0 =	sld [smem:$0x3F9B];
	_ =	swait.ge [sflag:s4], $0x0  }
0x19: {  	s7 =	sld [smem:$0x3F9C]  }
0x1a: {  	s8 =	sadd.s32 $0xFFFFE003, lr  }
0x1b: {  	s9 =	sadd.s32 $0xFFFFFEF7, lr;
	s5 =	simm.s32 $0xFFFFFFFF;
	p2 =	slt.u32 s8, $0xFFFFF086  }
0x1c: {  	p1 =	slt.u32 s9, $0xF7A;
	s5 =	simm.s32 @!p2 $0x0  }
0x1d: {  	s5 =	simm.s32 @p1 $0x1;
	p0 =	seq.s32 s7, s2  }
0x1e: {  	s7 =	smul.u32 @!p0 $0xF7A, s2;
	p2 =	seq.s32 @!p0 s5, $0x0  }
0x1f: {  	s9 =	smul.u32 $0xF7A, s1;
	s8 =	simm.s32 @!p0 $0x1BF5;
	p2 =	por !p2, p0  }
0x20: {  	[sflag:s8] =	ssyncset.s32 @!p0 $0xFFFFF086;
	s6 =	sadd.s32 @!p0 s3, s7;
	s7 =	simm.s32 @!p0 $0x108  }
0x21: {  	s3 =	sadd.s32 s3, s9;
	s6 =	sadd.s32 @!p0 $0x88, s6;
	s7 =	simm.s32 @p2 $0x1082  }
0x22: {  	[simem:s7], [sflag:s8] =	dma.local @!p0 [hbm:s6], $0xF7A  }
0x23: {  	s9 =	sor.u32 $0xD0000000, s2;
	s6 =	simm.s32 $0x108;
	_ =	swait.ge @!p0 [sflag:s8], $0x0  }
0x24: {  	s3 =	sadd.s32 $0x88, s3;
	s6 =	simm.s32 @!p1 $0x1082;
	[sflag:s4] =	ssyncset.s32 $0xFFFFF086  }
0x25: {  	[simem:s6], [sflag:s4] =	dma.local [hbm:s3], $0xF7A  }
0x26: {  	[smem:$0x3F9C] =	sst s1;
	(tag) =	ssettag s2;
	_ =	strace s9  }
0x27: {  	s1 =	sld [smem:$0x3FAC]  }
0x28: {  	s2 =	sld [smem:$0x3FAD]  }
0x29: {  	s4 =	sld [smem:$0x3FAF]  }
0x2a: {  	p0 =	seq.s32 s5, $0x0;
	s5 =	sld [smem:$0x3FB0]  }
0x2b: {  	s6 =	sld [smem:$0x3FB1]  }
0x2c: {  	s7 =	sld [smem:$0x3FB2]  }
0x2d: {  	s3 =	simm.s32 $0x108;
	s8 =	sld [smem:$0x3FB3]  }
0x2e: {  	s3 =	simm.s32 @!p0 $0x1082;
	s9 =	sld [smem:$0x3FB4]  }
0x2f: {  	lr =	sadd.s32 s0, s3;
	s0 =	sld [smem:$0x3FAB]  }
0x30: {  	s3 =	sld [smem:$0x3FAE]  }
0x31: {  	[smem:$0x3FB7] =	sst s10  }
0x32: {  	s10 =	sld [smem:$0x3FB5];
	_ =	sdelay $0x3  }
0x33: {  	p0 =	seq.s32 s10, $0x1;
	s10 =	sld [smem:$0x3FB7];
	_ =	sdelay $0x3  }
0x34: {  	[smem:$0x3FB7] =	sst s10  }
0x35: {  	s10 =	sld [smem:$0x3FB6];
	_ =	sdelay $0x3  }
0x36: {  	p1 =	seq.s32 s10, $0x1;
	s10 =	sld [smem:$0x3FB7];
	_ =	sdelay $0x3  }
0x37: {  	[smem:$0x3FB7] =	sst s10  }
0x38: {  	s10 =	sld [smem:$0x3FB8]  }
0x39: {  	_ = 	snop;
	(pc) =	sbr.ind lr, $3  }
0x3a: {  	_ = 	snop  }
0x3b: {  	_ = 	snop  }
0x3c: {  	p2 =	seq.s32 s10, $0x1;
	s10 =	sld [smem:$0x3FB7]  }
0x3d: {  	_ =	shalt  }
0x3e: {  	_ =	shalt  }
0x3f: {  	_ =	shalt  }
0x40: {  	_ =	shalt  }
0x41: {  	_ =	shalt  }
0x42: {  	_ =	shalt  }
0x43: {  	_ =	shalt  }
0x44: {  	_ =	shalt  }
0x45: {  	_ =	shalt  }
0x46: {  	_ =	shalt  }
0x47: {  	_ =	shalt  }
0x48: {  	_ =	shalt  }
0x49: {  	_ =	shalt  }
0x4a: {  	_ =	shalt  }
0x4b: {  	_ =	shalt  }
0x4c: {  	_ =	shalt  }
0x4d: {  	_ =	shalt  }
0x4e: {  	_ =	shalt  }
0x4f: {  	_ =	shalt  }
0x50: {  	_ =	shalt  }
0x51: {  	_ =	shalt  }
0x52: {  	_ =	shalt  }
0x53: {  	_ =	shalt  }
0x54: {  	_ =	shalt  }
0x55: {  	_ =	shalt  }
0x56: {  	_ =	shalt  }
0x57: {  	_ =	shalt  }
0x58: {  	_ =	shalt  }
0x59: {  	_ =	shalt  }
0x5a: {  	_ =	shalt  }
0x5b: {  	_ =	shalt  }
0x5c: {  	_ =	shalt  }
0x5d: {  	_ =	shalt  }
0x5e: {  	_ =	shalt  }
0x5f: {  	_ =	shalt  }
0x60: {  	_ =	shalt  }
0x61: {  	_ =	shalt  }
0x62: {  	_ =	shalt  }
0x63: {  	_ =	shalt  }
0x64: {  	_ =	shalt  }
0x65: {  	_ =	shalt  }
0x66: {  	_ =	shalt  }
0x67: {  	_ =	shalt  }
0x68: {  	_ =	shalt  }
0x69: {  	_ =	shalt  }
0x6a: {  	_ =	shalt  }
0x6b: {  	_ =	shalt  }
0x6c: {  	_ =	shalt  }
0x6d: {  	_ =	shalt  }
0x6e: {  	_ =	shalt  }
0x6f: {  	_ =	shalt  }
0x70: {  	_ =	shalt  }
0x71: {  	_ =	shalt  }
0x72: {  	_ =	shalt  }
0x73: {  	_ =	shalt  }
0x74: {  	_ =	shalt  }
0x75: {  	_ =	shalt  }
0x76: {  	_ =	shalt  }
0x77: {  	_ =	shalt  }
0x78: {  	_ =	shalt  }
0x79: {  	_ =	shalt  }
0x7a: {  	_ =	shalt  }
0x7b: {  	_ =	shalt  }
0x7c: {  	_ =	shalt  }
0x7d: {  	_ =	shalt  }
0x7e: {  	_ =	shalt  }
0x7f: {  	_ =	shalt  }
0x80: {  	_ =	shalt  }
0x81: {  	_ =	shalt  }
0x82: {  	_ =	shalt  }
0x83: {  	_ =	shalt  }
0x84: {  	_ =	shalt  }
0x85: {  	_ =	shalt  }
0x86: {  	_ =	shalt  }
0x87: {  	_ =	shalt  }
.Lfunc_end0:
.L_simem_size_0:
called_computation_lowered:
.L_overlay_start_0:
0x88: {  	s2 =	sld [smem:$0x3FD9]  }
0x89: {  	s3 =	sld [smem:$0x3FFE];
	_ =	sdelay $0x1  }
0x8a: {  	s1 =	srdreg.scid  }
0x8b: {  	s0 =	sand.u32 $0x1, s1  }
0x8c: {  	s16 =	sshll.u32 s0, $0xA;
	s2 =	sadd.s32 s3, s2  }
0x8d: {  	s2 =	sadd.s32 s2, s16  }
0x8e: {  	[smem:$0x3FC3] =	sst s2  }
0x8f: {  	_ = 	snop  }
0x90: {  	(tm) =	ssettm $0x1  }
0x91: {  	s17 =	sld [smem:$0x3FFB];
	_ =	sdelay $0x3  }
0x92: {  	_ =	strace s17  }
0x93: {  	s2 =	sld [smem:$0x3FFC];
	_ =	sdelay $0x3  }
0x94: {  	_ =	strace s2  }
0x95: {  	s2 =	sld [smem:$0x3FFD];
	_ =	sdelay $0x3  }
0x96: {  	_ =	strace s2  }
0x97: {  	_ =	strace $0x8FFFFFFF  }
0x98: {  	s18 =	sld [smem:$0x3FDB];
	_ =	sdelay $0x1  }
0x99: {  	s19 =	simm.s32 $_scs_section_size  }
0x9a: {  	s4 =	simm.s32 $_size__tile_overlayer_lowered;
	s5 =	simm.s32 $_tile_overlayer_lowered  }
0x9b: {  	s22 =	simm.s32 $0x1BFF;
	s21 =	sshll.u32 s5, $0x1;
	s2 =	sadd.s32 s19, s18  }
0x9c: {  	s6 =	simm.s32 $0x0;
	s20 =	sshll.u32 s4, $0x1;
	s4 =	sadd.s32 s21, s2  }
0x9d: {  	[timem:s6], [sflag:s22] =	dma.local [hbm:s4], s20  }
0x9e: {  	_ =	swait.ge [sflag:s22], s20  }
0x9f: {  	s3 =	ssub.s32 $0x0, s20;
	[sflag:s22] =	ssyncset.done $0x0  }
0xa0: {  	[sflag:s22] =	ssyncadd.s32 s3;
	_ =	sdelay $0x1  }
0xa1: {  	s23 =	simm.s32 $0x1B8B  }
0xa2: {  	_ =	swait.ge [sflag:s23], $0x1  }
0xa3: {  	[sflag:s23] =	ssyncset.done $0x0  }
0xa4: {  	s25 =	simm.s32 $0x1B8E;
	s24 =	sld [smem:$0x3FFE];
	[sflag:s23] =	ssyncadd.s32 $0xFFFFFFFF  }
0xa5: {  	s26 =	simm.s32 $execute0_lowered;
	[smem:$0x3FD2] =	sst s25  }
0xa6: {  	s4 =	sshll.u32 s26, $0x1;
	_ =	strace $0x80000046;
	[dreg:$0x1] =	wrdreg $0xFFFFFFFF  }
0xa7: {  	s28 =	simm.s32 $_size_execute0_lowered;
	s2 =	sadd.s32 s2, s4;
	[dreg:$0x0] =	wrdreg $0x0  }
0xa8: {  	s4 =	sshll.u32 s28, $0x1;
	[dreg:$0x2] =	wrdreg s2  }
0xa9: {  	[dreg:$0x3] =	wrdreg s4  }
0xaa: {  	[dreg:$0x4] =	wrdreg $0xC0  }
0xab: {  	_ =	task [dreg:s6], $0x5FFFF  }
0xac: {  	[dreg:$0x1] =	wrdreg $0xFFFFFFFF  }
0xad: {  	[dreg:$0x0] =	wrdreg $0x60  }
0xae: {  	[dreg:$0x2] =	wrdreg s24  }
0xaf: {  	[dreg:$0x3] =	wrdreg $0x9  }
0xb0: {  	_ =	task.clear_ibuf [dreg:s6], $0x4FFFF;
	_ =	strace $0x90000046  }
0xb1: {  	s29 =	simm.s32 $0x9;
	_ =	strace $0x80000048  }
0xb2: {  	_ =	swait.ge [sflag:s29], $0x1  }
0xb3: {  	[sflag:s29] =	ssyncadd.s32 $0xFFFFFFFF  }
0xb4: {  	_ =	strace $0x90000048  }
0xb5: {  	_ =	sfence  }
0xb6: {  	s30 =	sld [smem:$0x0];
	_ =	sdelay $0x2  }
0xb7: {  	s31 =	sshll.u32 s1, $0xD;
	s1 =	sshrl.u32 s1, $0x2  }
0xb8: {  	s3 =	sand.u32 $0x4000, s31;
	s1 =	sadd.s32 s1, s30  }
0xb9: {  	s0 =	sor.u32 s3, s0;
	s1 =	sshll.u32 s1, $0x11  }
0xba: {  	s0 =	sor.u32 s1, s0  }
0xbb: {  	s0 =	sadd.s32 $0x8F2B, s0  }
0xbc: {  	[sflag:s0] =	ssyncadd.remote.s32 $0x1  }
0xbd: {  	_ =	sfence.sel $0xFFFF  }
0xbe: {  	[dreg:$0x0] =	wrdreg $0xFFFFFFFF;
	(pc) =	sbr.abs _section_cstart, $3  }
0xbf: {  	[dreg:$0x1] =	wrdreg $0xFFFFFFFF  }
0xc0: {  	_ =	task.clear_ibuf [dreg:s6], $0x2FFFF;
	_ =	strace $0x9FFFFFFF  }
0xc1: {  	(tm) =	ssettm $0x7FFFFFFF  }
tec
execute0_lowered:
.L_overlay_start_1:
0x0: {  	(tag) =	ssettag $0x1  }
0x1: {  	s4 =	rddreg [dreg:$0x0];
	s1 =	srdreg.scid  }
0x2: {  	s0 =	rddreg [dreg:$0x1];
	s2 =	simm.s32 $0x0;
	s13 =	simm.s32 $0x10360  }
0x3: {  	s14 =	simm.s32 $0x2710;
	s15 =	simm.s32 $0x3;
	s16 =	simm.s32 $0x1  }
0x4: {  	s17 =	simm.s32 $0x4E20;
	s18 =	simm.s32 $0x7530;
	s3 =	sand.u32 $0x1, s1  }
0x5: {  	s19 =	simm.s32 $0x9C40;
	s1 =	stileid.u32;
	s5 =	sshll.u32 s3, $0x4  }
0x6: {  	s20 =	simm.s32 $0xC350;
	s21 =	simm.s32 $0x2;
	s5 =	sor.u32 s1, s5  }
0x7: {  	s22 =	simm.s32 $0x0;
	[smem:$0x7FF] =	sst s2;
	s8 =	smul.u32 $0x9C4, s5  }
0x8: {  	s6 =	sadd.s32 $0xB600, s4;
	s11 =	sadd.s32 $0x1F000, s4;
	s10 =	smul.u32 $0x4E20, s5  }
0x9: {  	_ =	strace $0x80000047;
	s7 =	ssub.s32 $0x2, s3;
	s26 =	smul.u32 $0x9C40, s5  }
0xa: {  	s3 =	sadd.s32 $0x1800, s4;
	s9 =	sshrl.u32 s7, $0x1;
	s29 =	smul.u32 $0x1388, s5  }
.Ltmp0:
0xb: {  	s4 =	sadd.s32 $0x1B20, s4;
	s12 =	ssub.s32 s7, s9;
	(pc) =	sbr.rel .LBB2_1-.Ltmp0, $4  }
0xc: {  	s28 =	sshrl.u32 s10, $0x3;
	s5 =	sadd.s32 s6, s8;
	s30 =	sshrl.u32 s26, $0x3  }
0xd: {  	s7 =	sadd.s32 s11, s29;
	s6 =	sadd.s32 s6, s28;
	s31 =	sadd.s32 s11, s30  }
0xe: {  	s11 =	smax.u32 s12, $0x1;
	s12 =	simm.s32 $0xEA60;
	s6 =	sadd.s32 $0x4E2, s6  }
0xf: {  	v0 =	vimm.f32 $0.0e+00;
	s8 =	sadd.s32 $0x4E2, s31;
	s9 =	sadd.s32 $0x9C4, s31;
	s10 =	sadd.s32 $0xEA6, s31  }
.LBB2_10:
0x10: {  	[hbm4b:s7+s2] =	stream.linear.scatter [tilespmem:s17], [sflag:$0x3], $0x2710, $0x38;
	[tilespmem:$0x11C60] =	vst v63  }
0x11: {  	_ = 	snop  }
0x12: {  	[hbm4b:s8+s2] =	stream.linear.scatter [tilespmem:s18], [sflag:$0x3], $0x2710, $0x38;
	[tilespmem:$0x11C60] =	vst v63  }
0x13: {  	_ = 	snop  }
0x14: {  	[hbm4b:s9+s2] =	stream.linear.scatter [tilespmem:s19], [sflag:$0x3], $0x2710, $0x38;
	[tilespmem:$0x11C60] =	vst v63  }
0x15: {  	_ = 	snop  }
0x16: {  	[hbm4b:s10+s2] =	stream.linear.scatter [tilespmem:s20], [sflag:$0x3], $0x2710, $0x38;
	[tilespmem:$0x11C60] =	vst v63  }
0x17: {  	_ =	swait.ge [sflag:s15], $0x2710  }
0x18: {  	[sflag:s15] =	ssyncset.done $0x0  }
0x19: {  	[sflag:s15] =	ssyncadd.s32 $0xFFFFD8F0  }
0x1a: {  	_ =	swait.ge [sflag:s15], $0x2710  }
0x1b: {  	[sflag:s15] =	ssyncset.done $0x0  }
0x1c: {  	s22 =	sadd.s32 $0x1, s22;
	[sflag:s15] =	ssyncadd.s32 $0xFFFFD8F0  }
0x1d: {  	p0 =	sne.s32 s22, s11;
	_ =	swait.ge [sflag:s15], $0x2710  }
.Ltmp1:
0x1e: {  	[sflag:s15] =	ssyncset.done $0x0;
	(pc) =	sbr.rel @!p0 .LBB2_11-.Ltmp1, $4  }
0x1f: {  	[sflag:s15] =	ssyncadd.s32 $0xFFFFD8F0  }
0x20: {  	_ =	swait.ge [sflag:s15], $0x2710  }
0x21: {  	[sflag:s15] =	ssyncset.done $0x0  }
0x22: {  	[sflag:s15] =	ssyncadd.s32 $0xFFFFD8F0  }
.LBB2_1:
0x23: {  	[tilespmem:s12], [sflag:$0x1] =	stream.linear.gather [hbm4b:s3+s2], $0x1900, $0x38;
	[tilespmem:$0x11C60] =	vst v63  }
0x24: {  	_ = 	snop  }
0x25: {  	[tilespmem:s13], [sflag:$0x2] =	stream.linear.gather [hbm4b:s4+s2], $0x1900, $0x38;
	[tilespmem:$0x11C60] =	vst v63  }
0x26: {  	_ = 	snop  }
0x27: {  	[tilespmem:s2], [sflag:$0x3] =	stream.linear.gather [hbm4b:s5+s2], $0x2710, $0x38;
	[tilespmem:$0x11C60] =	vst v63  }
0x28: {  	s25 =	simm.s32 $0x4E60  }
0x29: {  	[tilespmem:s14], [sflag:$0x3] =	stream.linear.gather [hbm4b:s6+s2], $0x2710, $0x38;
	[tilespmem:$0x11C60] =	vst v63  }
0x2a: {  	[tilespmem:s25+$0x30] =	vst v0  }
0x2b: {  	[tilespmem:s25+$0xFFFFFFE0] =	vst v0  }
0x2c: {  	[tilespmem:s25+$0xFFFFFFF0] =	vst v0  }
0x2d: {  	[tilespmem:s25+$0x0] =	vst v0  }
0x2e: {  	[tilespmem:s25+$0xFFFFFFC0] =	vst v0  }
0x2f: {  	[tilespmem:s25+$0x10] =	vst v0  }
0x30: {  	[tilespmem:s25+$0x20] =	vst v0  }
0x31: {  	s24 =	simm.s32 $0x7570;
	[tilespmem:s25+$0xFFFFFFD0] =	vst v0  }
0x32: {  	[tilespmem:s24+$0x30] =	vst v0  }
0x33: {  	[tilespmem:s24+$0xFFFFFFC0] =	vst v0  }
0x34: {  	[tilespmem:s24+$0x10] =	vst v0  }
0x35: {  	[tilespmem:s24+$0xFFFFFFD0] =	vst v0  }
0x36: {  	[tilespmem:s24+$0x20] =	vst v0  }
0x37: {  	[tilespmem:s24+$0x0] =	vst v0  }
0x38: {  	s23 =	simm.s32 $0x9C80;
	[tilespmem:s24+$0xFFFFFFF0] =	vst v0  }
0x39: {  	[tilespmem:s23+$0x30] =	vst v0  }
0x3a: {  	[tilespmem:s23+$0xFFFFFFC0] =	vst v0  }
0x3b: {  	[tilespmem:s23+$0x10] =	vst v0  }
0x3c: {  	[tilespmem:s23+$0xFFFFFFD0] =	vst v0  }
0x3d: {  	[tilespmem:s23+$0x20] =	vst v0  }
0x3e: {  	[tilespmem:s23+$0x0] =	vst v0  }
0x3f: {  	s26 =	simm.s32 $0xC390;
	[tilespmem:s23+$0xFFFFFFF0] =	vst v0  }
0x40: {  	[tilespmem:s26+$0x30] =	vst v0  }
0x41: {  	[tilespmem:s26+$0xFFFFFFC0] =	vst v0  }
0x42: {  	[tilespmem:s26+$0x10] =	vst v0  }
0x43: {  	[tilespmem:s26+$0xFFFFFFD0] =	vst v0  }
0x44: {  	s28 =	simm.s32 $0x0;
	s29 =	simm.s32 $0x9D00;
	s30 =	simm.s32 $0xC410;
	[tilespmem:s26+$0x20] =	vst v0  }
.LBB2_2:
0x45: {  	s28 =	sadd.s32 $0x8, s28;
	[tilespmem:s24+$0xFFFFFFE0] =	vst v0;
	s25 =	sadd.s32 $0x80, s25;
	s24 =	sadd.s32 $0x80, s24  }
0x46: {  	[tilespmem:s25+$0x30] =	vst v0;
	p0 =	slt.u32 s28, $0x268  }
0x47: {  	[tilespmem:s24+$0x30] =	vst v0  }
0x48: {  	[tilespmem:s29+$0x30] =	vst v0  }
0x49: {  	[tilespmem:s26+$0xFFFFFFF0] =	vst v0  }
0x4a: {  	[tilespmem:s26+$0x0] =	vst v0  }
0x4b: {  	[tilespmem:s23+$0xFFFFFFE0] =	vst v0;
	s23 =	smov.u32 s29  }
0x4c: {  	[tilespmem:s26+$0xFFFFFFE0] =	vst v0;
	s26 =	smov.u32 s30  }
0x4d: {  	[tilespmem:s30+$0x30] =	vst v0  }
0x4e: {  	[tilespmem:s25+$0xFFFFFFE0] =	vst v0  }
0x4f: {  	[tilespmem:s25+$0xFFFFFFF0] =	vst v0  }
0x50: {  	[tilespmem:s25+$0x0] =	vst v0  }
0x51: {  	[tilespmem:s25+$0xFFFFFFC0] =	vst v0  }
0x52: {  	[tilespmem:s24+$0xFFFFFFC0] =	vst v0  }
0x53: {  	[tilespmem:s29+$0xFFFFFFC0] =	vst v0  }
0x54: {  	[tilespmem:s30+$0xFFFFFFC0] =	vst v0  }
0x55: {  	[tilespmem:s25+$0x10] =	vst v0  }
0x56: {  	[tilespmem:s24+$0x10] =	vst v0  }
0x57: {  	[tilespmem:s29+$0x10] =	vst v0  }
0x58: {  	[tilespmem:s30+$0x10] =	vst v0  }
0x59: {  	[tilespmem:s25+$0x20] =	vst v0  }
0x5a: {  	[tilespmem:s25+$0xFFFFFFD0] =	vst v0  }
0x5b: {  	[tilespmem:s24+$0xFFFFFFD0] =	vst v0  }
0x5c: {  	[tilespmem:s29+$0xFFFFFFD0] =	vst v0  }
0x5d: {  	[tilespmem:s30+$0xFFFFFFD0] =	vst v0  }
0x5e: {  	[tilespmem:s24+$0x20] =	vst v0  }
0x5f: {  	[tilespmem:s29+$0x20] =	vst v0  }
.Ltmp2:
0x60: {  	[tilespmem:s30+$0x20] =	vst v0;
	(pc) =	sbr.rel @p0 .LBB2_2-.Ltmp2, $4  }
0x61: {  	[tilespmem:s24+$0x0] =	vst v0  }
0x62: {  	[tilespmem:s29+$0x0] =	vst v0  }
0x63: {  	[tilespmem:s24+$0xFFFFFFF0] =	vst v0  }
0x64: {  	s30 =	sadd.s32 $0x80, s30;
	s29 =	sadd.s32 $0x80, s29;
	[tilespmem:s23+$0xFFFFFFF0] =	vst v0  }
0x65: {  	[tilespmem:s24+$0xFFFFFFE0] =	vst v0  }
0x66: {  	[tilespmem:s26+$0xFFFFFFF0] =	vst v0  }
0x67: {  	[tilespmem:s26+$0x0] =	vst v0  }
0x68: {  	[tilespmem:s23+$0xFFFFFFE0] =	vst v0  }
0x69: {  	[tilespmem:s26+$0xFFFFFFE0] =	vst v0  }
0x6a: {  	[tilespmem:$0x7520] =	vst v0  }
0x6b: {  	[tilespmem:$0x9C30] =	vst v0  }
0x6c: {  	[tilespmem:$0xC340] =	vst v0  }
0x6d: {  	[tilespmem:$0xEA50] =	vst v0  }
0x6e: {  	_ =	swait.ge [sflag:s15], $0x2710  }
0x6f: {  	[sflag:s15] =	ssyncset.done $0x0  }
0x70: {  	[sflag:s15] =	ssyncadd.s32 $0xFFFFD8F0  }
0x71: {  	_ =	swait.ge [sflag:s15], $0x2710  }
0x72: {  	[sflag:s15] =	ssyncset.done $0x0  }
0x73: {  	s23 =	simm.s32 $0x0;
	[sflag:s15] =	ssyncadd.s32 $0xFFFFD8F0  }
.LBB2_4:
0x74: {  	_ =	swait.ge [sflag:s16], $0x1900  }
0x75: {  	[sflag:s16] =	ssyncset.done $0x0  }
0x76: {  	s24 =	simm.s32 $0xEAA0;
	[sflag:s16] =	ssyncadd.s32 $0xFFFFE700  }
0x77: {  	v1 =	vld [tilespmem:s24+$0x30]  }
0x78: {  	v2 =	vld [tilespmem:s24+$0xFFFFFFD0]  }
0x79: {  	v3 =	vld [tilespmem:s24+$0xFFFFFFE0]  }
0x7a: {  	v4 =	vld [tilespmem:s24+$0xFFFFFFF0]  }
0x7b: {  	v5 =	vld [tilespmem:s24+$0x0]  }
0x7c: {  	v6 =	vld [tilespmem:s24+$0x10];
	v7 =	vshrl.u32 v1, $0x10  }
0x7d: {  	v12 =	vld [tilespmem:s24+$0xFFFFFFC0];
	v8 =	vshrl.u32 v2, $0x10  }
0x7e: {  	v9 =	vld [tilespmem:s24+$0x20];
	v10 =	vshrl.u32 v3, $0x10  }
0x7f: {  	v11 =	vshrl.u32 v4, $0x10  }
0x80: {  	v13 =	vshrl.u32 v5, $0x10  }
0x81: {  	v14 =	vshrl.u32 v6, $0x10;
	v15 =	vld.idx.msk [tilespmem:v7+s2+$0x0], $0xffff  }
0x82: {  	v21 =	vshrl.u32 v12, $0x10;
	v16 =	vld.idx.msk [tilespmem:v8+s2+$0x0], $0xffff  }
0x83: {  	v17 =	vshrl.u32 v9, $0x10;
	v18 =	vld.idx.msk [tilespmem:v10+s2+$0x0], $0xffff  }
0x84: {  	v1 =	vand.u32 $0xFFFF, v1;
	v19 =	vld.idx.msk [tilespmem:v11+s2+$0x0], $0xffff  }
0x85: {  	v2 =	vand.u32 $0xFFFF, v2;
	v20 =	vld.idx.msk [tilespmem:v13+s2+$0x0], $0xffff  }
0x86: {  	v3 =	vand.u32 $0xFFFF, v3;
	v22 =	vld.idx.msk [tilespmem:v14+s2+$0x0], $0xffff  }
0x87: {  	v4 =	vand.u32 $0xFFFF, v4;
	v40 =	vld.idx.msk [tilespmem:v21+s2+$0x0], $0xffff  }
0x88: {  	v12 =	vand.u32 $0xFFFF, v12;
	v23 =	vld.idx.msk [tilespmem:v17+s2+$0x0], $0xffff;
	v24 =	vshll.u32 v15, $0x10  }
0x89: {  	v5 =	vand.u32 $0xFFFF, v5;
	v39 =	vshll.u32 v16, $0x10;
	[tilespmem:v1+s17+$0x0] =	vst.idx.add.f32.msk $0xffff, v24  }
0x8a: {  	v6 =	vand.u32 $0xFFFF, v6;
	v41 =	vshll.u32 v18, $0x10;
	[tilespmem:v2+s17+$0x0] =	vst.idx.add.f32.msk $0xffff, v39  }
0x8b: {  	v43 =	vshll.u32 v19, $0x10;
	[tilespmem:v3+s17+$0x0] =	vst.idx.add.f32.msk $0xffff, v41  }
0x8c: {  	v45 =	vshll.u32 v40, $0x10;
	[tilespmem:v4+s17+$0x0] =	vst.idx.add.f32.msk $0xffff, v43  }
0x8d: {  	v47 =	vshll.u32 v20, $0x10;
	[tilespmem:v12+s17+$0x0] =	vst.idx.add.f32.msk $0xffff, v45  }
0x8e: {  	v49 =	vshll.u32 v22, $0x10;
	[tilespmem:v5+s17+$0x0] =	vst.idx.add.f32.msk $0xffff, v47  }
0x8f: {  	v15 =	vand.u32 $0xFFFF0000, v15;
	[tilespmem:v6+s17+$0x0] =	vst.idx.add.f32.msk $0xffff, v49  }
0x90: {  	v16 =	vand.u32 $0xFFFF0000, v16;
	[tilespmem:v1+s18+$0x0] =	vst.idx.add.f32.msk $0xffff, v15  }
0x91: {  	v42 =	vand.u32 $0xFFFF0000, v18;
	[tilespmem:v2+s18+$0x0] =	vst.idx.add.f32.msk $0xffff, v16  }
0x92: {  	v46 =	vand.u32 $0xFFFF0000, v19;
	[tilespmem:v3+s18+$0x0] =	vst.idx.add.f32.msk $0xffff, v42  }
0x93: {  	v48 =	vand.u32 $0xFFFF0000, v20;
	[tilespmem:v4+s18+$0x0] =	vst.idx.add.f32.msk $0xffff, v46  }
0x94: {  	v50 =	vand.u32 $0xFFFF0000, v22;
	[tilespmem:v5+s18+$0x0] =	vst.idx.add.f32.msk $0xffff, v48  }
0x95: {  	[tilespmem:v6+s18+$0x0] =	vst.idx.add.f32.msk $0xffff, v50  }
0x96: {  	v7 =	vld.idx.msk [tilespmem:v7+s14+$0x0], $0xffff  }
0x97: {  	v8 =	vld.idx.msk [tilespmem:v8+s14+$0x0], $0xffff  }
0x98: {  	v54 =	vld.idx.msk [tilespmem:v10+s14+$0x0], $0xffff  }
0x99: {  	v55 =	vld.idx.msk [tilespmem:v11+s14+$0x0], $0xffff  }
0x9a: {  	v56 =	vld.idx.msk [tilespmem:v13+s14+$0x0], $0xffff  }
0x9b: {  	v57 =	vld.idx.msk [tilespmem:v14+s14+$0x0], $0xffff;
	v44 =	vshll.u32 v7, $0x10  }
0x9c: {  	v60 =	vshll.u32 v8, $0x10;
	[tilespmem:v1+s19+$0x0] =	vst.idx.add.f32.msk $0xffff, v44  }
0x9d: {  	v62 =	vshll.u32 v54, $0x10;
	[tilespmem:v2+s19+$0x0] =	vst.idx.add.f32.msk $0xffff, v60  }
0x9e: {  	v63 =	vshll.u32 v55, $0x10;
	[tilespmem:v3+s19+$0x0] =	vst.idx.add.f32.msk $0xffff, v62  }
0x9f: {  	v7 =	vand.u32 $0xFFFF0000, v7;
	[tilespmem:v4+s19+$0x0] =	vst.idx.add.f32.msk $0xffff, v63  }
0xa0: {  	v61 =	vand.u32 $0xFFFF0000, v8;
	[tilespmem:v1+s20+$0x0] =	vst.idx.add.f32.msk $0xffff, v7  }
0xa1: {  	v1 =	vand.u32 $0xFFFF0000, v40;
	[tilespmem:v2+s20+$0x0] =	vst.idx.add.f32.msk $0xffff, v61  }
0xa2: {  	v2 =	vand.u32 $0xFFFF0000, v54;
	[tilespmem:v12+s18+$0x0] =	vst.idx.add.f32.msk $0xffff, v1;
	v1 =	vand.u32 $0xFFFF, v9  }
0xa3: {  	[tilespmem:v3+s20+$0x0] =	vst.idx.add.f32.msk $0xffff, v2  }
0xa4: {  	v2 =	vand.u32 $0xFFFF0000, v55;
	v53 =	vld.idx.msk [tilespmem:v21+s14+$0x0], $0xffff  }
0xa5: {  	v3 =	vshll.u32 v56, $0x10;
	[tilespmem:v4+s20+$0x0] =	vst.idx.add.f32.msk $0xffff, v2  }
0xa6: {  	v51 =	vshll.u32 v23, $0x10;
	[tilespmem:v5+s19+$0x0] =	vst.idx.add.f32.msk $0xffff, v3  }
0xa7: {  	v52 =	vand.u32 $0xFFFF0000, v23;
	[tilespmem:v1+s17+$0x0] =	vst.idx.add.f32.msk $0xffff, v51  }
0xa8: {  	[tilespmem:v1+s18+$0x0] =	vst.idx.add.f32.msk $0xffff, v52  }
0xa9: {  	v2 =	vand.u32 $0xFFFF0000, v56;
	v59 =	vld.idx.msk [tilespmem:v17+s14+$0x0], $0xffff  }
0xaa: {  	v3 =	vshll.u32 v57, $0x10;
	[tilespmem:v5+s20+$0x0] =	vst.idx.add.f32.msk $0xffff, v2  }
0xab: {  	v4 =	vand.u32 $0xFFFF0000, v57;
	[tilespmem:v6+s19+$0x0] =	vst.idx.add.f32.msk $0xffff, v3  }
0xac: {  	[tilespmem:v6+s20+$0x0] =	vst.idx.add.f32.msk $0xffff, v4;
	v58 =	vshll.u32 v53, $0x10  }
0xad: {  	v7 =	vand.u32 $0xFFFF0000, v53;
	[tilespmem:v12+s19+$0x0] =	vst.idx.add.f32.msk $0xffff, v58  }
0xae: {  	s25 =	simm.s32 $0xEB20;
	s24 =	simm.s32 $0x0;
	[tilespmem:v12+s20+$0x0] =	vst.idx.add.f32.msk $0xffff, v7;
	v3 =	vshll.u32 v59, $0x10;
	v2 =	vand.u32 $0xFFFF0000, v59  }
.LBB2_5:
0xaf: {  	v4 =	vld [tilespmem:s25+$0x30]  }
0xb0: {  	v5 =	vld [tilespmem:s25+$0xFFFFFFD0]  }
0xb1: {  	s24 =	sadd.s32 $0x8, s24;
	v6 =	vld [tilespmem:s25+$0xFFFFFFE0]  }
0xb2: {  	p0 =	slt.u32 s24, $0x188;
	v7 =	vld [tilespmem:s25+$0xFFFFFFF0]  }
0xb3: {  	v8 =	vld [tilespmem:s25+$0x0]  }
0xb4: {  	v9 =	vld [tilespmem:s25+$0x10];
	v10 =	vshrl.u32 v4, $0x10  }
0xb5: {  	v11 =	vshrl.u32 v5, $0x10;
	v5 =	vand.u32 $0xFFFF, v5;
	v12 =	vld [tilespmem:s25+$0x20]  }
0xb6: {  	v13 =	vld [tilespmem:s25+$0xFFFFFFC0];
	v14 =	vshrl.u32 v6, $0x10;
	v6 =	vand.u32 $0xFFFF, v6  }
0xb7: {  	v15 =	vshrl.u32 v7, $0x10;
	v7 =	vand.u32 $0xFFFF, v7;
	[tilespmem:v1+s19+$0x0] =	vst.idx.add.f32.msk $0xffff, v3  }
0xb8: {  	v3 =	vshrl.u32 v8, $0x10;
	v8 =	vand.u32 $0xFFFF, v8;
	[tilespmem:v1+s20+$0x0] =	vst.idx.add.f32.msk $0xffff, v2  }
0xb9: {  	v2 =	vshrl.u32 v9, $0x10;
	v9 =	vand.u32 $0xFFFF, v9;
	v16 =	vld.idx.msk [tilespmem:v10+s2+$0x0], $0xffff  }
0xba: {  	v17 =	vld.idx.msk [tilespmem:v11+s2+$0x0], $0xffff;
	v18 =	vshrl.u32 v12, $0x10;
	v1 =	vand.u32 $0xFFFF, v12  }
0xbb: {  	v4 =	vand.u32 $0xFFFF, v4;
	v12 =	vshrl.u32 v13, $0x10;
	v13 =	vand.u32 $0xFFFF, v13;
	v19 =	vld.idx.msk [tilespmem:v14+s2+$0x0], $0xffff  }
0xbc: {  	v20 =	vld.idx.msk [tilespmem:v15+s2+$0x0], $0xffff  }
0xbd: {  	v21 =	vld.idx.msk [tilespmem:v3+s2+$0x0], $0xffff  }
0xbe: {  	v22 =	vld.idx.msk [tilespmem:v2+s2+$0x0], $0xffff  }
0xbf: {  	v24 =	vshll.u32 v16, $0x10;
	v23 =	vld.idx.msk [tilespmem:v18+s2+$0x0], $0xffff  }
0xc0: {  	v16 =	vand.u32 $0xFFFF0000, v16;
	v25 =	vshll.u32 v17, $0x10;
	v17 =	vand.u32 $0xFFFF0000, v17;
	[tilespmem:v4+s17+$0x0] =	vst.idx.add.f32.msk $0xffff, v24  }
0xc1: {  	v24 =	vshll.u32 v19, $0x10;
	v19 =	vand.u32 $0xFFFF0000, v19;
	[tilespmem:v4+s18+$0x0] =	vst.idx.add.f32.msk $0xffff, v16  }
0xc2: {  	v16 =	vshll.u32 v20, $0x10;
	v20 =	vand.u32 $0xFFFF0000, v20;
	v10 =	vld.idx.msk [tilespmem:v10+s14+$0x0], $0xffff  }
0xc3: {  	v27 =	vshll.u32 v21, $0x10;
	v21 =	vand.u32 $0xFFFF0000, v21;
	v26 =	vld.idx.msk [tilespmem:v12+s2+$0x0], $0xffff  }
0xc4: {  	[tilespmem:v5+s17+$0x0] =	vst.idx.add.f32.msk $0xffff, v25;
	v25 =	vshll.u32 v22, $0x10;
	v22 =	vand.u32 $0xFFFF0000, v22  }
0xc5: {  	[tilespmem:v5+s18+$0x0] =	vst.idx.add.f32.msk $0xffff, v17;
	v17 =	vshll.u32 v23, $0x10;
	v23 =	vand.u32 $0xFFFF0000, v23  }
0xc6: {  	[tilespmem:v6+s17+$0x0] =	vst.idx.add.f32.msk $0xffff, v24  }
0xc7: {  	[tilespmem:v6+s18+$0x0] =	vst.idx.add.f32.msk $0xffff, v19  }
0xc8: {  	[tilespmem:v7+s17+$0x0] =	vst.idx.add.f32.msk $0xffff, v16;
	v16 =	vshll.u32 v10, $0x10  }
0xc9: {  	v19 =	vshll.u32 v26, $0x10;
	v24 =	vand.u32 $0xFFFF0000, v26;
	v10 =	vand.u32 $0xFFFF0000, v10;
	[tilespmem:v4+s19+$0x0] =	vst.idx.add.f32.msk $0xffff, v16  }
0xca: {  	[tilespmem:v4+s20+$0x0] =	vst.idx.add.f32.msk $0xffff, v10  }
0xcb: {  	[tilespmem:v13+s17+$0x0] =	vst.idx.add.f32.msk $0xffff, v19  }
0xcc: {  	[tilespmem:v13+s18+$0x0] =	vst.idx.add.f32.msk $0xffff, v24  }
0xcd: {  	[tilespmem:v7+s18+$0x0] =	vst.idx.add.f32.msk $0xffff, v20  }
0xce: {  	[tilespmem:v8+s17+$0x0] =	vst.idx.add.f32.msk $0xffff, v27  }
0xcf: {  	[tilespmem:v8+s18+$0x0] =	vst.idx.add.f32.msk $0xffff, v21  }
0xd0: {  	[tilespmem:v9+s17+$0x0] =	vst.idx.add.f32.msk $0xffff, v25  }
0xd1: {  	[tilespmem:v9+s18+$0x0] =	vst.idx.add.f32.msk $0xffff, v22  }
0xd2: {  	[tilespmem:v1+s17+$0x0] =	vst.idx.add.f32.msk $0xffff, v17  }
0xd3: {  	[tilespmem:v1+s18+$0x0] =	vst.idx.add.f32.msk $0xffff, v23  }
0xd4: {  	v4 =	vld.idx.msk [tilespmem:v12+s14+$0x0], $0xffff  }
0xd5: {  	v10 =	vld.idx.msk [tilespmem:v11+s14+$0x0], $0xffff  }
0xd6: {  	v11 =	vld.idx.msk [tilespmem:v14+s14+$0x0], $0xffff  }
0xd7: {  	v12 =	vld.idx.msk [tilespmem:v15+s14+$0x0], $0xffff  }
0xd8: {  	v3 =	vld.idx.msk [tilespmem:v3+s14+$0x0], $0xffff  }
0xd9: {  	v2 =	vld.idx.msk [tilespmem:v2+s14+$0x0], $0xffff  }
0xda: {  	v14 =	vshll.u32 v4, $0x10;
	v4 =	vand.u32 $0xFFFF0000, v4;
	v15 =	vld.idx.msk [tilespmem:v18+s14+$0x0], $0xffff  }
0xdb: {  	[tilespmem:v13+s19+$0x0] =	vst.idx.add.f32.msk $0xffff, v14;
	v14 =	vshll.u32 v10, $0x10;
	v10 =	vand.u32 $0xFFFF0000, v10  }
0xdc: {  	[tilespmem:v13+s20+$0x0] =	vst.idx.add.f32.msk $0xffff, v4;
	v4 =	vshll.u32 v11, $0x10;
	v11 =	vand.u32 $0xFFFF0000, v11  }
0xdd: {  	v13 =	vshll.u32 v12, $0x10;
	v12 =	vand.u32 $0xFFFF0000, v12;
	[tilespmem:v5+s19+$0x0] =	vst.idx.add.f32.msk $0xffff, v14  }
0xde: {  	[tilespmem:v5+s20+$0x0] =	vst.idx.add.f32.msk $0xffff, v10;
	v5 =	vshll.u32 v3, $0x10;
	v10 =	vand.u32 $0xFFFF0000, v3  }
0xdf: {  	v14 =	vand.u32 $0xFFFF0000, v2;
	[tilespmem:v6+s19+$0x0] =	vst.idx.add.f32.msk $0xffff, v4;
	v4 =	vshll.u32 v2, $0x10  }
0xe0: {  	v3 =	vshll.u32 v15, $0x10;
	v2 =	vand.u32 $0xFFFF0000, v15;
	[tilespmem:v6+s20+$0x0] =	vst.idx.add.f32.msk $0xffff, v11  }
0xe1: {  	[tilespmem:v7+s19+$0x0] =	vst.idx.add.f32.msk $0xffff, v13  }
.Ltmp3:
0xe2: {  	[tilespmem:v7+s20+$0x0] =	vst.idx.add.f32.msk $0xffff, v12;
	(pc) =	sbr.rel @p0 .LBB2_5-.Ltmp3, $4  }
0xe3: {  	[tilespmem:v8+s19+$0x0] =	vst.idx.add.f32.msk $0xffff, v5  }
0xe4: {  	[tilespmem:v8+s20+$0x0] =	vst.idx.add.f32.msk $0xffff, v10  }
0xe5: {  	[tilespmem:v9+s19+$0x0] =	vst.idx.add.f32.msk $0xffff, v4  }
0xe6: {  	s25 =	sadd.s32 $0x80, s25;
	[tilespmem:v9+s20+$0x0] =	vst.idx.add.f32.msk $0xffff, v14  }
0xe7: {  	p0 =	seq.s32 s23, $0x18  }
0xe8: {  	s24 =	smul.u32 @!p0 $0x3200, s23;
	_ =	sdelay $0x1  }
0xe9: {  	s24 =	sshrl.u32 @!p0 s24, $0x3  }
0xea: {  	[tilespmem:v1+s19+$0x0] =	vst.idx.add.f32.msk $0xffff, v3;
	s24 =	sadd.s32 @!p0 s3, s24  }
0xeb: {  	[tilespmem:v1+s20+$0x0] =	vst.idx.add.f32.msk $0xffff, v2;
	s25 =	simm.s32 @!p0 $0x0;
	s26 =	simm.s32 @!p0 $0xEA60;
	s24 =	sadd.s32 @!p0 $0x640, s24  }
0xec: {  	[tilespmem:s26], [sflag:$0x1] =	stream.linear.gather @!p0 [hbm4b:s24+s25], $0x1900, $0x38;
	[tilespmem:$0x11C60] =	vst v63  }
0xed: {  	_ =	swait.ge [sflag:s21], $0x1900  }
0xee: {  	[sflag:s21] =	ssyncset.done $0x0  }
0xef: {  	s31 =	simm.s32 $0x103A0;
	[sflag:s21] =	ssyncadd.s32 $0xFFFFE700  }
0xf0: {  	v1 =	vld [tilespmem:s31+$0x30]  }
0xf1: {  	v2 =	vld [tilespmem:s31+$0xFFFFFFD0]  }
0xf2: {  	v3 =	vld [tilespmem:s31+$0xFFFFFFE0]  }
0xf3: {  	v4 =	vld [tilespmem:s31+$0xFFFFFFF0]  }
0xf4: {  	v5 =	vld [tilespmem:s31+$0x0]  }
0xf5: {  	v6 =	vld [tilespmem:s31+$0x10];
	v7 =	vshrl.u32 v1, $0x10  }
0xf6: {  	v12 =	vld [tilespmem:s31+$0xFFFFFFC0];
	v8 =	vshrl.u32 v2, $0x10  }
0xf7: {  	v9 =	vld [tilespmem:s31+$0x20];
	v10 =	vshrl.u32 v3, $0x10  }
0xf8: {  	v11 =	vshrl.u32 v4, $0x10  }
0xf9: {  	v13 =	vshrl.u32 v5, $0x10  }
0xfa: {  	v14 =	vshrl.u32 v6, $0x10;
	v15 =	vld.idx.msk [tilespmem:v7+s2+$0x0], $0xffff  }
0xfb: {  	v21 =	vshrl.u32 v12, $0x10;
	v16 =	vld.idx.msk [tilespmem:v8+s2+$0x0], $0xffff  }
0xfc: {  	v17 =	vshrl.u32 v9, $0x10;
	v18 =	vld.idx.msk [tilespmem:v10+s2+$0x0], $0xffff  }
0xfd: {  	v1 =	vand.u32 $0xFFFF, v1;
	v19 =	vld.idx.msk [tilespmem:v11+s2+$0x0], $0xffff  }
0xfe: {  	v2 =	vand.u32 $0xFFFF, v2;
	v20 =	vld.idx.msk [tilespmem:v13+s2+$0x0], $0xffff  }
0xff: {  	v3 =	vand.u32 $0xFFFF, v3;
	v22 =	vld.idx.msk [tilespmem:v14+s2+$0x0], $0xffff  }
0x100: {  	v4 =	vand.u32 $0xFFFF, v4;
	v40 =	vld.idx.msk [tilespmem:v21+s2+$0x0], $0xffff  }
0x101: {  	v12 =	vand.u32 $0xFFFF, v12;
	v23 =	vld.idx.msk [tilespmem:v17+s2+$0x0], $0xffff;
	v24 =	vshll.u32 v15, $0x10  }
0x102: {  	v5 =	vand.u32 $0xFFFF, v5;
	v39 =	vshll.u32 v16, $0x10;
	[tilespmem:v1+s17+$0x0] =	vst.idx.add.f32.msk $0xffff, v24  }
0x103: {  	v6 =	vand.u32 $0xFFFF, v6;
	v41 =	vshll.u32 v18, $0x10;
	[tilespmem:v2+s17+$0x0] =	vst.idx.add.f32.msk $0xffff, v39  }
0x104: {  	v43 =	vshll.u32 v19, $0x10;
	[tilespmem:v3+s17+$0x0] =	vst.idx.add.f32.msk $0xffff, v41  }
0x105: {  	v45 =	vshll.u32 v40, $0x10;
	[tilespmem:v4+s17+$0x0] =	vst.idx.add.f32.msk $0xffff, v43  }
0x106: {  	v47 =	vshll.u32 v20, $0x10;
	[tilespmem:v12+s17+$0x0] =	vst.idx.add.f32.msk $0xffff, v45  }
0x107: {  	v49 =	vshll.u32 v22, $0x10;
	[tilespmem:v5+s17+$0x0] =	vst.idx.add.f32.msk $0xffff, v47  }
0x108: {  	v15 =	vand.u32 $0xFFFF0000, v15;
	[tilespmem:v6+s17+$0x0] =	vst.idx.add.f32.msk $0xffff, v49  }
0x109: {  	v16 =	vand.u32 $0xFFFF0000, v16;
	[tilespmem:v1+s18+$0x0] =	vst.idx.add.f32.msk $0xffff, v15  }
0x10a: {  	v42 =	vand.u32 $0xFFFF0000, v18;
	[tilespmem:v2+s18+$0x0] =	vst.idx.add.f32.msk $0xffff, v16  }
0x10b: {  	v46 =	vand.u32 $0xFFFF0000, v19;
	[tilespmem:v3+s18+$0x0] =	vst.idx.add.f32.msk $0xffff, v42  }
0x10c: {  	v48 =	vand.u32 $0xFFFF0000, v20;
	[tilespmem:v4+s18+$0x0] =	vst.idx.add.f32.msk $0xffff, v46  }
0x10d: {  	v50 =	vand.u32 $0xFFFF0000, v22;
	[tilespmem:v5+s18+$0x0] =	vst.idx.add.f32.msk $0xffff, v48  }
0x10e: {  	[tilespmem:v6+s18+$0x0] =	vst.idx.add.f32.msk $0xffff, v50  }
0x10f: {  	v7 =	vld.idx.msk [tilespmem:v7+s14+$0x0], $0xffff  }
0x110: {  	v8 =	vld.idx.msk [tilespmem:v8+s14+$0x0], $0xffff  }
0x111: {  	v54 =	vld.idx.msk [tilespmem:v10+s14+$0x0], $0xffff  }
0x112: {  	v55 =	vld.idx.msk [tilespmem:v11+s14+$0x0], $0xffff  }
0x113: {  	v56 =	vld.idx.msk [tilespmem:v13+s14+$0x0], $0xffff  }
0x114: {  	v57 =	vld.idx.msk [tilespmem:v14+s14+$0x0], $0xffff;
	v44 =	vshll.u32 v7, $0x10  }
0x115: {  	v60 =	vshll.u32 v8, $0x10;
	[tilespmem:v1+s19+$0x0] =	vst.idx.add.f32.msk $0xffff, v44  }
0x116: {  	v62 =	vshll.u32 v54, $0x10;
	[tilespmem:v2+s19+$0x0] =	vst.idx.add.f32.msk $0xffff, v60  }
0x117: {  	v63 =	vshll.u32 v55, $0x10;
	[tilespmem:v3+s19+$0x0] =	vst.idx.add.f32.msk $0xffff, v62  }
0x118: {  	v7 =	vand.u32 $0xFFFF0000, v7;
	[tilespmem:v4+s19+$0x0] =	vst.idx.add.f32.msk $0xffff, v63  }
0x119: {  	v61 =	vand.u32 $0xFFFF0000, v8;
	[tilespmem:v1+s20+$0x0] =	vst.idx.add.f32.msk $0xffff, v7  }
0x11a: {  	v1 =	vand.u32 $0xFFFF0000, v40;
	[tilespmem:v2+s20+$0x0] =	vst.idx.add.f32.msk $0xffff, v61  }
0x11b: {  	v2 =	vand.u32 $0xFFFF0000, v54;
	[tilespmem:v12+s18+$0x0] =	vst.idx.add.f32.msk $0xffff, v1;
	v1 =	vand.u32 $0xFFFF, v9  }
0x11c: {  	[tilespmem:v3+s20+$0x0] =	vst.idx.add.f32.msk $0xffff, v2  }
0x11d: {  	v2 =	vand.u32 $0xFFFF0000, v55;
	v53 =	vld.idx.msk [tilespmem:v21+s14+$0x0], $0xffff  }
0x11e: {  	v3 =	vshll.u32 v56, $0x10;
	[tilespmem:v4+s20+$0x0] =	vst.idx.add.f32.msk $0xffff, v2  }
0x11f: {  	v51 =	vshll.u32 v23, $0x10;
	[tilespmem:v5+s19+$0x0] =	vst.idx.add.f32.msk $0xffff, v3  }
0x120: {  	v52 =	vand.u32 $0xFFFF0000, v23;
	[tilespmem:v1+s17+$0x0] =	vst.idx.add.f32.msk $0xffff, v51  }
0x121: {  	[tilespmem:v1+s18+$0x0] =	vst.idx.add.f32.msk $0xffff, v52  }
0x122: {  	v2 =	vand.u32 $0xFFFF0000, v56;
	v59 =	vld.idx.msk [tilespmem:v17+s14+$0x0], $0xffff  }
0x123: {  	v3 =	vshll.u32 v57, $0x10;
	[tilespmem:v5+s20+$0x0] =	vst.idx.add.f32.msk $0xffff, v2  }
0x124: {  	v4 =	vand.u32 $0xFFFF0000, v57;
	[tilespmem:v6+s19+$0x0] =	vst.idx.add.f32.msk $0xffff, v3  }
0x125: {  	[tilespmem:v6+s20+$0x0] =	vst.idx.add.f32.msk $0xffff, v4;
	v58 =	vshll.u32 v53, $0x10  }
0x126: {  	v7 =	vand.u32 $0xFFFF0000, v53;
	[tilespmem:v12+s19+$0x0] =	vst.idx.add.f32.msk $0xffff, v58  }
0x127: {  	s24 =	simm.s32 $0x0;
	s25 =	simm.s32 $0x10420;
	[tilespmem:v12+s20+$0x0] =	vst.idx.add.f32.msk $0xffff, v7;
	v3 =	vshll.u32 v59, $0x10;
	v2 =	vand.u32 $0xFFFF0000, v59  }
.LBB2_7:
0x128: {  	v4 =	vld [tilespmem:s25+$0x30]  }
0x129: {  	v5 =	vld [tilespmem:s25+$0xFFFFFFD0]  }
0x12a: {  	s24 =	sadd.s32 $0x8, s24;
	v6 =	vld [tilespmem:s25+$0xFFFFFFE0]  }
0x12b: {  	p1 =	slt.u32 s24, $0x188;
	v7 =	vld [tilespmem:s25+$0xFFFFFFF0]  }
0x12c: {  	v8 =	vld [tilespmem:s25+$0x0]  }
0x12d: {  	v9 =	vld [tilespmem:s25+$0x10];
	v10 =	vshrl.u32 v4, $0x10  }
0x12e: {  	v11 =	vshrl.u32 v5, $0x10;
	v5 =	vand.u32 $0xFFFF, v5;
	v12 =	vld [tilespmem:s25+$0x20]  }
0x12f: {  	v13 =	vld [tilespmem:s25+$0xFFFFFFC0];
	v14 =	vshrl.u32 v6, $0x10;
	v6 =	vand.u32 $0xFFFF, v6  }
0x130: {  	v15 =	vshrl.u32 v7, $0x10;
	v7 =	vand.u32 $0xFFFF, v7;
	[tilespmem:v1+s19+$0x0] =	vst.idx.add.f32.msk $0xffff, v3  }
0x131: {  	v3 =	vshrl.u32 v8, $0x10;
	v8 =	vand.u32 $0xFFFF, v8;
	[tilespmem:v1+s20+$0x0] =	vst.idx.add.f32.msk $0xffff, v2  }
0x132: {  	v2 =	vshrl.u32 v9, $0x10;
	v9 =	vand.u32 $0xFFFF, v9;
	v16 =	vld.idx.msk [tilespmem:v10+s2+$0x0], $0xffff  }
0x133: {  	v17 =	vld.idx.msk [tilespmem:v11+s2+$0x0], $0xffff;
	v18 =	vshrl.u32 v12, $0x10;
	v1 =	vand.u32 $0xFFFF, v12  }
0x134: {  	v4 =	vand.u32 $0xFFFF, v4;
	v12 =	vshrl.u32 v13, $0x10;
	v13 =	vand.u32 $0xFFFF, v13;
	v19 =	vld.idx.msk [tilespmem:v14+s2+$0x0], $0xffff  }
0x135: {  	v20 =	vld.idx.msk [tilespmem:v15+s2+$0x0], $0xffff  }
0x136: {  	v21 =	vld.idx.msk [tilespmem:v3+s2+$0x0], $0xffff  }
0x137: {  	v22 =	vld.idx.msk [tilespmem:v2+s2+$0x0], $0xffff  }
0x138: {  	v24 =	vshll.u32 v16, $0x10;
	v23 =	vld.idx.msk [tilespmem:v18+s2+$0x0], $0xffff  }
0x139: {  	v16 =	vand.u32 $0xFFFF0000, v16;
	v25 =	vshll.u32 v17, $0x10;
	v17 =	vand.u32 $0xFFFF0000, v17;
	[tilespmem:v4+s17+$0x0] =	vst.idx.add.f32.msk $0xffff, v24  }
0x13a: {  	v24 =	vshll.u32 v19, $0x10;
	v19 =	vand.u32 $0xFFFF0000, v19;
	[tilespmem:v4+s18+$0x0] =	vst.idx.add.f32.msk $0xffff, v16  }
0x13b: {  	v16 =	vshll.u32 v20, $0x10;
	v20 =	vand.u32 $0xFFFF0000, v20;
	v10 =	vld.idx.msk [tilespmem:v10+s14+$0x0], $0xffff  }
0x13c: {  	v27 =	vshll.u32 v21, $0x10;
	v21 =	vand.u32 $0xFFFF0000, v21;
	v26 =	vld.idx.msk [tilespmem:v12+s2+$0x0], $0xffff  }
0x13d: {  	[tilespmem:v5+s17+$0x0] =	vst.idx.add.f32.msk $0xffff, v25;
	v25 =	vshll.u32 v22, $0x10;
	v22 =	vand.u32 $0xFFFF0000, v22  }
0x13e: {  	[tilespmem:v5+s18+$0x0] =	vst.idx.add.f32.msk $0xffff, v17;
	v17 =	vshll.u32 v23, $0x10;
	v23 =	vand.u32 $0xFFFF0000, v23  }
0x13f: {  	[tilespmem:v6+s17+$0x0] =	vst.idx.add.f32.msk $0xffff, v24  }
0x140: {  	[tilespmem:v6+s18+$0x0] =	vst.idx.add.f32.msk $0xffff, v19  }
0x141: {  	[tilespmem:v7+s17+$0x0] =	vst.idx.add.f32.msk $0xffff, v16;
	v16 =	vshll.u32 v10, $0x10  }
0x142: {  	v19 =	vshll.u32 v26, $0x10;
	v24 =	vand.u32 $0xFFFF0000, v26;
	v10 =	vand.u32 $0xFFFF0000, v10;
	[tilespmem:v4+s19+$0x0] =	vst.idx.add.f32.msk $0xffff, v16  }
0x143: {  	[tilespmem:v4+s20+$0x0] =	vst.idx.add.f32.msk $0xffff, v10  }
0x144: {  	[tilespmem:v13+s17+$0x0] =	vst.idx.add.f32.msk $0xffff, v19  }
0x145: {  	[tilespmem:v13+s18+$0x0] =	vst.idx.add.f32.msk $0xffff, v24  }
0x146: {  	[tilespmem:v7+s18+$0x0] =	vst.idx.add.f32.msk $0xffff, v20  }
0x147: {  	[tilespmem:v8+s17+$0x0] =	vst.idx.add.f32.msk $0xffff, v27  }
0x148: {  	[tilespmem:v8+s18+$0x0] =	vst.idx.add.f32.msk $0xffff, v21  }
0x149: {  	[tilespmem:v9+s17+$0x0] =	vst.idx.add.f32.msk $0xffff, v25  }
0x14a: {  	[tilespmem:v9+s18+$0x0] =	vst.idx.add.f32.msk $0xffff, v22  }
0x14b: {  	[tilespmem:v1+s17+$0x0] =	vst.idx.add.f32.msk $0xffff, v17  }
0x14c: {  	[tilespmem:v1+s18+$0x0] =	vst.idx.add.f32.msk $0xffff, v23  }
0x14d: {  	v4 =	vld.idx.msk [tilespmem:v12+s14+$0x0], $0xffff  }
0x14e: {  	v10 =	vld.idx.msk [tilespmem:v11+s14+$0x0], $0xffff  }
0x14f: {  	v11 =	vld.idx.msk [tilespmem:v14+s14+$0x0], $0xffff  }
0x150: {  	v12 =	vld.idx.msk [tilespmem:v15+s14+$0x0], $0xffff  }
0x151: {  	v3 =	vld.idx.msk [tilespmem:v3+s14+$0x0], $0xffff  }
0x152: {  	v2 =	vld.idx.msk [tilespmem:v2+s14+$0x0], $0xffff  }
0x153: {  	v14 =	vshll.u32 v4, $0x10;
	v4 =	vand.u32 $0xFFFF0000, v4;
	v15 =	vld.idx.msk [tilespmem:v18+s14+$0x0], $0xffff  }
0x154: {  	[tilespmem:v13+s19+$0x0] =	vst.idx.add.f32.msk $0xffff, v14;
	v14 =	vshll.u32 v10, $0x10;
	v10 =	vand.u32 $0xFFFF0000, v10  }
0x155: {  	[tilespmem:v13+s20+$0x0] =	vst.idx.add.f32.msk $0xffff, v4;
	v4 =	vshll.u32 v11, $0x10;
	v11 =	vand.u32 $0xFFFF0000, v11  }
0x156: {  	v13 =	vshll.u32 v12, $0x10;
	v12 =	vand.u32 $0xFFFF0000, v12;
	[tilespmem:v5+s19+$0x0] =	vst.idx.add.f32.msk $0xffff, v14  }
0x157: {  	[tilespmem:v5+s20+$0x0] =	vst.idx.add.f32.msk $0xffff, v10;
	v5 =	vshll.u32 v3, $0x10;
	v10 =	vand.u32 $0xFFFF0000, v3  }
0x158: {  	v14 =	vand.u32 $0xFFFF0000, v2;
	[tilespmem:v6+s19+$0x0] =	vst.idx.add.f32.msk $0xffff, v4;
	v4 =	vshll.u32 v2, $0x10  }
0x159: {  	v3 =	vshll.u32 v15, $0x10;
	v2 =	vand.u32 $0xFFFF0000, v15;
	[tilespmem:v6+s20+$0x0] =	vst.idx.add.f32.msk $0xffff, v11  }
0x15a: {  	[tilespmem:v7+s19+$0x0] =	vst.idx.add.f32.msk $0xffff, v13  }
.Ltmp4:
0x15b: {  	[tilespmem:v7+s20+$0x0] =	vst.idx.add.f32.msk $0xffff, v12;
	(pc) =	sbr.rel @p1 .LBB2_7-.Ltmp4, $4  }
0x15c: {  	[tilespmem:v8+s19+$0x0] =	vst.idx.add.f32.msk $0xffff, v5  }
0x15d: {  	[tilespmem:v8+s20+$0x0] =	vst.idx.add.f32.msk $0xffff, v10  }
0x15e: {  	[tilespmem:v9+s19+$0x0] =	vst.idx.add.f32.msk $0xffff, v4  }
0x15f: {  	s25 =	sadd.s32 $0x80, s25;
	[tilespmem:v9+s20+$0x0] =	vst.idx.add.f32.msk $0xffff, v14  }
0x160: {  	_ = 	snop  }
.Ltmp5:
0x161: {  	_ = 	snop;
	(pc) =	sbr.rel @p0 .LBB2_10-.Ltmp5, $3  }
0x162: {  	_ =	sdelay $0x1  }
0x163: {  	[tilespmem:v1+s19+$0x0] =	vst.idx.add.f32.msk $0xffff, v3  }
0x164: {  	[tilespmem:v1+s20+$0x0] =	vst.idx.add.f32.msk $0xffff, v2  }
0x165: {  	s24 =	smul.u32 $0x3200, s23  }
.Ltmp6:
0x166: {  	_ = 	snop;
	(pc) =	sbr.rel .LBB2_4-.Ltmp6, $4  }
0x167: {  	s24 =	sshrl.u32 s24, $0x3  }
0x168: {  	s24 =	sadd.s32 s3, s24  }
0x169: {  	s23 =	sadd.s32 $0x1, s23;
	s24 =	sadd.s32 $0x960, s24  }
0x16a: {  	[tilespmem:s13], [sflag:$0x2] =	stream.linear.gather [hbm4b:s24+s2], $0x1900, $0x38;
	[tilespmem:$0x11C60] =	vst v63  }
.LBB2_11:
0x16b: {  	_ =	sfence.sel $0x180000  }
0x16c: {  	[bflag:$0x0] =	sbarrier.arrive $0xFFFF  }
0x16d: {  	p0 =	sne.s32 s1, $0x0;
	_ =	strace $0x90000047  }
0x16e: {  	s0 =	sadd.s32 @!p0 $0x100000, s0;
	[bflag:$0x2] =	sbarrier.arrive $0xFFFF  }
0x16f: {  	[sflag:s0] =	ssyncadd.tile.s32 @!p0 $0x1;
	_ =	shalt  }
.Lfunc_end2:
_tile_overlayer_lowered:
.L_overlay_start_2:
0x170: {  	(tag) =	ssettag $0x2  }
0x171: {  	s0 =	rddreg [dreg:$0x0];
	s2 =	stileid.u32  }
0x172: {  	s1 =	rddreg [dreg:$0x1];
	p0 =	sne.s32 s2, $0x0  }
0x173: {  	s3 =	rddreg [dreg:$0x2];
	[bflag:$0x3] =	sbarrier.arrive $0xFFFF;
	s2 =	simm.s32 @!p0 $0x1C04  }
0x174: {  	[timem:s3], [sflag:s2] =	dma.local @!p0 [hbm:s0], s1  }
0x175: {  	s0 =	simm.s32 @!p0 $0x4  }
0x176: {  	_ =	swait.ge @!p0 [sflag:s0], s1  }
0x177: {  	s1 =	ssub.s32 @!p0 $0x0, s1;
	[sflag:s0] =	ssyncset.done @!p0 $0x0  }
0x178: {  	[sflag:s0] =	ssyncadd.s32 @!p0 s1  }
0x179: {  	[bflag:$0x3] =	sbarrier.arrive $0xFFFF  }
0x17a: {  	_ =	shalt  }

</sc_bundles>
